<compile_context>
chip_gen: v7x
topology: tpu7x:2x2x1
jax: 0.10.2.dev20260603
libtpu: 0.0.44.dev20260713+nightly
codegen_flags: <defaults>
</compile_context>

<pallas_src>
import functools

import jax
import jax.numpy as jnp
from jax import lax
from jax.experimental import pallas as pl
from jax.experimental.pallas import tpu as pltpu
from jax.experimental.pallas import tpu_sc as plsc

N_NODES = 10000
N_EDGES = 160000
D_IN = 256
D_OUT = 256
N_ETYPES = 4

NC = 2
NS = 16
LANES = 16

CHUNK = 128
NROWS = 1280
E_PAD = NROWS * CHUNK
ROWS_PER_TILE = NROWS // NS
NSEG = 5
SEG_ROWS = ROWS_PER_TILE // NSEG
NBUF = 2
ACC_ROWS = 10240
STRIPE = ACC_ROWS // NS
HALF = D_OUT // 2

BN = 10000
EBLK = 320


def _tc_body(x_ref, w_ref, b_ref, src_ref, et_ref, h_ref, g_ref):
    acc = lax.dot_general(
        x_ref[...], w_ref[0],
        dimension_numbers=(((1,), (1,)), ((), ())),
        preferred_element_type=jnp.float32,
    )
    h_ref[0] = acc + b_ref[0, 0, 0][None, :]
    c = pl.program_id(1)
    g_ref[0] = et_ref[...] * N_NODES + src_ref[...] + c * (N_ETYPES * N_NODES)


def _make_table_gidx(x, Ws, bs, src2, et2):
    bs4 = jnp.broadcast_to(
        bs.reshape(N_ETYPES, NC, HALF).transpose(1, 0, 2)[:, :, None, :],
        (NC, N_ETYPES, 8, HALF))
    nb = N_NODES // BN
    erows = NROWS // nb
    grid = (nb, NC, N_ETYPES)
    H2, gidx = pl.pallas_call(
        _tc_body,
        grid=grid,
        in_specs=[
            pl.BlockSpec((BN, D_IN), lambda n, c, t: (n, 0)),
            pl.BlockSpec((1, HALF, D_IN), lambda n, c, t: (t, c, 0)),
            pl.BlockSpec((1, 1, 8, HALF), lambda n, c, t: (c, t, 0, 0)),
            pl.BlockSpec((erows, CHUNK), lambda n, c, t: (n, 0)),
            pl.BlockSpec((erows, CHUNK), lambda n, c, t: (n, 0)),
        ],
        out_specs=[
            pl.BlockSpec((1, BN, HALF), lambda n, c, t: (c, t * nb + n, 0)),
            pl.BlockSpec((1, erows, CHUNK), lambda n, c, t: (c, n, 0)),
        ],
        out_shape=[
            jax.ShapeDtypeStruct((NC, N_ETYPES * N_NODES, HALF), jnp.float32),
            jax.ShapeDtypeStruct((NC, NROWS, CHUNK), jnp.int32),
        ],
    )(x, Ws, bs4, src2, et2)
    return (H2.reshape(NC * N_ETYPES * N_NODES, HALF),
            gidx.reshape(NC * NROWS, CHUNK))


def _sc_kernel_body(h_hbm, gidx_hbm, dst_hbm, out_hbm,
                    gidx_v, dst_v, rows_v, acc, gsem0, gsem1, stsem):
    c = lax.axis_index("c")
    s = lax.axis_index("s")
    base = s * ROWS_PER_TILE
    gsems = [gsem0, gsem1]

    def _gather(p, ch, b):
        pltpu.async_copy(h_hbm.at[gidx_v.at[p, ch]], rows_v.at[b], gsems[b])

    def _gather_wait(p, ch, b):
        pltpu.make_async_copy(h_hbm.at[gidx_v.at[p, ch]], rows_v.at[b],
                              gsems[b]).wait()

    def _stage_start(seg, p):
        r0 = base + seg * SEG_ROWS
        pltpu.async_copy(gidx_hbm.at[pl.ds(c * NROWS + r0, SEG_ROWS)],
                         gidx_v.at[p], stsem)
        pltpu.async_copy(dst_hbm.at[pl.ds(r0, SEG_ROWS)], dst_v.at[p], stsem)

    def _stage_wait(seg, p):
        r0 = base + seg * SEG_ROWS
        pltpu.make_async_copy(gidx_hbm.at[pl.ds(c * NROWS + r0, SEG_ROWS)],
                              gidx_v.at[p], stsem).wait()
        pltpu.make_async_copy(dst_hbm.at[pl.ds(r0, SEG_ROWS)],
                              dst_v.at[p], stsem).wait()

    pltpu.sync_copy(gidx_hbm.at[pl.ds(c * NROWS + base, SEG_ROWS)], gidx_v.at[0])
    pltpu.sync_copy(dst_hbm.at[pl.ds(base, SEG_ROWS)], dst_v.at[0])
    _gather(0, 0, 0)
    _stage_start(1, 1)

    def _zb(i, _):
        rows_v[1, i // 8, pl.ds((i % 8) * LANES, LANES)] = jnp.zeros((LANES,), jnp.float32)
        return 0
    lax.fori_loop(0, CHUNK * 8, _zb, 0)

    def _za(m, _):
        pltpu.sync_copy(rows_v.at[1], acc.at[pl.ds(s * STRIPE + m * CHUNK, CHUNK)])
        return 0
    lax.fori_loop(0, STRIPE // CHUNK, _za, 0)

    plsc.subcore_barrier()
    _gather(0, 1, 1)

    for seg in range(NSEG):
        p = seg % 2

        def _mb(j, _):
            for b in range(NBUF):
                ch = j * NBUF + b
                _gather_wait(p, ch, b)
                pltpu.sync_copy(rows_v.at[b], acc.at[dst_v.at[p, ch]], add=True)
                _gather(p, ch + NBUF, b)
            return 0
        lax.fori_loop(0, SEG_ROWS // NBUF - 1, _mb, 0)

        if seg + 1 < NSEG:
            _stage_wait(seg + 1, 1 - p)
            for b in range(NBUF):
                ch = SEG_ROWS - NBUF + b
                _gather_wait(p, ch, b)
                pltpu.sync_copy(rows_v.at[b], acc.at[dst_v.at[p, ch]], add=True)
                _gather(1 - p, b, b)
            if seg + 2 < NSEG:
                _stage_start(seg + 2, p)
        else:
            for b in range(NBUF):
                ch = SEG_ROWS - NBUF + b
                _gather_wait(p, ch, b)
                pltpu.sync_copy(rows_v.at[b], acc.at[dst_v.at[p, ch]], add=True)

    plsc.subcore_barrier()
    pltpu.sync_copy(acc.at[pl.ds(s * STRIPE, STRIPE)],
                    out_hbm.at[pl.ds(c * ACC_ROWS + s * STRIPE, STRIPE)])


_sc_kernel = functools.partial(
    pl.kernel,
    out_type=jax.ShapeDtypeStruct((NC * ACC_ROWS, HALF), jnp.float32),
    mesh=plsc.VectorSubcoreMesh(core_axis_name="c", subcore_axis_name="s",
                                num_cores=NC, num_subcores=NS),
    scratch_types=[
        pltpu.VMEM((2, SEG_ROWS, CHUNK), jnp.int32),
        pltpu.VMEM((2, SEG_ROWS, CHUNK), jnp.int32),
        pltpu.VMEM((NBUF, CHUNK, HALF), jnp.float32),
        pltpu.VMEM_SHARED((ACC_ROWS, HALF), jnp.float32),
        pltpu.SemaphoreType.DMA, pltpu.SemaphoreType.DMA,
        pltpu.SemaphoreType.DMA,
    ],
)(_sc_kernel_body)


@jax.jit
def kernel(x, edge_index, edge_types, Ws, bs):
    src = edge_index[0].astype(jnp.int32)
    dst = edge_index[1].astype(jnp.int32)
    et = edge_types.astype(jnp.int32)

    pad = E_PAD - N_EDGES
    src2 = jnp.concatenate([src, jnp.zeros((pad,), jnp.int32)]).reshape(-1, CHUNK)
    et2 = jnp.concatenate([et, jnp.zeros((pad,), jnp.int32)]).reshape(-1, CHUNK)
    dst_p = jnp.concatenate([dst, jnp.full((pad,), N_NODES, jnp.int32)]).reshape(-1, CHUNK)

    table, gidx = _make_table_gidx(x, Ws, bs, src2, et2)
    o = _sc_kernel(table, gidx, dst_p)
    return jnp.concatenate([o[:N_NODES], o[ACC_ROWS:ACC_ROWS + N_NODES]], axis=1)

# --- scband reference (transcript-rebuilt; emitter-appended) ---
"""Pipeline reference for scband-multi-edge-gcnlayer-81157702025496 (READ-ONLY COPY).

The authoritative reference and input builder live on the scoring server;
editing this copy changes nothing except your own understanding.
"""

import jax, jax.numpy as jnp
import numpy as np

N_NODES = 10000
N_EDGES = 160000
D_IN = 256
D_OUT = 256
N_ETYPES = 4


def setup_inputs(seed: int = 0) -> dict:
    key = jax.random.key(seed)
    k1, k2, k3, k4, k5 = jax.random.split(key, 5)
    x = jax.random.normal(k1, (N_NODES, D_IN), dtype=jnp.float32)
    edge_index = jax.random.randint(k2, (2, N_EDGES), 0, N_NODES)
    edge_types = jax.random.randint(k3, (N_EDGES,), 0, N_ETYPES)
    # Per-etype Linear(in_feats, out_feats): weight [T, D_OUT, D_IN], bias [T, D_OUT]
    bound = 1.0 / np.sqrt(D_IN)
    Ws = jax.random.uniform(k4, (N_ETYPES, D_OUT, D_IN), dtype=jnp.float32, minval=-bound, maxval=bound)
    bs = jax.random.uniform(k5, (N_ETYPES, D_OUT), dtype=jnp.float32, minval=-bound, maxval=bound)
    return {"x": x, "edge_index": edge_index, "edge_types": edge_types, "Ws": Ws, "bs": bs}


def reference(x, edge_index, edge_types, Ws, bs):
    N = x.shape[0]
    src = edge_index[0]
    dst = edge_index[1]
    xs = jnp.take(x, src, axis=0)  # gather source node features [E, D_IN]
    out = jnp.zeros((N, Ws.shape[1]), dtype=x.dtype)
    for i in range(Ws.shape[0]):
        mask = (edge_types == i).astype(x.dtype)[:, None]
        # Linear applied to source features; masking zeros out contributions
        # (including bias) of edges of other types, matching the torch per-mask
        # gather -> linear -> scatter_add semantics.
        msg = (xs @ Ws[i].T + bs[i]) * mask
        out = out + jax.ops.segment_sum(msg, dst, num_segments=N)
    return out

if __name__ == "__main__":
    import jax
    _d = setup_inputs()
    print(jax.jit(kernel)(*tuple(_d.values())))

</pallas_src>

<mosaic_0001>
#map = affine_map<(d0, d1) -> (0, 0)>
module attributes {stable_mosaic.version = 14 : i64} {
  func.func @_sc_kernel_body(%arg0: i32, %arg1: i32, %arg2: memref<80000x128xf32, #tpu.memory_space<hbm>>, %arg3: memref<2560x128xi32, #tpu.memory_space<hbm>>, %arg4: memref<1280x128xi32, #tpu.memory_space<hbm>>, %arg5: memref<20480x128xf32, #tpu.memory_space<hbm>>, %arg6: memref<2x16x128xi32, #tpu.memory_space<vmem>>, %arg7: memref<2x16x128xi32, #tpu.memory_space<vmem>>, %arg8: memref<2x128x128xf32, #tpu.memory_space<vmem>>, %arg9: memref<10240x128xf32, #tpu.memory_space<vmem_shared>>, %arg10: memref<!tpu.dma_semaphore, #tpu.memory_space<semaphore_mem>>, %arg11: memref<!tpu.dma_semaphore, #tpu.memory_space<semaphore_mem>>, %arg12: memref<!tpu.dma_semaphore, #tpu.memory_space<semaphore_mem>>) attributes {dimension_semantics = [#tpu.dimension_semantics<core_parallel>, #tpu.dimension_semantics<subcore_parallel>], iteration_bounds = array<i64: 2, 16>, scalar_prefetch = 0 : i64, scratch_operands = 7 : i64, tpu.core_type = #tpu.core_type<sc_vector_subcore>, window_params = [{transform_indices = #map}, {transform_indices = #map}, {transform_indices = #map}, {transform_indices = #map}]} {
    %mul3A = arith.constant 80 : i32
    %mul3A_0 = arith.muli %arg1, %mul3A : i32
    %mul3A_1 = arith.constant 1280 : i32
    %mul3A_2 = arith.muli %arg0, %mul3A_1 : i32
    %add3A = arith.addi %mul3A_2, %mul3A_0 : i32
    %run_scoped3A = arith.constant 0 : i32
    "tpu.region"() ({
      %run_scoped3A_596 = tpu.sem_alloc : memref<!tpu.dma_semaphore, #tpu.memory_space<semaphore_mem>>
      %dma_start3A_597 = arith.constant 0 : i32
      %dma_start3A_598 = arith.constant 0 : i32
      %dma_start3A_599 = tpu.memref_slice %arg6[%run_scoped3A, %dma_start3A_597, %dma_start3A_598] : memref<2x16x128xi32, #tpu.memory_space<vmem>> -> memref<1x16x128xi32, #tpu.memory_space<vmem>>
      %dma_start3A_600 = tpu.memref_squeeze %dma_start3A_599 : memref<1x16x128xi32, #tpu.memory_space<vmem>> -> memref<16x128xi32, #tpu.memory_space<vmem>>
      %dma_start3A_601 = arith.constant 0 : i32
      %dma_start3A_602 = tpu.memref_slice %arg3[%add3A, %dma_start3A_601] : memref<2560x128xi32, #tpu.memory_space<hbm>> -> memref<16x128xi32, #tpu.memory_space<hbm>>
      %dma_start3A_603 = arith.constant 0 : i32
      %dma_start3A_604 = arith.constant 0 : i32
      %dma_start3A_605 = tpu.memref_slice %arg6[%run_scoped3A, %dma_start3A_603, %dma_start3A_604] : memref<2x16x128xi32, #tpu.memory_space<vmem>> -> memref<1x16x128xi32, #tpu.memory_space<vmem>>
      %dma_start3A_606 = tpu.memref_squeeze %dma_start3A_605 : memref<1x16x128xi32, #tpu.memory_space<vmem>> -> memref<16x128xi32, #tpu.memory_space<vmem>>
      %dma_start3A_607 = arith.constant 0 : i32
      %dma_start3A_608 = tpu.memref_slice %arg3[%add3A, %dma_start3A_607] : memref<2560x128xi32, #tpu.memory_space<hbm>> -> memref<16x128xi32, #tpu.memory_space<hbm>>
      tpu.enqueue_dma source(%dma_start3A_608 : memref<16x128xi32, #tpu.memory_space<hbm>>) target(%dma_start3A_606 : memref<16x128xi32, #tpu.memory_space<vmem>>) target_semaphore(%run_scoped3A_596 : memref<!tpu.dma_semaphore, #tpu.memory_space<semaphore_mem>>)
      %dma_wait3A_609 = arith.constant 0 : i32
      %dma_wait3A_610 = arith.constant 0 : i32
      %dma_wait3A_611 = tpu.memref_slice %arg6[%run_scoped3A, %dma_wait3A_609, %dma_wait3A_610] : memref<2x16x128xi32, #tpu.memory_space<vmem>> -> memref<1x16x128xi32, #tpu.memory_space<vmem>>
      %dma_wait3A_612 = tpu.memref_squeeze %dma_wait3A_611 : memref<1x16x128xi32, #tpu.memory_space<vmem>> -> memref<16x128xi32, #tpu.memory_space<vmem>>
      %dma_wait3A_613 = arith.constant 0 : i32
      %dma_wait3A_614 = tpu.memref_slice %arg3[%add3A, %dma_wait3A_613] : memref<2560x128xi32, #tpu.memory_space<hbm>> -> memref<16x128xi32, #tpu.memory_space<hbm>>
      %dma_wait3A_615 = arith.constant 0 : i32
      %dma_wait3A_616 = arith.constant 0 : i32
      %dma_wait3A_617 = tpu.memref_slice %arg6[%run_scoped3A, %dma_wait3A_615, %dma_wait3A_616] : memref<2x16x128xi32, #tpu.memory_space<vmem>> -> memref<1x16x128xi32, #tpu.memory_space<vmem>>
      %dma_wait3A_618 = tpu.memref_squeeze %dma_wait3A_617 : memref<1x16x128xi32, #tpu.memory_space<vmem>> -> memref<16x128xi32, #tpu.memory_space<vmem>>
      %dma_wait3A_619 = arith.constant 0 : i32
      %dma_wait3A_620 = tpu.memref_slice %arg3[%add3A, %dma_wait3A_619] : memref<2560x128xi32, #tpu.memory_space<hbm>> -> memref<16x128xi32, #tpu.memory_space<hbm>>
      tpu.wait_dma2 semaphore(%run_scoped3A_596 : memref<!tpu.dma_semaphore, #tpu.memory_space<semaphore_mem>>) src(%dma_wait3A_620 : memref<16x128xi32, #tpu.memory_space<hbm>>) dst(%dma_wait3A_618 : memref<16x128xi32, #tpu.memory_space<vmem>>)
      tpu.yield
    }) : () -> ()
    %run_scoped3A_3 = arith.constant 0 : i32
    "tpu.region"() ({
      %run_scoped3A_596 = tpu.sem_alloc : memref<!tpu.dma_semaphore, #tpu.memory_space<semaphore_mem>>
      %dma_start3A_597 = arith.constant 0 : i32
      %dma_start3A_598 = arith.constant 0 : i32
      %dma_start3A_599 = tpu.memref_slice %arg7[%run_scoped3A_3, %dma_start3A_597, %dma_start3A_598] : memref<2x16x128xi32, #tpu.memory_space<vmem>> -> memref<1x16x128xi32, #tpu.memory_space<vmem>>
      %dma_start3A_600 = tpu.memref_squeeze %dma_start3A_599 : memref<1x16x128xi32, #tpu.memory_space<vmem>> -> memref<16x128xi32, #tpu.memory_space<vmem>>
      %dma_start3A_601 = arith.constant 0 : i32
      %dma_start3A_602 = tpu.memref_slice %arg4[%mul3A_0, %dma_start3A_601] : memref<1280x128xi32, #tpu.memory_space<hbm>> -> memref<16x128xi32, #tpu.memory_space<hbm>>
      %dma_start3A_603 = arith.constant 0 : i32
      %dma_start3A_604 = arith.constant 0 : i32
      %dma_start3A_605 = tpu.memref_slice %arg7[%run_scoped3A_3, %dma_start3A_603, %dma_start3A_604] : memref<2x16x128xi32, #tpu.memory_space<vmem>> -> memref<1x16x128xi32, #tpu.memory_space<vmem>>
      %dma_start3A_606 = tpu.memref_squeeze %dma_start3A_605 : memref<1x16x128xi32, #tpu.memory_space<vmem>> -> memref<16x128xi32, #tpu.memory_space<vmem>>
      %dma_start3A_607 = arith.constant 0 : i32
      %dma_start3A_608 = tpu.memref_slice %arg4[%mul3A_0, %dma_start3A_607] : memref<1280x128xi32, #tpu.memory_space<hbm>> -> memref<16x128xi32, #tpu.memory_space<hbm>>
      tpu.enqueue_dma source(%dma_start3A_608 : memref<16x128xi32, #tpu.memory_space<hbm>>) target(%dma_start3A_606 : memref<16x128xi32, #tpu.memory_space<vmem>>) target_semaphore(%run_scoped3A_596 : memref<!tpu.dma_semaphore, #tpu.memory_space<semaphore_mem>>)
      %dma_wait3A_609 = arith.constant 0 : i32
      %dma_wait3A_610 = arith.constant 0 : i32
      %dma_wait3A_611 = tpu.memref_slice %arg7[%run_scoped3A_3, %dma_wait3A_609, %dma_wait3A_610] : memref<2x16x128xi32, #tpu.memory_space<vmem>> -> memref<1x16x128xi32, #tpu.memory_space<vmem>>
      %dma_wait3A_612 = tpu.memref_squeeze %dma_wait3A_611 : memref<1x16x128xi32, #tpu.memory_space<vmem>> -> memref<16x128xi32, #tpu.memory_space<vmem>>
      %dma_wait3A_613 = arith.constant 0 : i32
      %dma_wait3A_614 = tpu.memref_slice %arg4[%mul3A_0, %dma_wait3A_613] : memref<1280x128xi32, #tpu.memory_space<hbm>> -> memref<16x128xi32, #tpu.memory_space<hbm>>
      %dma_wait3A_615 = arith.constant 0 : i32
      %dma_wait3A_616 = arith.constant 0 : i32
      %dma_wait3A_617 = tpu.memref_slice %arg7[%run_scoped3A_3, %dma_wait3A_615, %dma_wait3A_616] : memref<2x16x128xi32, #tpu.memory_space<vmem>> -> memref<1x16x128xi32, #tpu.memory_space<vmem>>
      %dma_wait3A_618 = tpu.memref_squeeze %dma_wait3A_617 : memref<1x16x128xi32, #tpu.memory_space<vmem>> -> memref<16x128xi32, #tpu.memory_space<vmem>>
      %dma_wait3A_619 = arith.constant 0 : i32
      %dma_wait3A_620 = tpu.memref_slice %arg4[%mul3A_0, %dma_wait3A_619] : memref<1280x128xi32, #tpu.memory_space<hbm>> -> memref<16x128xi32, #tpu.memory_space<hbm>>
      tpu.wait_dma2 semaphore(%run_scoped3A_596 : memref<!tpu.dma_semaphore, #tpu.memory_space<semaphore_mem>>) src(%dma_wait3A_620 : memref<16x128xi32, #tpu.memory_space<hbm>>) dst(%dma_wait3A_618 : memref<16x128xi32, #tpu.memory_space<vmem>>)
      tpu.yield
    }) : () -> ()
    %dma_start3A = arith.constant 0 : i32
    %dma_start3A_4 = arith.constant 0 : i32
    %dma_start3A_5 = arith.constant 0 : i32
    %dma_start3A_6 = arith.constant 0 : i32
    %dma_start3A_7 = arith.constant 0 : i32
    %dma_start3A_8 = tpu.memref_slice %arg8[%dma_start3A_5, %dma_start3A_6, %dma_start3A_7] : memref<2x128x128xf32, #tpu.memory_space<vmem>> -> memref<1x128x128xf32, #tpu.memory_space<vmem>>
    %dma_start3A_9 = tpu.memref_squeeze %dma_start3A_8 : memref<1x128x128xf32, #tpu.memory_space<vmem>> -> memref<128x128xf32, #tpu.memory_space<vmem>>
    %dma_start3A_10 = arith.constant 0 : i32
    %dma_start3A_11 = tpu.memref_slice %arg6[%dma_start3A, %dma_start3A_4, %dma_start3A_10] : memref<2x16x128xi32, #tpu.memory_space<vmem>> -> memref<1x1x128xi32, #tpu.memory_space<vmem>>
    %dma_start3A_12 = tpu.memref_squeeze %dma_start3A_11 : memref<1x1x128xi32, #tpu.memory_space<vmem>> -> memref<128xi32, #tpu.memory_space<vmem>>
    %dma_start3A_13 = arith.constant 0 : i32
    %dma_start3A_14 = arith.constant 0 : i32
    %dma_start3A_15 = tpu.memref_slice %arg2[%dma_start3A_13, %dma_start3A_14] : memref<80000x128xf32, #tpu.memory_space<hbm>> -> memref<80000x128xf32, #tpu.memory_space<hbm>>
    tpu.enqueue_indirect_dma source(%dma_start3A_15 : memref<80000x128xf32, #tpu.memory_space<hbm>>) target(%dma_start3A_9 : memref<128x128xf32, #tpu.memory_space<vmem>>) offsets(%dma_start3A_12 : memref<128xi32, #tpu.memory_space<vmem>>) semaphore(%arg10 : memref<!tpu.dma_semaphore, #tpu.memory_space<semaphore_mem>>)
    %add3A_16 = arith.constant 16 : i32
    %add3A_17 = arith.addi %mul3A_0, %add3A_16 : i32
    %mul3A_18 = arith.constant 1280 : i32
    %mul3A_19 = arith.muli %arg0, %mul3A_18 : i32
    %add3A_20 = arith.addi %mul3A_19, %add3A_17 : i32
    %dma_start3A_21 = arith.constant 1 : i32
    %dma_start3A_22 = arith.constant 0 : i32
    %dma_start3A_23 = arith.constant 0 : i32
    %dma_start3A_24 = tpu.memref_slice %arg6[%dma_start3A_21, %dma_start3A_22, %dma_start3A_23] : memref<2x16x128xi32, #tpu.memory_space<vmem>> -> memref<1x16x128xi32, #tpu.memory_space<vmem>>
    %dma_start3A_25 = tpu.memref_squeeze %dma_start3A_24 : memref<1x16x128xi32, #tpu.memory_space<vmem>> -> memref<16x128xi32, #tpu.memory_space<vmem>>
    %dma_start3A_26 = arith.constant 0 : i32
    %dma_start3A_27 = tpu.memref_slice %arg3[%add3A_20, %dma_start3A_26] : memref<2560x128xi32, #tpu.memory_space<hbm>> -> memref<16x128xi32, #tpu.memory_space<hbm>>
    %dma_start3A_28 = arith.constant 0 : i32
    %dma_start3A_29 = arith.constant 0 : i32
    %dma_start3A_30 = tpu.memref_slice %arg6[%dma_start3A_21, %dma_start3A_28, %dma_start3A_29] : memref<2x16x128xi32, #tpu.memory_space<vmem>> -> memref<1x16x128xi32, #tpu.memory_space<vmem>>
    %dma_start3A_31 = tpu.memref_squeeze %dma_start3A_30 : memref<1x16x128xi32, #tpu.memory_space<vmem>> -> memref<16x128xi32, #tpu.memory_space<vmem>>
    %dma_start3A_32 = arith.constant 0 : i32
    %dma_start3A_33 = tpu.memref_slice %arg3[%add3A_20, %dma_start3A_32] : memref<2560x128xi32, #tpu.memory_space<hbm>> -> memref<16x128xi32, #tpu.memory_space<hbm>>
    tpu.enqueue_dma source(%dma_start3A_33 : memref<16x128xi32, #tpu.memory_space<hbm>>) target(%dma_start3A_31 : memref<16x128xi32, #tpu.memory_space<vmem>>) target_semaphore(%arg12 : memref<!tpu.dma_semaphore, #tpu.memory_space<semaphore_mem>>)
    %dma_start3A_34 = arith.constant 1 : i32
    %dma_start3A_35 = arith.constant 0 : i32
    %dma_start3A_36 = arith.constant 0 : i32
    %dma_start3A_37 = tpu.memref_slice %arg7[%dma_start3A_34, %dma_start3A_35, %dma_start3A_36] : memref<2x16x128xi32, #tpu.memory_space<vmem>> -> memref<1x16x128xi32, #tpu.memory_space<vmem>>
    %dma_start3A_38 = tpu.memref_squeeze %dma_start3A_37 : memref<1x16x128xi32, #tpu.memory_space<vmem>> -> memref<16x128xi32, #tpu.memory_space<vmem>>
    %dma_start3A_39 = arith.constant 0 : i32
    %dma_start3A_40 = tpu.memref_slice %arg4[%add3A_17, %dma_start3A_39] : memref<1280x128xi32, #tpu.memory_space<hbm>> -> memref<16x128xi32, #tpu.memory_space<hbm>>
    %dma_start3A_41 = arith.constant 0 : i32
    %dma_start3A_42 = arith.constant 0 : i32
    %dma_start3A_43 = tpu.memref_slice %arg7[%dma_start3A_34, %dma_start3A_41, %dma_start3A_42] : memref<2x16x128xi32, #tpu.memory_space<vmem>> -> memref<1x16x128xi32, #tpu.memory_space<vmem>>
    %dma_start3A_44 = tpu.memref_squeeze %dma_start3A_43 : memref<1x16x128xi32, #tpu.memory_space<vmem>> -> memref<16x128xi32, #tpu.memory_space<vmem>>
    %dma_start3A_45 = arith.constant 0 : i32
    %dma_start3A_46 = tpu.memref_slice %arg4[%add3A_17, %dma_start3A_45] : memref<1280x128xi32, #tpu.memory_space<hbm>> -> memref<16x128xi32, #tpu.memory_space<hbm>>
    tpu.enqueue_dma source(%dma_start3A_46 : memref<16x128xi32, #tpu.memory_space<hbm>>) target(%dma_start3A_44 : memref<16x128xi32, #tpu.memory_space<vmem>>) target_semaphore(%arg12 : memref<!tpu.dma_semaphore, #tpu.memory_space<semaphore_mem>>)
    %scan3A = arith.constant 0 : i32
    %scan3A_47 = arith.constant 0 : i32
    %scan3A_48 = arith.constant 1024 : i32
    %scan3A_49 = arith.addi %scan3A_47, %scan3A_48 : i32
    %scan3A_50 = arith.constant 1 : i32
    %scan3A_51 = scf.for %scan3A_596 = %scan3A_47 to %scan3A_49 step %scan3A_50 iter_args(%scan3A_597 = %scan3A) -> (i32)  : i32 {
      %broadcast_in_dim3A = arith.constant 0.000000e+00 : f32
      %broadcast_in_dim3A_598 = vector.broadcast %broadcast_in_dim3A : f32 to vector<16xf32>
      %jit3A = arith.constant 8 : i32
      %div3A = arith.divsi %scan3A_596, %jit3A : i32
      %sign3A = arith.constant 0 : i32
      %sign3A_599 = arith.cmpi sgt, %scan3A_596, %sign3A : i32
      %sign3A_600 = arith.extui %sign3A_599 : i1 to i32
      %sign3A_601 = arith.constant 0 : i32
      %sign3A_602 = arith.cmpi slt, %scan3A_596, %sign3A_601 : i32
      %sign3A_603 = arith.extui %sign3A_602 : i1 to i32
      %sign3A_604 = arith.subi %sign3A_600, %sign3A_603 : i32
      %sign3A_605 = arith.constant 0 : i32
      %sign3A_606 = arith.cmpi sgt, %jit3A, %sign3A_605 : i32
      %sign3A_607 = arith.extui %sign3A_606 : i1 to i32
      %sign3A_608 = arith.constant 0 : i32
      %sign3A_609 = arith.cmpi slt, %jit3A, %sign3A_608 : i32
      %sign3A_610 = arith.extui %sign3A_609 : i1 to i32
      %sign3A_611 = arith.subi %sign3A_607, %sign3A_610 : i32
      %ne3A = arith.cmpi ne, %sign3A_604, %sign3A_611 : i32
      %rem3A = arith.remsi %scan3A_596, %jit3A : i32
      %ne3A_612 = arith.constant 0 : i32
      %ne3A_613 = arith.cmpi ne, %rem3A, %ne3A_612 : i32
      %and3A = arith.andi %ne3A, %ne3A_613 : i1
      %sub3A = arith.constant 1 : i32
      %sub3A_614 = arith.subi %div3A, %sub3A : i32
      %select_n3A = arith.select %and3A, %sub3A_614, %div3A : i32
      %jit3A_615 = arith.constant 8 : i32
      %eq3A = arith.constant 0 : i32
      %eq3A_616 = arith.cmpi eq, %jit3A_615, %eq3A : i32
      %jit3A_617 = arith.constant 1 : i32
      %select_n3A_618 = arith.select %eq3A_616, %jit3A_617, %jit3A_615 : i32
      %rem3A_619 = arith.remsi %scan3A_596, %select_n3A_618 : i32
      %ne3A_620 = arith.constant 0 : i32
      %ne3A_621 = arith.cmpi ne, %rem3A_619, %ne3A_620 : i32
      %lt3A = arith.constant 0 : i32
      %lt3A_622 = arith.cmpi slt, %rem3A_619, %lt3A : i32
      %lt3A_623 = arith.constant 0 : i32
      %lt3A_624 = arith.cmpi slt, %select_n3A_618, %lt3A_623 : i32
      %ne3A_625 = arith.xori %lt3A_622, %lt3A_624 : i1
      %and3A_626 = arith.andi %ne3A_625, %ne3A_621 : i1
      %add3A_627 = arith.addi %rem3A_619, %select_n3A_618 : i32
      %select_n3A_628 = arith.select %and3A_626, %add3A_627, %rem3A_619 : i32
      %mul3A_629 = arith.constant 16 : i32
      %mul3A_630 = arith.muli %select_n3A_628, %mul3A_629 : i32
      %swap3A = arith.constant 1 : i32
      %swap3A_631 = arith.index_cast %swap3A : i32 to index
      %swap3A_632 = arith.index_cast %select_n3A : i32 to index
      %swap3A_633 = arith.index_cast %mul3A_630 : i32 to index
      %swap3A_634 = tpu.vector_load %arg8[%swap3A_631, %swap3A_632, %swap3A_633] {strides = array<i32>} : memref<2x128x128xf32, #tpu.memory_space<vmem>>, vector<1x1x16xf32>,
      %swap3A_635 = vector.shape_cast %swap3A_634 : vector<1x1x16xf32> to vector<16xf32>
      %swap3A_636 = vector.shape_cast %broadcast_in_dim3A_598 : vector<16xf32> to vector<1x1x16xf32>
      tpu.vector_store %arg8[%swap3A_631, %swap3A_632, %swap3A_633], %swap3A_636 {strides = array<i32>} : memref<2x128x128xf32, #tpu.memory_space<vmem>>, vector<1x1x16xf32>,
      %scan3A_637 = arith.constant 0 : i32
      scf.yield %scan3A_637 : i32
    }
    %scan3A_52 = arith.constant 1024 : i32
    %scan3A_53 = arith.constant 0 : i32
    %scan3A_54 = arith.constant 0 : i32
    %scan3A_55 = arith.constant 5 : i32
    %scan3A_56 = arith.addi %scan3A_54, %scan3A_55 : i32
    %scan3A_57 = arith.constant 1 : i32
    %scan3A_58 = scf.for %scan3A_596 = %scan3A_54 to %scan3A_56 step %scan3A_57 iter_args(%scan3A_597 = %scan3A_53) -> (i32)  : i32 {
      %mul3A_598 = arith.constant 640 : i32
      %mul3A_599 = arith.muli %arg1, %mul3A_598 : i32
      %mul3A_600 = arith.constant 128 : i32
      %mul3A_601 = arith.muli %scan3A_596, %mul3A_600 : i32
      %add3A_602 = arith.addi %mul3A_599, %mul3A_601 : i32
      %run_scoped3A_603 = arith.constant 1 : i32
      "tpu.region"() ({
        %run_scoped3A_605 = tpu.sem_alloc : memref<!tpu.dma_semaphore, #tpu.memory_space<semaphore_mem>>
        %dma_start3A_606 = arith.constant 0 : i32
        %dma_start3A_607 = arith.constant 0 : i32
        %dma_start3A_608 = tpu.memref_slice %arg8[%run_scoped3A_603, %dma_start3A_606, %dma_start3A_607] : memref<2x128x128xf32, #tpu.memory_space<vmem>> -> memref<1x128x128xf32, #tpu.memory_space<vmem>>
        %dma_start3A_609 = tpu.memref_squeeze %dma_start3A_608 : memref<1x128x128xf32, #tpu.memory_space<vmem>> -> memref<128x128xf32, #tpu.memory_space<vmem>>
        %dma_start3A_610 = arith.constant 0 : i32
        %dma_start3A_611 = tpu.memref_slice %arg9[%add3A_602, %dma_start3A_610] : memref<10240x128xf32, #tpu.memory_space<vmem_shared>> -> memref<128x128xf32, #tpu.memory_space<vmem_shared>>
        %dma_start3A_612 = arith.constant 0 : i32
        %dma_start3A_613 = tpu.memref_slice %arg9[%add3A_602, %dma_start3A_612] : memref<10240x128xf32, #tpu.memory_space<vmem_shared>> -> memref<128x128xf32, #tpu.memory_space<vmem_shared>>
        %dma_start3A_614 = arith.constant 0 : i32
        %dma_start3A_615 = arith.constant 0 : i32
        %dma_start3A_616 = tpu.memref_slice %arg8[%run_scoped3A_603, %dma_start3A_614, %dma_start3A_615] : memref<2x128x128xf32, #tpu.memory_space<vmem>> -> memref<1x128x128xf32, #tpu.memory_space<vmem>>
        %dma_start3A_617 = tpu.memref_squeeze %dma_start3A_616 : memref<1x128x128xf32, #tpu.memory_space<vmem>> -> memref<128x128xf32, #tpu.memory_space<vmem>>
        tpu.enqueue_dma source(%dma_start3A_617 : memref<128x128xf32, #tpu.memory_space<vmem>>) target(%dma_start3A_613 : memref<128x128xf32, #tpu.memory_space<vmem_shared>>) target_semaphore(%run_scoped3A_605 : memref<!tpu.dma_semaphore, #tpu.memory_space<semaphore_mem>>)
        %dma_wait3A_618 = arith.constant 0 : i32
        %dma_wait3A_619 = arith.constant 0 : i32
        %dma_wait3A_620 = tpu.memref_slice %arg8[%run_scoped3A_603, %dma_wait3A_618, %dma_wait3A_619] : memref<2x128x128xf32, #tpu.memory_space<vmem>> -> memref<1x128x128xf32, #tpu.memory_space<vmem>>
        %dma_wait3A_621 = tpu.memref_squeeze %dma_wait3A_620 : memref<1x128x128xf32, #tpu.memory_space<vmem>> -> memref<128x128xf32, #tpu.memory_space<vmem>>
        %dma_wait3A_622 = arith.constant 0 : i32
        %dma_wait3A_623 = tpu.memref_slice %arg9[%add3A_602, %dma_wait3A_622] : memref<10240x128xf32, #tpu.memory_space<vmem_shared>> -> memref<128x128xf32, #tpu.memory_space<vmem_shared>>
        %dma_wait3A_624 = arith.constant 0 : i32
        %dma_wait3A_625 = tpu.memref_slice %arg9[%add3A_602, %dma_wait3A_624] : memref<10240x128xf32, #tpu.memory_space<vmem_shared>> -> memref<128x128xf32, #tpu.memory_space<vmem_shared>>
        %dma_wait3A_626 = arith.constant 0 : i32
        %dma_wait3A_627 = arith.constant 0 : i32
        %dma_wait3A_628 = tpu.memref_slice %arg8[%run_scoped3A_603, %dma_wait3A_626, %dma_wait3A_627] : memref<2x128x128xf32, #tpu.memory_space<vmem>> -> memref<1x128x128xf32, #tpu.memory_space<vmem>>
        %dma_wait3A_629 = tpu.memref_squeeze %dma_wait3A_628 : memref<1x128x128xf32, #tpu.memory_space<vmem>> -> memref<128x128xf32, #tpu.memory_space<vmem>>
        tpu.wait_dma2 semaphore(%run_scoped3A_605 : memref<!tpu.dma_semaphore, #tpu.memory_space<semaphore_mem>>) src(%dma_wait3A_629 : memref<128x128xf32, #tpu.memory_space<vmem>>) dst(%dma_wait3A_625 : memref<128x128xf32, #tpu.memory_space<vmem_shared>>)
        tpu.yield
      }) : () -> ()
      %scan3A_604 = arith.constant 0 : i32
      scf.yield %scan3A_604 : i32
    }
    %scan3A_59 = arith.constant 5 : i32
    %barrier3A = arith.constant 0 : index
    tpu.barrier barrier_id(%barrier3A)
    %dma_start3A_60 = arith.constant 0 : i32
    %dma_start3A_61 = arith.constant 1 : i32
    %dma_start3A_62 = arith.constant 1 : i32
    %dma_start3A_63 = arith.constant 0 : i32
    %dma_start3A_64 = arith.constant 0 : i32
    %dma_start3A_65 = tpu.memref_slice %arg8[%dma_start3A_62, %dma_start3A_63, %dma_start3A_64] : memref<2x128x128xf32, #tpu.memory_space<vmem>> -> memref<1x128x128xf32, #tpu.memory_space<vmem>>
    %dma_start3A_66 = tpu.memref_squeeze %dma_start3A_65 : memref<1x128x128xf32, #tpu.memory_space<vmem>> -> memref<128x128xf32, #tpu.memory_space<vmem>>
    %dma_start3A_67 = arith.constant 0 : i32
    %dma_start3A_68 = tpu.memref_slice %arg6[%dma_start3A_60, %dma_start3A_61, %dma_start3A_67] : memref<2x16x128xi32, #tpu.memory_space<vmem>> -> memref<1x1x128xi32, #tpu.memory_space<vmem>>
    %dma_start3A_69 = tpu.memref_squeeze %dma_start3A_68 : memref<1x1x128xi32, #tpu.memory_space<vmem>> -> memref<128xi32, #tpu.memory_space<vmem>>
    %dma_start3A_70 = arith.constant 0 : i32
    %dma_start3A_71 = arith.constant 0 : i32
    %dma_start3A_72 = tpu.memref_slice %arg2[%dma_start3A_70, %dma_start3A_71] : memref<80000x128xf32, #tpu.memory_space<hbm>> -> memref<80000x128xf32, #tpu.memory_space<hbm>>
    tpu.enqueue_indirect_dma source(%dma_start3A_72 : memref<80000x128xf32, #tpu.memory_space<hbm>>) target(%dma_start3A_66 : memref<128x128xf32, #tpu.memory_space<vmem>>) offsets(%dma_start3A_69 : memref<128xi32, #tpu.memory_space<vmem>>) semaphore(%arg11 : memref<!tpu.dma_semaphore, #tpu.memory_space<semaphore_mem>>)
    %scan3A_73 = arith.constant 0 : i32
    %scan3A_74 = arith.constant 0 : i32
    %scan3A_75 = arith.constant 7 : i32
    %scan3A_76 = arith.addi %scan3A_74, %scan3A_75 : i32
    %scan3A_77 = arith.constant 1 : i32
    %scan3A_78 = scf.for %scan3A_596 = %scan3A_74 to %scan3A_76 step %scan3A_77 iter_args(%scan3A_597 = %scan3A_73) -> (i32)  : i32 {
      %mul3A_598 = arith.constant 2 : i32
      %mul3A_599 = arith.muli %scan3A_596, %mul3A_598 : i32
      %add3A_600 = arith.constant 0 : i32
      %add3A_601 = arith.addi %mul3A_599, %add3A_600 : i32
      %dma_wait3A_602 = arith.constant 0 : i32
      %dma_wait3A_603 = arith.constant 0 : i32
      %dma_wait3A_604 = arith.constant 0 : i32
      %dma_wait3A_605 = arith.constant 0 : i32
      %dma_wait3A_606 = tpu.memref_slice %arg8[%dma_wait3A_603, %dma_wait3A_604, %dma_wait3A_605] : memref<2x128x128xf32, #tpu.memory_space<vmem>> -> memref<1x128x128xf32, #tpu.memory_space<vmem>>
      %dma_wait3A_607 = tpu.memref_squeeze %dma_wait3A_606 : memref<1x128x128xf32, #tpu.memory_space<vmem>> -> memref<128x128xf32, #tpu.memory_space<vmem>>
      %dma_wait3A_608 = arith.constant 0 : i32
      %dma_wait3A_609 = tpu.memref_slice %arg6[%dma_wait3A_602, %add3A_601, %dma_wait3A_608] : memref<2x16x128xi32, #tpu.memory_space<vmem>> -> memref<1x1x128xi32, #tpu.memory_space<vmem>>
      %dma_wait3A_610 = tpu.memref_squeeze %dma_wait3A_609 : memref<1x1x128xi32, #tpu.memory_space<vmem>> -> memref<128xi32, #tpu.memory_space<vmem>>
      %dma_wait3A_611 = arith.constant 0 : i32
      %dma_wait3A_612 = arith.constant 0 : i32
      %dma_wait3A_613 = tpu.memref_slice %arg2[%dma_wait3A_611, %dma_wait3A_612] : memref<80000x128xf32, #tpu.memory_space<hbm>> -> memref<80000x128xf32, #tpu.memory_space<hbm>>
      tpu.wait_indirect_dma semaphore(%arg10 : memref<!tpu.dma_semaphore, #tpu.memory_space<semaphore_mem>>) src(%dma_wait3A_613 : memref<80000x128xf32, #tpu.memory_space<hbm>>) dst(%dma_wait3A_607 : memref<128x128xf32, #tpu.memory_space<vmem>>)
      %run_scoped3A_614 = arith.constant 0 : i32
      %run_scoped3A_615 = arith.constant 0 : i32
      "tpu.region"() ({
        %run_scoped3A_663 = tpu.sem_alloc : memref<!tpu.dma_semaphore, #tpu.memory_space<semaphore_mem>>
        %dma_start3A_664 = arith.constant 0 : i32
        %dma_start3A_665 = arith.constant 0 : i32
        %dma_start3A_666 = tpu.memref_slice %arg8[%run_scoped3A_614, %dma_start3A_664, %dma_start3A_665] : memref<2x128x128xf32, #tpu.memory_space<vmem>> -> memref<1x128x128xf32, #tpu.memory_space<vmem>>
        %dma_start3A_667 = tpu.memref_squeeze %dma_start3A_666 : memref<1x128x128xf32, #tpu.memory_space<vmem>> -> memref<128x128xf32, #tpu.memory_space<vmem>>
        %dma_start3A_668 = arith.constant 0 : i32
        %dma_start3A_669 = tpu.memref_slice %arg7[%run_scoped3A_615, %add3A_601, %dma_start3A_668] : memref<2x16x128xi32, #tpu.memory_space<vmem>> -> memref<1x1x128xi32, #tpu.memory_space<vmem>>
        %dma_start3A_670 = tpu.memref_squeeze %dma_start3A_669 : memref<1x1x128xi32, #tpu.memory_space<vmem>> -> memref<128xi32, #tpu.memory_space<vmem>>
        %dma_start3A_671 = arith.constant 0 : i32
        %dma_start3A_672 = arith.constant 0 : i32
        %dma_start3A_673 = tpu.memref_slice %arg9[%dma_start3A_671, %dma_start3A_672] : memref<10240x128xf32, #tpu.memory_space<vmem_shared>> -> memref<10240x128xf32, #tpu.memory_space<vmem_shared>>
        tpu.enqueue_indirect_dma source(%dma_start3A_667 : memref<128x128xf32, #tpu.memory_space<vmem>>) target(%dma_start3A_673 : memref<10240x128xf32, #tpu.memory_space<vmem_shared>>) offsets(%dma_start3A_670 : memref<128xi32, #tpu.memory_space<vmem>>) semaphore(%run_scoped3A_663 : memref<!tpu.dma_semaphore, #tpu.memory_space<semaphore_mem>>) {add = true}
        %dma_wait3A_674 = arith.constant 0 : i32
        %dma_wait3A_675 = arith.constant 0 : i32
        %dma_wait3A_676 = tpu.memref_slice %arg8[%run_scoped3A_614, %dma_wait3A_674, %dma_wait3A_675] : memref<2x128x128xf32, #tpu.memory_space<vmem>> -> memref<1x128x128xf32, #tpu.memory_space<vmem>>
        %dma_wait3A_677 = tpu.memref_squeeze %dma_wait3A_676 : memref<1x128x128xf32, #tpu.memory_space<vmem>> -> memref<128x128xf32, #tpu.memory_space<vmem>>
        %dma_wait3A_678 = arith.constant 0 : i32
        %dma_wait3A_679 = tpu.memref_slice %arg7[%run_scoped3A_615, %add3A_601, %dma_wait3A_678] : memref<2x16x128xi32, #tpu.memory_space<vmem>> -> memref<1x1x128xi32, #tpu.memory_space<vmem>>
        %dma_wait3A_680 = tpu.memref_squeeze %dma_wait3A_679 : memref<1x1x128xi32, #tpu.memory_space<vmem>> -> memref<128xi32, #tpu.memory_space<vmem>>
        %dma_wait3A_681 = arith.constant 0 : i32
        %dma_wait3A_682 = arith.constant 0 : i32
        %dma_wait3A_683 = tpu.memref_slice %arg9[%dma_wait3A_681, %dma_wait3A_682] : memref<10240x128xf32, #tpu.memory_space<vmem_shared>> -> memref<10240x128xf32, #tpu.memory_space<vmem_shared>>
        tpu.wait_indirect_dma semaphore(%run_scoped3A_663 : memref<!tpu.dma_semaphore, #tpu.memory_space<semaphore_mem>>) src(%dma_wait3A_677 : memref<128x128xf32, #tpu.memory_space<vmem>>) dst(%dma_wait3A_683 : memref<10240x128xf32, #tpu.memory_space<vmem_shared>>)
        tpu.yield
      }) : () -> ()
      %add3A_616 = arith.constant 2 : i32
      %add3A_617 = arith.addi %add3A_601, %add3A_616 : i32
      %dma_start3A_618 = arith.constant 0 : i32
      %dma_start3A_619 = arith.constant 0 : i32
      %dma_start3A_620 = arith.constant 0 : i32
      %dma_start3A_621 = arith.constant 0 : i32
      %dma_start3A_622 = tpu.memref_slice %arg8[%dma_start3A_619, %dma_start3A_620, %dma_start3A_621] : memref<2x128x128xf32, #tpu.memory_space<vmem>> -> memref<1x128x128xf32, #tpu.memory_space<vmem>>
      %dma_start3A_623 = tpu.memref_squeeze %dma_start3A_622 : memref<1x128x128xf32, #tpu.memory_space<vmem>> -> memref<128x128xf32, #tpu.memory_space<vmem>>
      %dma_start3A_624 = arith.constant 0 : i32
      %dma_start3A_625 = tpu.memref_slice %arg6[%dma_start3A_618, %add3A_617, %dma_start3A_624] : memref<2x16x128xi32, #tpu.memory_space<vmem>> -> memref<1x1x128xi32, #tpu.memory_space<vmem>>
      %dma_start3A_626 = tpu.memref_squeeze %dma_start3A_625 : memref<1x1x128xi32, #tpu.memory_space<vmem>> -> memref<128xi32, #tpu.memory_space<vmem>>
      %dma_start3A_627 = arith.constant 0 : i32
      %dma_start3A_628 = arith.constant 0 : i32
      %dma_start3A_629 = tpu.memref_slice %arg2[%dma_start3A_627, %dma_start3A_628] : memref<80000x128xf32, #tpu.memory_space<hbm>> -> memref<80000x128xf32, #tpu.memory_space<hbm>>
      tpu.enqueue_indirect_dma source(%dma_start3A_629 : memref<80000x128xf32, #tpu.memory_space<hbm>>) target(%dma_start3A_623 : memref<128x128xf32, #tpu.memory_space<vmem>>) offsets(%dma_start3A_626 : memref<128xi32, #tpu.memory_space<vmem>>) semaphore(%arg10 : memref<!tpu.dma_semaphore, #tpu.memory_space<semaphore_mem>>)
      %mul3A_630 = arith.constant 2 : i32
      %mul3A_631 = arith.muli %scan3A_596, %mul3A_630 : i32
      %add3A_632 = arith.constant 1 : i32
      %add3A_633 = arith.addi %mul3A_631, %add3A_632 : i32
      %dma_wait3A_634 = arith.constant 0 : i32
      %dma_wait3A_635 = arith.constant 1 : i32
      %dma_wait3A_636 = arith.constant 0 : i32
      %dma_wait3A_637 = arith.constant 0 : i32
      %dma_wait3A_638 = tpu.memref_slice %arg8[%dma_wait3A_635, %dma_wait3A_636, %dma_wait3A_637] : memref<2x128x128xf32, #tpu.memory_space<vmem>> -> memref<1x128x128xf32, #tpu.memory_space<vmem>>
      %dma_wait3A_639 = tpu.memref_squeeze %dma_wait3A_638 : memref<1x128x128xf32, #tpu.memory_space<vmem>> -> memref<128x128xf32, #tpu.memory_space<vmem>>
      %dma_wait3A_640 = arith.constant 0 : i32
      %dma_wait3A_641 = tpu.memref_slice %arg6[%dma_wait3A_634, %add3A_633, %dma_wait3A_640] : memref<2x16x128xi32, #tpu.memory_space<vmem>> -> memref<1x1x128xi32, #tpu.memory_space<vmem>>
      %dma_wait3A_642 = tpu.memref_squeeze %dma_wait3A_641 : memref<1x1x128xi32, #tpu.memory_space<vmem>> -> memref<128xi32, #tpu.memory_space<vmem>>
      %dma_wait3A_643 = arith.constant 0 : i32
      %dma_wait3A_644 = arith.constant 0 : i32
      %dma_wait3A_645 = tpu.memref_slice %arg2[%dma_wait3A_643, %dma_wait3A_644] : memref<80000x128xf32, #tpu.memory_space<hbm>> -> memref<80000x128xf32, #tpu.memory_space<hbm>>
      tpu.wait_indirect_dma semaphore(%arg11 : memref<!tpu.dma_semaphore, #tpu.memory_space<semaphore_mem>>) src(%dma_wait3A_645 : memref<80000x128xf32, #tpu.memory_space<hbm>>) dst(%dma_wait3A_639 : memref<128x128xf32, #tpu.memory_space<vmem>>)
      %run_scoped3A_646 = arith.constant 1 : i32
      %run_scoped3A_647 = arith.constant 0 : i32
      "tpu.region"() ({
        %run_scoped3A_663 = tpu.sem_alloc : memref<!tpu.dma_semaphore, #tpu.memory_space<semaphore_mem>>
        %dma_start3A_664 = arith.constant 0 : i32
        %dma_start3A_665 = arith.constant 0 : i32
        %dma_start3A_666 = tpu.memref_slice %arg8[%run_scoped3A_646, %dma_start3A_664, %dma_start3A_665] : memref<2x128x128xf32, #tpu.memory_space<vmem>> -> memref<1x128x128xf32, #tpu.memory_space<vmem>>
        %dma_start3A_667 = tpu.memref_squeeze %dma_start3A_666 : memref<1x128x128xf32, #tpu.memory_space<vmem>> -> memref<128x128xf32, #tpu.memory_space<vmem>>
        %dma_start3A_668 = arith.constant 0 : i32
        %dma_start3A_669 = tpu.memref_slice %arg7[%run_scoped3A_647, %add3A_633, %dma_start3A_668] : memref<2x16x128xi32, #tpu.memory_space<vmem>> -> memref<1x1x128xi32, #tpu.memory_space<vmem>>
        %dma_start3A_670 = tpu.memref_squeeze %dma_start3A_669 : memref<1x1x128xi32, #tpu.memory_space<vmem>> -> memref<128xi32, #tpu.memory_space<vmem>>
        %dma_start3A_671 = arith.constant 0 : i32
        %dma_start3A_672 = arith.constant 0 : i32
        %dma_start3A_673 = tpu.memref_slice %arg9[%dma_start3A_671, %dma_start3A_672] : memref<10240x128xf32, #tpu.memory_space<vmem_shared>> -> memref<10240x128xf32, #tpu.memory_space<vmem_shared>>
        tpu.enqueue_indirect_dma source(%dma_start3A_667 : memref<128x128xf32, #tpu.memory_space<vmem>>) target(%dma_start3A_673 : memref<10240x128xf32, #tpu.memory_space<vmem_shared>>) offsets(%dma_start3A_670 : memref<128xi32, #tpu.memory_space<vmem>>) semaphore(%run_scoped3A_663 : memref<!tpu.dma_semaphore, #tpu.memory_space<semaphore_mem>>) {add = true}
        %dma_wait3A_674 = arith.constant 0 : i32
        %dma_wait3A_675 = arith.constant 0 : i32
        %dma_wait3A_676 = tpu.memref_slice %arg8[%run_scoped3A_646, %dma_wait3A_674, %dma_wait3A_675] : memref<2x128x128xf32, #tpu.memory_space<vmem>> -> memref<1x128x128xf32, #tpu.memory_space<vmem>>
        %dma_wait3A_677 = tpu.memref_squeeze %dma_wait3A_676 : memref<1x128x128xf32, #tpu.memory_space<vmem>> -> memref<128x128xf32, #tpu.memory_space<vmem>>
        %dma_wait3A_678 = arith.constant 0 : i32
        %dma_wait3A_679 = tpu.memref_slice %arg7[%run_scoped3A_647, %add3A_633, %dma_wait3A_678] : memref<2x16x128xi32, #tpu.memory_space<vmem>> -> memref<1x1x128xi32, #tpu.memory_space<vmem>>
        %dma_wait3A_680 = tpu.memref_squeeze %dma_wait3A_679 : memref<1x1x128xi32, #tpu.memory_space<vmem>> -> memref<128xi32, #tpu.memory_space<vmem>>
        %dma_wait3A_681 = arith.constant 0 : i32
        %dma_wait3A_682 = arith.constant 0 : i32
        %dma_wait3A_683 = tpu.memref_slice %arg9[%dma_wait3A_681, %dma_wait3A_682] : memref<10240x128xf32, #tpu.memory_space<vmem_shared>> -> memref<10240x128xf32, #tpu.memory_space<vmem_shared>>
        tpu.wait_indirect_dma semaphore(%run_scoped3A_663 : memref<!tpu.dma_semaphore, #tpu.memory_space<semaphore_mem>>) src(%dma_wait3A_677 : memref<128x128xf32, #tpu.memory_space<vmem>>) dst(%dma_wait3A_683 : memref<10240x128xf32, #tpu.memory_space<vmem_shared>>)
        tpu.yield
      }) : () -> ()
      %add3A_648 = arith.constant 2 : i32
      %add3A_649 = arith.addi %add3A_633, %add3A_648 : i32
      %dma_start3A_650 = arith.constant 0 : i32
      %dma_start3A_651 = arith.constant 1 : i32
      %dma_start3A_652 = arith.constant 0 : i32
      %dma_start3A_653 = arith.constant 0 : i32
      %dma_start3A_654 = tpu.memref_slice %arg8[%dma_start3A_651, %dma_start3A_652, %dma_start3A_653] : memref<2x128x128xf32, #tpu.memory_space<vmem>> -> memref<1x128x128xf32, #tpu.memory_space<vmem>>
      %dma_start3A_655 = tpu.memref_squeeze %dma_start3A_654 : memref<1x128x128xf32, #tpu.memory_space<vmem>> -> memref<128x128xf32, #tpu.memory_space<vmem>>
      %dma_start3A_656 = arith.constant 0 : i32
      %dma_start3A_657 = tpu.memref_slice %arg6[%dma_start3A_650, %add3A_649, %dma_start3A_656] : memref<2x16x128xi32, #tpu.memory_space<vmem>> -> memref<1x1x128xi32, #tpu.memory_space<vmem>>
      %dma_start3A_658 = tpu.memref_squeeze %dma_start3A_657 : memref<1x1x128xi32, #tpu.memory_space<vmem>> -> memref<128xi32, #tpu.memory_space<vmem>>
      %dma_start3A_659 = arith.constant 0 : i32
      %dma_start3A_660 = arith.constant 0 : i32
      %dma_start3A_661 = tpu.memref_slice %arg2[%dma_start3A_659, %dma_start3A_660] : memref<80000x128xf32, #tpu.memory_space<hbm>> -> memref<80000x128xf32, #tpu.memory_space<hbm>>
      tpu.enqueue_indirect_dma source(%dma_start3A_661 : memref<80000x128xf32, #tpu.memory_space<hbm>>) target(%dma_start3A_655 : memref<128x128xf32, #tpu.memory_space<vmem>>) offsets(%dma_start3A_658 : memref<128xi32, #tpu.memory_space<vmem>>) semaphore(%arg11 : memref<!tpu.dma_semaphore, #tpu.memory_space<semaphore_mem>>)
      %scan3A_662 = arith.constant 0 : i32
      scf.yield %scan3A_662 : i32
    }
    %scan3A_79 = arith.constant 7 : i32
    %add3A_80 = arith.constant 16 : i32
    %add3A_81 = arith.addi %mul3A_0, %add3A_80 : i32
    %mul3A_82 = arith.constant 1280 : i32
    %mul3A_83 = arith.muli %arg0, %mul3A_82 : i32
    %add3A_84 = arith.addi %mul3A_83, %add3A_81 : i32
    %dma_wait3A = arith.constant 1 : i32
    %dma_wait3A_85 = arith.constant 0 : i32
    %dma_wait3A_86 = arith.constant 0 : i32
    %dma_wait3A_87 = tpu.memref_slice %arg6[%dma_wait3A, %dma_wait3A_85, %dma_wait3A_86] : memref<2x16x128xi32, #tpu.memory_space<vmem>> -> memref<1x16x128xi32, #tpu.memory_space<vmem>>
    %dma_wait3A_88 = tpu.memref_squeeze %dma_wait3A_87 : memref<1x16x128xi32, #tpu.memory_space<vmem>> -> memref<16x128xi32, #tpu.memory_space<vmem>>
    %dma_wait3A_89 = arith.constant 0 : i32
    %dma_wait3A_90 = tpu.memref_slice %arg3[%add3A_84, %dma_wait3A_89] : memref<2560x128xi32, #tpu.memory_space<hbm>> -> memref<16x128xi32, #tpu.memory_space<hbm>>
    %dma_wait3A_91 = arith.constant 0 : i32
    %dma_wait3A_92 = arith.constant 0 : i32
    %dma_wait3A_93 = tpu.memref_slice %arg6[%dma_wait3A, %dma_wait3A_91, %dma_wait3A_92] : memref<2x16x128xi32, #tpu.memory_space<vmem>> -> memref<1x16x128xi32, #tpu.memory_space<vmem>>
    %dma_wait3A_94 = tpu.memref_squeeze %dma_wait3A_93 : memref<1x16x128xi32, #tpu.memory_space<vmem>> -> memref<16x128xi32, #tpu.memory_space<vmem>>
    %dma_wait3A_95 = arith.constant 0 : i32
    %dma_wait3A_96 = tpu.memref_slice %arg3[%add3A_84, %dma_wait3A_95] : memref<2560x128xi32, #tpu.memory_space<hbm>> -> memref<16x128xi32, #tpu.memory_space<hbm>>
    tpu.wait_dma2 semaphore(%arg12 : memref<!tpu.dma_semaphore, #tpu.memory_space<semaphore_mem>>) src(%dma_wait3A_96 : memref<16x128xi32, #tpu.memory_space<hbm>>) dst(%dma_wait3A_94 : memref<16x128xi32, #tpu.memory_space<vmem>>)
    %dma_wait3A_97 = arith.constant 1 : i32
    %dma_wait3A_98 = arith.constant 0 : i32
    %dma_wait3A_99 = arith.constant 0 : i32
    %dma_wait3A_100 = tpu.memref_slice %arg7[%dma_wait3A_97, %dma_wait3A_98, %dma_wait3A_99] : memref<2x16x128xi32, #tpu.memory_space<vmem>> -> memref<1x16x128xi32, #tpu.memory_space<vmem>>
    %dma_wait3A_101 = tpu.memref_squeeze %dma_wait3A_100 : memref<1x16x128xi32, #tpu.memory_space<vmem>> -> memref<16x128xi32, #tpu.memory_space<vmem>>
    %dma_wait3A_102 = arith.constant 0 : i32
    %dma_wait3A_103 = tpu.memref_slice %arg4[%add3A_81, %dma_wait3A_102] : memref<1280x128xi32, #tpu.memory_space<hbm>> -> memref<16x128xi32, #tpu.memory_space<hbm>>
    %dma_wait3A_104 = arith.constant 0 : i32
    %dma_wait3A_105 = arith.constant 0 : i32
    %dma_wait3A_106 = tpu.memref_slice %arg7[%dma_wait3A_97, %dma_wait3A_104, %dma_wait3A_105] : memref<2x16x128xi32, #tpu.memory_space<vmem>> -> memref<1x16x128xi32, #tpu.memory_space<vmem>>
    %dma_wait3A_107 = tpu.memref_squeeze %dma_wait3A_106 : memref<1x16x128xi32, #tpu.memory_space<vmem>> -> memref<16x128xi32, #tpu.memory_space<vmem>>
    %dma_wait3A_108 = arith.constant 0 : i32
    %dma_wait3A_109 = tpu.memref_slice %arg4[%add3A_81, %dma_wait3A_108] : memref<1280x128xi32, #tpu.memory_space<hbm>> -> memref<16x128xi32, #tpu.memory_space<hbm>>
    tpu.wait_dma2 semaphore(%arg12 : memref<!tpu.dma_semaphore, #tpu.memory_space<semaphore_mem>>) src(%dma_wait3A_109 : memref<16x128xi32, #tpu.memory_space<hbm>>) dst(%dma_wait3A_107 : memref<16x128xi32, #tpu.memory_space<vmem>>)
    %dma_wait3A_110 = arith.constant 0 : i32
    %dma_wait3A_111 = arith.constant 14 : i32
    %dma_wait3A_112 = arith.constant 0 : i32
    %dma_wait3A_113 = arith.constant 0 : i32
    %dma_wait3A_114 = arith.constant 0 : i32
    %dma_wait3A_115 = tpu.memref_slice %arg8[%dma_wait3A_112, %dma_wait3A_113, %dma_wait3A_114] : memref<2x128x128xf32, #tpu.memory_space<vmem>> -> memref<1x128x128xf32, #tpu.memory_space<vmem>>
    %dma_wait3A_116 = tpu.memref_squeeze %dma_wait3A_115 : memref<1x128x128xf32, #tpu.memory_space<vmem>> -> memref<128x128xf32, #tpu.memory_space<vmem>>
    %dma_wait3A_117 = arith.constant 0 : i32
    %dma_wait3A_118 = tpu.memref_slice %arg6[%dma_wait3A_110, %dma_wait3A_111, %dma_wait3A_117] : memref<2x16x128xi32, #tpu.memory_space<vmem>> -> memref<1x1x128xi32, #tpu.memory_space<vmem>>
    %dma_wait3A_119 = tpu.memref_squeeze %dma_wait3A_118 : memref<1x1x128xi32, #tpu.memory_space<vmem>> -> memref<128xi32, #tpu.memory_space<vmem>>
    %dma_wait3A_120 = arith.constant 0 : i32
    %dma_wait3A_121 = arith.constant 0 : i32
    %dma_wait3A_122 = tpu.memref_slice %arg2[%dma_wait3A_120, %dma_wait3A_121] : memref<80000x128xf32, #tpu.memory_space<hbm>> -> memref<80000x128xf32, #tpu.memory_space<hbm>>
    tpu.wait_indirect_dma semaphore(%arg10 : memref<!tpu.dma_semaphore, #tpu.memory_space<semaphore_mem>>) src(%dma_wait3A_122 : memref<80000x128xf32, #tpu.memory_space<hbm>>) dst(%dma_wait3A_116 : memref<128x128xf32, #tpu.memory_space<vmem>>)
    %run_scoped3A_123 = arith.constant 0 : i32
    %run_scoped3A_124 = arith.constant 0 : i32
    %run_scoped3A_125 = arith.constant 14 : i32
    "tpu.region"() ({
      %run_scoped3A_596 = tpu.sem_alloc : memref<!tpu.dma_semaphore, #tpu.memory_space<semaphore_mem>>
      %dma_start3A_597 = arith.constant 0 : i32
      %dma_start3A_598 = arith.constant 0 : i32
      %dma_start3A_599 = tpu.memref_slice %arg8[%run_scoped3A_123, %dma_start3A_597, %dma_start3A_598] : memref<2x128x128xf32, #tpu.memory_space<vmem>> -> memref<1x128x128xf32, #tpu.memory_space<vmem>>
      %dma_start3A_600 = tpu.memref_squeeze %dma_start3A_599 : memref<1x128x128xf32, #tpu.memory_space<vmem>> -> memref<128x128xf32, #tpu.memory_space<vmem>>
      %dma_start3A_601 = arith.constant 0 : i32
      %dma_start3A_602 = tpu.memref_slice %arg7[%run_scoped3A_124, %run_scoped3A_125, %dma_start3A_601] : memref<2x16x128xi32, #tpu.memory_space<vmem>> -> memref<1x1x128xi32, #tpu.memory_space<vmem>>
      %dma_start3A_603 = tpu.memref_squeeze %dma_start3A_602 : memref<1x1x128xi32, #tpu.memory_space<vmem>> -> memref<128xi32, #tpu.memory_space<vmem>>
      %dma_start3A_604 = arith.constant 0 : i32
      %dma_start3A_605 = arith.constant 0 : i32
      %dma_start3A_606 = tpu.memref_slice %arg9[%dma_start3A_604, %dma_start3A_605] : memref<10240x128xf32, #tpu.memory_space<vmem_shared>> -> memref<10240x128xf32, #tpu.memory_space<vmem_shared>>
      tpu.enqueue_indirect_dma source(%dma_start3A_600 : memref<128x128xf32, #tpu.memory_space<vmem>>) target(%dma_start3A_606 : memref<10240x128xf32, #tpu.memory_space<vmem_shared>>) offsets(%dma_start3A_603 : memref<128xi32, #tpu.memory_space<vmem>>) semaphore(%run_scoped3A_596 : memref<!tpu.dma_semaphore, #tpu.memory_space<semaphore_mem>>) {add = true}
      %dma_wait3A_607 = arith.constant 0 : i32
      %dma_wait3A_608 = arith.constant 0 : i32
      %dma_wait3A_609 = tpu.memref_slice %arg8[%run_scoped3A_123, %dma_wait3A_607, %dma_wait3A_608] : memref<2x128x128xf32, #tpu.memory_space<vmem>> -> memref<1x128x128xf32, #tpu.memory_space<vmem>>
      %dma_wait3A_610 = tpu.memref_squeeze %dma_wait3A_609 : memref<1x128x128xf32, #tpu.memory_space<vmem>> -> memref<128x128xf32, #tpu.memory_space<vmem>>
      %dma_wait3A_611 = arith.constant 0 : i32
      %dma_wait3A_612 = tpu.memref_slice %arg7[%run_scoped3A_124, %run_scoped3A_125, %dma_wait3A_611] : memref<2x16x128xi32, #tpu.memory_space<vmem>> -> memref<1x1x128xi32, #tpu.memory_space<vmem>>
      %dma_wait3A_613 = tpu.memref_squeeze %dma_wait3A_612 : memref<1x1x128xi32, #tpu.memory_space<vmem>> -> memref<128xi32, #tpu.memory_space<vmem>>
      %dma_wait3A_614 = arith.constant 0 : i32
      %dma_wait3A_615 = arith.constant 0 : i32
      %dma_wait3A_616 = tpu.memref_slice %arg9[%dma_wait3A_614, %dma_wait3A_615] : memref<10240x128xf32, #tpu.memory_space<vmem_shared>> -> memref<10240x128xf32, #tpu.memory_space<vmem_shared>>
      tpu.wait_indirect_dma semaphore(%run_scoped3A_596 : memref<!tpu.dma_semaphore, #tpu.memory_space<semaphore_mem>>) src(%dma_wait3A_610 : memref<128x128xf32, #tpu.memory_space<vmem>>) dst(%dma_wait3A_616 : memref<10240x128xf32, #tpu.memory_space<vmem_shared>>)
      tpu.yield
    }) : () -> ()
    %dma_start3A_126 = arith.constant 1 : i32
    %dma_start3A_127 = arith.constant 0 : i32
    %dma_start3A_128 = arith.constant 0 : i32
    %dma_start3A_129 = arith.constant 0 : i32
    %dma_start3A_130 = arith.constant 0 : i32
    %dma_start3A_131 = tpu.memref_slice %arg8[%dma_start3A_128, %dma_start3A_129, %dma_start3A_130] : memref<2x128x128xf32, #tpu.memory_space<vmem>> -> memref<1x128x128xf32, #tpu.memory_space<vmem>>
    %dma_start3A_132 = tpu.memref_squeeze %dma_start3A_131 : memref<1x128x128xf32, #tpu.memory_space<vmem>> -> memref<128x128xf32, #tpu.memory_space<vmem>>
    %dma_start3A_133 = arith.constant 0 : i32
    %dma_start3A_134 = tpu.memref_slice %arg6[%dma_start3A_126, %dma_start3A_127, %dma_start3A_133] : memref<2x16x128xi32, #tpu.memory_space<vmem>> -> memref<1x1x128xi32, #tpu.memory_space<vmem>>
    %dma_start3A_135 = tpu.memref_squeeze %dma_start3A_134 : memref<1x1x128xi32, #tpu.memory_space<vmem>> -> memref<128xi32, #tpu.memory_space<vmem>>
    %dma_start3A_136 = arith.constant 0 : i32
    %dma_start3A_137 = arith.constant 0 : i32
    %dma_start3A_138 = tpu.memref_slice %arg2[%dma_start3A_136, %dma_start3A_137] : memref<80000x128xf32, #tpu.memory_space<hbm>> -> memref<80000x128xf32, #tpu.memory_space<hbm>>
    tpu.enqueue_indirect_dma source(%dma_start3A_138 : memref<80000x128xf32, #tpu.memory_space<hbm>>) target(%dma_start3A_132 : memref<128x128xf32, #tpu.memory_space<vmem>>) offsets(%dma_start3A_135 : memref<128xi32, #tpu.memory_space<vmem>>) semaphore(%arg10 : memref<!tpu.dma_semaphore, #tpu.memory_space<semaphore_mem>>)
    %dma_wait3A_139 = arith.constant 0 : i32
    %dma_wait3A_140 = arith.constant 15 : i32
    %dma_wait3A_141 = arith.constant 1 : i32
    %dma_wait3A_142 = arith.constant 0 : i32
    %dma_wait3A_143 = arith.constant 0 : i32
    %dma_wait3A_144 = tpu.memref_slice %arg8[%dma_wait3A_141, %dma_wait3A_142, %dma_wait3A_143] : memref<2x128x128xf32, #tpu.memory_space<vmem>> -> memref<1x128x128xf32, #tpu.memory_space<vmem>>
    %dma_wait3A_145 = tpu.memref_squeeze %dma_wait3A_144 : memref<1x128x128xf32, #tpu.memory_space<vmem>> -> memref<128x128xf32, #tpu.memory_space<vmem>>
    %dma_wait3A_146 = arith.constant 0 : i32
    %dma_wait3A_147 = tpu.memref_slice %arg6[%dma_wait3A_139, %dma_wait3A_140, %dma_wait3A_146] : memref<2x16x128xi32, #tpu.memory_space<vmem>> -> memref<1x1x128xi32, #tpu.memory_space<vmem>>
    %dma_wait3A_148 = tpu.memref_squeeze %dma_wait3A_147 : memref<1x1x128xi32, #tpu.memory_space<vmem>> -> memref<128xi32, #tpu.memory_space<vmem>>
    %dma_wait3A_149 = arith.constant 0 : i32
    %dma_wait3A_150 = arith.constant 0 : i32
    %dma_wait3A_151 = tpu.memref_slice %arg2[%dma_wait3A_149, %dma_wait3A_150] : memref<80000x128xf32, #tpu.memory_space<hbm>> -> memref<80000x128xf32, #tpu.memory_space<hbm>>
    tpu.wait_indirect_dma semaphore(%arg11 : memref<!tpu.dma_semaphore, #tpu.memory_space<semaphore_mem>>) src(%dma_wait3A_151 : memref<80000x128xf32, #tpu.memory_space<hbm>>) dst(%dma_wait3A_145 : memref<128x128xf32, #tpu.memory_space<vmem>>)
    %run_scoped3A_152 = arith.constant 1 : i32
    %run_scoped3A_153 = arith.constant 0 : i32
    %run_scoped3A_154 = arith.constant 15 : i32
    "tpu.region"() ({
      %run_scoped3A_596 = tpu.sem_alloc : memref<!tpu.dma_semaphore, #tpu.memory_space<semaphore_mem>>
      %dma_start3A_597 = arith.constant 0 : i32
      %dma_start3A_598 = arith.constant 0 : i32
      %dma_start3A_599 = tpu.memref_slice %arg8[%run_scoped3A_152, %dma_start3A_597, %dma_start3A_598] : memref<2x128x128xf32, #tpu.memory_space<vmem>> -> memref<1x128x128xf32, #tpu.memory_space<vmem>>
      %dma_start3A_600 = tpu.memref_squeeze %dma_start3A_599 : memref<1x128x128xf32, #tpu.memory_space<vmem>> -> memref<128x128xf32, #tpu.memory_space<vmem>>
      %dma_start3A_601 = arith.constant 0 : i32
      %dma_start3A_602 = tpu.memref_slice %arg7[%run_scoped3A_153, %run_scoped3A_154, %dma_start3A_601] : memref<2x16x128xi32, #tpu.memory_space<vmem>> -> memref<1x1x128xi32, #tpu.memory_space<vmem>>
      %dma_start3A_603 = tpu.memref_squeeze %dma_start3A_602 : memref<1x1x128xi32, #tpu.memory_space<vmem>> -> memref<128xi32, #tpu.memory_space<vmem>>
      %dma_start3A_604 = arith.constant 0 : i32
      %dma_start3A_605 = arith.constant 0 : i32
      %dma_start3A_606 = tpu.memref_slice %arg9[%dma_start3A_604, %dma_start3A_605] : memref<10240x128xf32, #tpu.memory_space<vmem_shared>> -> memref<10240x128xf32, #tpu.memory_space<vmem_shared>>
      tpu.enqueue_indirect_dma source(%dma_start3A_600 : memref<128x128xf32, #tpu.memory_space<vmem>>) target(%dma_start3A_606 : memref<10240x128xf32, #tpu.memory_space<vmem_shared>>) offsets(%dma_start3A_603 : memref<128xi32, #tpu.memory_space<vmem>>) semaphore(%run_scoped3A_596 : memref<!tpu.dma_semaphore, #tpu.memory_space<semaphore_mem>>) {add = true}
      %dma_wait3A_607 = arith.constant 0 : i32
      %dma_wait3A_608 = arith.constant 0 : i32
      %dma_wait3A_609 = tpu.memref_slice %arg8[%run_scoped3A_152, %dma_wait3A_607, %dma_wait3A_608] : memref<2x128x128xf32, #tpu.memory_space<vmem>> -> memref<1x128x128xf32, #tpu.memory_space<vmem>>
      %dma_wait3A_610 = tpu.memref_squeeze %dma_wait3A_609 : memref<1x128x128xf32, #tpu.memory_space<vmem>> -> memref<128x128xf32, #tpu.memory_space<vmem>>
      %dma_wait3A_611 = arith.constant 0 : i32
      %dma_wait3A_612 = tpu.memref_slice %arg7[%run_scoped3A_153, %run_scoped3A_154, %dma_wait3A_611] : memref<2x16x128xi32, #tpu.memory_space<vmem>> -> memref<1x1x128xi32, #tpu.memory_space<vmem>>
      %dma_wait3A_613 = tpu.memref_squeeze %dma_wait3A_612 : memref<1x1x128xi32, #tpu.memory_space<vmem>> -> memref<128xi32, #tpu.memory_space<vmem>>
      %dma_wait3A_614 = arith.constant 0 : i32
      %dma_wait3A_615 = arith.constant 0 : i32
      %dma_wait3A_616 = tpu.memref_slice %arg9[%dma_wait3A_614, %dma_wait3A_615] : memref<10240x128xf32, #tpu.memory_space<vmem_shared>> -> memref<10240x128xf32, #tpu.memory_space<vmem_shared>>
      tpu.wait_indirect_dma semaphore(%run_scoped3A_596 : memref<!tpu.dma_semaphore, #tpu.memory_space<semaphore_mem>>) src(%dma_wait3A_610 : memref<128x128xf32, #tpu.memory_space<vmem>>) dst(%dma_wait3A_616 : memref<10240x128xf32, #tpu.memory_space<vmem_shared>>)
      tpu.yield
    }) : () -> ()
    %dma_start3A_155 = arith.constant 1 : i32
    %dma_start3A_156 = arith.constant 1 : i32
    %dma_start3A_157 = arith.constant 1 : i32
    %dma_start3A_158 = arith.constant 0 : i32
    %dma_start3A_159 = arith.constant 0 : i32
    %dma_start3A_160 = tpu.memref_slice %arg8[%dma_start3A_157, %dma_start3A_158, %dma_start3A_159] : memref<2x128x128xf32, #tpu.memory_space<vmem>> -> memref<1x128x128xf32, #tpu.memory_space<vmem>>
    %dma_start3A_161 = tpu.memref_squeeze %dma_start3A_160 : memref<1x128x128xf32, #tpu.memory_space<vmem>> -> memref<128x128xf32, #tpu.memory_space<vmem>>
    %dma_start3A_162 = arith.constant 0 : i32
    %dma_start3A_163 = tpu.memref_slice %arg6[%dma_start3A_155, %dma_start3A_156, %dma_start3A_162] : memref<2x16x128xi32, #tpu.memory_space<vmem>> -> memref<1x1x128xi32, #tpu.memory_space<vmem>>
    %dma_start3A_164 = tpu.memref_squeeze %dma_start3A_163 : memref<1x1x128xi32, #tpu.memory_space<vmem>> -> memref<128xi32, #tpu.memory_space<vmem>>
    %dma_start3A_165 = arith.constant 0 : i32
    %dma_start3A_166 = arith.constant 0 : i32
    %dma_start3A_167 = tpu.memref_slice %arg2[%dma_start3A_165, %dma_start3A_166] : memref<80000x128xf32, #tpu.memory_space<hbm>> -> memref<80000x128xf32, #tpu.memory_space<hbm>>
    tpu.enqueue_indirect_dma source(%dma_start3A_167 : memref<80000x128xf32, #tpu.memory_space<hbm>>) target(%dma_start3A_161 : memref<128x128xf32, #tpu.memory_space<vmem>>) offsets(%dma_start3A_164 : memref<128xi32, #tpu.memory_space<vmem>>) semaphore(%arg11 : memref<!tpu.dma_semaphore, #tpu.memory_space<semaphore_mem>>)
    %add3A_168 = arith.constant 32 : i32
    %add3A_169 = arith.addi %mul3A_0, %add3A_168 : i32
    %mul3A_170 = arith.constant 1280 : i32
    %mul3A_171 = arith.muli %arg0, %mul3A_170 : i32
    %add3A_172 = arith.addi %mul3A_171, %add3A_169 : i32
    %dma_start3A_173 = arith.constant 0 : i32
    %dma_start3A_174 = arith.constant 0 : i32
    %dma_start3A_175 = arith.constant 0 : i32
    %dma_start3A_176 = tpu.memref_slice %arg6[%dma_start3A_173, %dma_start3A_174, %dma_start3A_175] : memref<2x16x128xi32, #tpu.memory_space<vmem>> -> memref<1x16x128xi32, #tpu.memory_space<vmem>>
    %dma_start3A_177 = tpu.memref_squeeze %dma_start3A_176 : memref<1x16x128xi32, #tpu.memory_space<vmem>> -> memref<16x128xi32, #tpu.memory_space<vmem>>
    %dma_start3A_178 = arith.constant 0 : i32
    %dma_start3A_179 = tpu.memref_slice %arg3[%add3A_172, %dma_start3A_178] : memref<2560x128xi32, #tpu.memory_space<hbm>> -> memref<16x128xi32, #tpu.memory_space<hbm>>
    %dma_start3A_180 = arith.constant 0 : i32
    %dma_start3A_181 = arith.constant 0 : i32
    %dma_start3A_182 = tpu.memref_slice %arg6[%dma_start3A_173, %dma_start3A_180, %dma_start3A_181] : memref<2x16x128xi32, #tpu.memory_space<vmem>> -> memref<1x16x128xi32, #tpu.memory_space<vmem>>
    %dma_start3A_183 = tpu.memref_squeeze %dma_start3A_182 : memref<1x16x128xi32, #tpu.memory_space<vmem>> -> memref<16x128xi32, #tpu.memory_space<vmem>>
    %dma_start3A_184 = arith.constant 0 : i32
    %dma_start3A_185 = tpu.memref_slice %arg3[%add3A_172, %dma_start3A_184] : memref<2560x128xi32, #tpu.memory_space<hbm>> -> memref<16x128xi32, #tpu.memory_space<hbm>>
    tpu.enqueue_dma source(%dma_start3A_185 : memref<16x128xi32, #tpu.memory_space<hbm>>) target(%dma_start3A_183 : memref<16x128xi32, #tpu.memory_space<vmem>>) target_semaphore(%arg12 : memref<!tpu.dma_semaphore, #tpu.memory_space<semaphore_mem>>)
    %dma_start3A_186 = arith.constant 0 : i32
    %dma_start3A_187 = arith.constant 0 : i32
    %dma_start3A_188 = arith.constant 0 : i32
    %dma_start3A_189 = tpu.memref_slice %arg7[%dma_start3A_186, %dma_start3A_187, %dma_start3A_188] : memref<2x16x128xi32, #tpu.memory_space<vmem>> -> memref<1x16x128xi32, #tpu.memory_space<vmem>>
    %dma_start3A_190 = tpu.memref_squeeze %dma_start3A_189 : memref<1x16x128xi32, #tpu.memory_space<vmem>> -> memref<16x128xi32, #tpu.memory_space<vmem>>
    %dma_start3A_191 = arith.constant 0 : i32
    %dma_start3A_192 = tpu.memref_slice %arg4[%add3A_169, %dma_start3A_191] : memref<1280x128xi32, #tpu.memory_space<hbm>> -> memref<16x128xi32, #tpu.memory_space<hbm>>
    %dma_start3A_193 = arith.constant 0 : i32
    %dma_start3A_194 = arith.constant 0 : i32
    %dma_start3A_195 = tpu.memref_slice %arg7[%dma_start3A_186, %dma_start3A_193, %dma_start3A_194] : memref<2x16x128xi32, #tpu.memory_space<vmem>> -> memref<1x16x128xi32, #tpu.memory_space<vmem>>
    %dma_start3A_196 = tpu.memref_squeeze %dma_start3A_195 : memref<1x16x128xi32, #tpu.memory_space<vmem>> -> memref<16x128xi32, #tpu.memory_space<vmem>>
    %dma_start3A_197 = arith.constant 0 : i32
    %dma_start3A_198 = tpu.memref_slice %arg4[%add3A_169, %dma_start3A_197] : memref<1280x128xi32, #tpu.memory_space<hbm>> -> memref<16x128xi32, #tpu.memory_space<hbm>>
    tpu.enqueue_dma source(%dma_start3A_198 : memref<16x128xi32, #tpu.memory_space<hbm>>) target(%dma_start3A_196 : memref<16x128xi32, #tpu.memory_space<vmem>>) target_semaphore(%arg12 : memref<!tpu.dma_semaphore, #tpu.memory_space<semaphore_mem>>)
    %scan3A_199 = arith.constant 0 : i32
    %scan3A_200 = arith.constant 0 : i32
    %scan3A_201 = arith.constant 7 : i32
    %scan3A_202 = arith.addi %scan3A_200, %scan3A_201 : i32
    %scan3A_203 = arith.constant 1 : i32
    %scan3A_204 = scf.for %scan3A_596 = %scan3A_200 to %scan3A_202 step %scan3A_203 iter_args(%scan3A_597 = %scan3A_199) -> (i32)  : i32 {
      %mul3A_598 = arith.constant 2 : i32
      %mul3A_599 = arith.muli %scan3A_596, %mul3A_598 : i32
      %add3A_600 = arith.constant 0 : i32
      %add3A_601 = arith.addi %mul3A_599, %add3A_600 : i32
      %dma_wait3A_602 = arith.constant 1 : i32
      %dma_wait3A_603 = arith.constant 0 : i32
      %dma_wait3A_604 = arith.constant 0 : i32
      %dma_wait3A_605 = arith.constant 0 : i32
      %dma_wait3A_606 = tpu.memref_slice %arg8[%dma_wait3A_603, %dma_wait3A_604, %dma_wait3A_605] : memref<2x128x128xf32, #tpu.memory_space<vmem>> -> memref<1x128x128xf32, #tpu.memory_space<vmem>>
      %dma_wait3A_607 = tpu.memref_squeeze %dma_wait3A_606 : memref<1x128x128xf32, #tpu.memory_space<vmem>> -> memref<128x128xf32, #tpu.memory_space<vmem>>
      %dma_wait3A_608 = arith.constant 0 : i32
      %dma_wait3A_609 = tpu.memref_slice %arg6[%dma_wait3A_602, %add3A_601, %dma_wait3A_608] : memref<2x16x128xi32, #tpu.memory_space<vmem>> -> memref<1x1x128xi32, #tpu.memory_space<vmem>>
      %dma_wait3A_610 = tpu.memref_squeeze %dma_wait3A_609 : memref<1x1x128xi32, #tpu.memory_space<vmem>> -> memref<128xi32, #tpu.memory_space<vmem>>
      %dma_wait3A_611 = arith.constant 0 : i32
      %dma_wait3A_612 = arith.constant 0 : i32
      %dma_wait3A_613 = tpu.memref_slice %arg2[%dma_wait3A_611, %dma_wait3A_612] : memref<80000x128xf32, #tpu.memory_space<hbm>> -> memref<80000x128xf32, #tpu.memory_space<hbm>>
      tpu.wait_indirect_dma semaphore(%arg10 : memref<!tpu.dma_semaphore, #tpu.memory_space<semaphore_mem>>) src(%dma_wait3A_613 : memref<80000x128xf32, #tpu.memory_space<hbm>>) dst(%dma_wait3A_607 : memref<128x128xf32, #tpu.memory_space<vmem>>)
      %run_scoped3A_614 = arith.constant 0 : i32
      %run_scoped3A_615 = arith.constant 1 : i32
      "tpu.region"() ({
        %run_scoped3A_663 = tpu.sem_alloc : memref<!tpu.dma_semaphore, #tpu.memory_space<semaphore_mem>>
        %dma_start3A_664 = arith.constant 0 : i32
        %dma_start3A_665 = arith.constant 0 : i32
        %dma_start3A_666 = tpu.memref_slice %arg8[%run_scoped3A_614, %dma_start3A_664, %dma_start3A_665] : memref<2x128x128xf32, #tpu.memory_space<vmem>> -> memref<1x128x128xf32, #tpu.memory_space<vmem>>
        %dma_start3A_667 = tpu.memref_squeeze %dma_start3A_666 : memref<1x128x128xf32, #tpu.memory_space<vmem>> -> memref<128x128xf32, #tpu.memory_space<vmem>>
        %dma_start3A_668 = arith.constant 0 : i32
        %dma_start3A_669 = tpu.memref_slice %arg7[%run_scoped3A_615, %add3A_601, %dma_start3A_668] : memref<2x16x128xi32, #tpu.memory_space<vmem>> -> memref<1x1x128xi32, #tpu.memory_space<vmem>>
        %dma_start3A_670 = tpu.memref_squeeze %dma_start3A_669 : memref<1x1x128xi32, #tpu.memory_space<vmem>> -> memref<128xi32, #tpu.memory_space<vmem>>
        %dma_start3A_671 = arith.constant 0 : i32
        %dma_start3A_672 = arith.constant 0 : i32
        %dma_start3A_673 = tpu.memref_slice %arg9[%dma_start3A_671, %dma_start3A_672] : memref<10240x128xf32, #tpu.memory_space<vmem_shared>> -> memref<10240x128xf32, #tpu.memory_space<vmem_shared>>
        tpu.enqueue_indirect_dma source(%dma_start3A_667 : memref<128x128xf32, #tpu.memory_space<vmem>>) target(%dma_start3A_673 : memref<10240x128xf32, #tpu.memory_space<vmem_shared>>) offsets(%dma_start3A_670 : memref<128xi32, #tpu.memory_space<vmem>>) semaphore(%run_scoped3A_663 : memref<!tpu.dma_semaphore, #tpu.memory_space<semaphore_mem>>) {add = true}
        %dma_wait3A_674 = arith.constant 0 : i32
        %dma_wait3A_675 = arith.constant 0 : i32
        %dma_wait3A_676 = tpu.memref_slice %arg8[%run_scoped3A_614, %dma_wait3A_674, %dma_wait3A_675] : memref<2x128x128xf32, #tpu.memory_space<vmem>> -> memref<1x128x128xf32, #tpu.memory_space<vmem>>
        %dma_wait3A_677 = tpu.memref_squeeze %dma_wait3A_676 : memref<1x128x128xf32, #tpu.memory_space<vmem>> -> memref<128x128xf32, #tpu.memory_space<vmem>>
        %dma_wait3A_678 = arith.constant 0 : i32
        %dma_wait3A_679 = tpu.memref_slice %arg7[%run_scoped3A_615, %add3A_601, %dma_wait3A_678] : memref<2x16x128xi32, #tpu.memory_space<vmem>> -> memref<1x1x128xi32, #tpu.memory_space<vmem>>
        %dma_wait3A_680 = tpu.memref_squeeze %dma_wait3A_679 : memref<1x1x128xi32, #tpu.memory_space<vmem>> -> memref<128xi32, #tpu.memory_space<vmem>>
        %dma_wait3A_681 = arith.constant 0 : i32
        %dma_wait3A_682 = arith.constant 0 : i32
        %dma_wait3A_683 = tpu.memref_slice %arg9[%dma_wait3A_681, %dma_wait3A_682] : memref<10240x128xf32, #tpu.memory_space<vmem_shared>> -> memref<10240x128xf32, #tpu.memory_space<vmem_shared>>
        tpu.wait_indirect_dma semaphore(%run_scoped3A_663 : memref<!tpu.dma_semaphore, #tpu.memory_space<semaphore_mem>>) src(%dma_wait3A_677 : memref<128x128xf32, #tpu.memory_space<vmem>>) dst(%dma_wait3A_683 : memref<10240x128xf32, #tpu.memory_space<vmem_shared>>)
        tpu.yield
      }) : () -> ()
      %add3A_616 = arith.constant 2 : i32
      %add3A_617 = arith.addi %add3A_601, %add3A_616 : i32
      %dma_start3A_618 = arith.constant 1 : i32
      %dma_start3A_619 = arith.constant 0 : i32
      %dma_start3A_620 = arith.constant 0 : i32
      %dma_start3A_621 = arith.constant 0 : i32
      %dma_start3A_622 = tpu.memref_slice %arg8[%dma_start3A_619, %dma_start3A_620, %dma_start3A_621] : memref<2x128x128xf32, #tpu.memory_space<vmem>> -> memref<1x128x128xf32, #tpu.memory_space<vmem>>
      %dma_start3A_623 = tpu.memref_squeeze %dma_start3A_622 : memref<1x128x128xf32, #tpu.memory_space<vmem>> -> memref<128x128xf32, #tpu.memory_space<vmem>>
      %dma_start3A_624 = arith.constant 0 : i32
      %dma_start3A_625 = tpu.memref_slice %arg6[%dma_start3A_618, %add3A_617, %dma_start3A_624] : memref<2x16x128xi32, #tpu.memory_space<vmem>> -> memref<1x1x128xi32, #tpu.memory_space<vmem>>
      %dma_start3A_626 = tpu.memref_squeeze %dma_start3A_625 : memref<1x1x128xi32, #tpu.memory_space<vmem>> -> memref<128xi32, #tpu.memory_space<vmem>>
      %dma_start3A_627 = arith.constant 0 : i32
      %dma_start3A_628 = arith.constant 0 : i32
      %dma_start3A_629 = tpu.memref_slice %arg2[%dma_start3A_627, %dma_start3A_628] : memref<80000x128xf32, #tpu.memory_space<hbm>> -> memref<80000x128xf32, #tpu.memory_space<hbm>>
      tpu.enqueue_indirect_dma source(%dma_start3A_629 : memref<80000x128xf32, #tpu.memory_space<hbm>>) target(%dma_start3A_623 : memref<128x128xf32, #tpu.memory_space<vmem>>) offsets(%dma_start3A_626 : memref<128xi32, #tpu.memory_space<vmem>>) semaphore(%arg10 : memref<!tpu.dma_semaphore, #tpu.memory_space<semaphore_mem>>)
      %mul3A_630 = arith.constant 2 : i32
      %mul3A_631 = arith.muli %scan3A_596, %mul3A_630 : i32
      %add3A_632 = arith.constant 1 : i32
      %add3A_633 = arith.addi %mul3A_631, %add3A_632 : i32
      %dma_wait3A_634 = arith.constant 1 : i32
      %dma_wait3A_635 = arith.constant 1 : i32
      %dma_wait3A_636 = arith.constant 0 : i32
      %dma_wait3A_637 = arith.constant 0 : i32
      %dma_wait3A_638 = tpu.memref_slice %arg8[%dma_wait3A_635, %dma_wait3A_636, %dma_wait3A_637] : memref<2x128x128xf32, #tpu.memory_space<vmem>> -> memref<1x128x128xf32, #tpu.memory_space<vmem>>
      %dma_wait3A_639 = tpu.memref_squeeze %dma_wait3A_638 : memref<1x128x128xf32, #tpu.memory_space<vmem>> -> memref<128x128xf32, #tpu.memory_space<vmem>>
      %dma_wait3A_640 = arith.constant 0 : i32
      %dma_wait3A_641 = tpu.memref_slice %arg6[%dma_wait3A_634, %add3A_633, %dma_wait3A_640] : memref<2x16x128xi32, #tpu.memory_space<vmem>> -> memref<1x1x128xi32, #tpu.memory_space<vmem>>
      %dma_wait3A_642 = tpu.memref_squeeze %dma_wait3A_641 : memref<1x1x128xi32, #tpu.memory_space<vmem>> -> memref<128xi32, #tpu.memory_space<vmem>>
      %dma_wait3A_643 = arith.constant 0 : i32
      %dma_wait3A_644 = arith.constant 0 : i32
      %dma_wait3A_645 = tpu.memref_slice %arg2[%dma_wait3A_643, %dma_wait3A_644] : memref<80000x128xf32, #tpu.memory_space<hbm>> -> memref<80000x128xf32, #tpu.memory_space<hbm>>
      tpu.wait_indirect_dma semaphore(%arg11 : memref<!tpu.dma_semaphore, #tpu.memory_space<semaphore_mem>>) src(%dma_wait3A_645 : memref<80000x128xf32, #tpu.memory_space<hbm>>) dst(%dma_wait3A_639 : memref<128x128xf32, #tpu.memory_space<vmem>>)
      %run_scoped3A_646 = arith.constant 1 : i32
      %run_scoped3A_647 = arith.constant 1 : i32
      "tpu.region"() ({
        %run_scoped3A_663 = tpu.sem_alloc : memref<!tpu.dma_semaphore, #tpu.memory_space<semaphore_mem>>
        %dma_start3A_664 = arith.constant 0 : i32
        %dma_start3A_665 = arith.constant 0 : i32
        %dma_start3A_666 = tpu.memref_slice %arg8[%run_scoped3A_646, %dma_start3A_664, %dma_start3A_665] : memref<2x128x128xf32, #tpu.memory_space<vmem>> -> memref<1x128x128xf32, #tpu.memory_space<vmem>>
        %dma_start3A_667 = tpu.memref_squeeze %dma_start3A_666 : memref<1x128x128xf32, #tpu.memory_space<vmem>> -> memref<128x128xf32, #tpu.memory_space<vmem>>
        %dma_start3A_668 = arith.constant 0 : i32
        %dma_start3A_669 = tpu.memref_slice %arg7[%run_scoped3A_647, %add3A_633, %dma_start3A_668] : memref<2x16x128xi32, #tpu.memory_space<vmem>> -> memref<1x1x128xi32, #tpu.memory_space<vmem>>
        %dma_start3A_670 = tpu.memref_squeeze %dma_start3A_669 : memref<1x1x128xi32, #tpu.memory_space<vmem>> -> memref<128xi32, #tpu.memory_space<vmem>>
        %dma_start3A_671 = arith.constant 0 : i32
        %dma_start3A_672 = arith.constant 0 : i32
        %dma_start3A_673 = tpu.memref_slice %arg9[%dma_start3A_671, %dma_start3A_672] : memref<10240x128xf32, #tpu.memory_space<vmem_shared>> -> memref<10240x128xf32, #tpu.memory_space<vmem_shared>>
        tpu.enqueue_indirect_dma source(%dma_start3A_667 : memref<128x128xf32, #tpu.memory_space<vmem>>) target(%dma_start3A_673 : memref<10240x128xf32, #tpu.memory_space<vmem_shared>>) offsets(%dma_start3A_670 : memref<128xi32, #tpu.memory_space<vmem>>) semaphore(%run_scoped3A_663 : memref<!tpu.dma_semaphore, #tpu.memory_space<semaphore_mem>>) {add = true}
        %dma_wait3A_674 = arith.constant 0 : i32
        %dma_wait3A_675 = arith.constant 0 : i32
        %dma_wait3A_676 = tpu.memref_slice %arg8[%run_scoped3A_646, %dma_wait3A_674, %dma_wait3A_675] : memref<2x128x128xf32, #tpu.memory_space<vmem>> -> memref<1x128x128xf32, #tpu.memory_space<vmem>>
        %dma_wait3A_677 = tpu.memref_squeeze %dma_wait3A_676 : memref<1x128x128xf32, #tpu.memory_space<vmem>> -> memref<128x128xf32, #tpu.memory_space<vmem>>
        %dma_wait3A_678 = arith.constant 0 : i32
        %dma_wait3A_679 = tpu.memref_slice %arg7[%run_scoped3A_647, %add3A_633, %dma_wait3A_678] : memref<2x16x128xi32, #tpu.memory_space<vmem>> -> memref<1x1x128xi32, #tpu.memory_space<vmem>>
        %dma_wait3A_680 = tpu.memref_squeeze %dma_wait3A_679 : memref<1x1x128xi32, #tpu.memory_space<vmem>> -> memref<128xi32, #tpu.memory_space<vmem>>
        %dma_wait3A_681 = arith.constant 0 : i32
        %dma_wait3A_682 = arith.constant 0 : i32
        %dma_wait3A_683 = tpu.memref_slice %arg9[%dma_wait3A_681, %dma_wait3A_682] : memref<10240x128xf32, #tpu.memory_space<vmem_shared>> -> memref<10240x128xf32, #tpu.memory_space<vmem_shared>>
        tpu.wait_indirect_dma semaphore(%run_scoped3A_663 : memref<!tpu.dma_semaphore, #tpu.memory_space<semaphore_mem>>) src(%dma_wait3A_677 : memref<128x128xf32, #tpu.memory_space<vmem>>) dst(%dma_wait3A_683 : memref<10240x128xf32, #tpu.memory_space<vmem_shared>>)
        tpu.yield
      }) : () -> ()
      %add3A_648 = arith.constant 2 : i32
      %add3A_649 = arith.addi %add3A_633, %add3A_648 : i32
      %dma_start3A_650 = arith.constant 1 : i32
      %dma_start3A_651 = arith.constant 1 : i32
      %dma_start3A_652 = arith.constant 0 : i32
      %dma_start3A_653 = arith.constant 0 : i32
      %dma_start3A_654 = tpu.memref_slice %arg8[%dma_start3A_651, %dma_start3A_652, %dma_start3A_653] : memref<2x128x128xf32, #tpu.memory_space<vmem>> -> memref<1x128x128xf32, #tpu.memory_space<vmem>>
      %dma_start3A_655 = tpu.memref_squeeze %dma_start3A_654 : memref<1x128x128xf32, #tpu.memory_space<vmem>> -> memref<128x128xf32, #tpu.memory_space<vmem>>
      %dma_start3A_656 = arith.constant 0 : i32
      %dma_start3A_657 = tpu.memref_slice %arg6[%dma_start3A_650, %add3A_649, %dma_start3A_656] : memref<2x16x128xi32, #tpu.memory_space<vmem>> -> memref<1x1x128xi32, #tpu.memory_space<vmem>>
      %dma_start3A_658 = tpu.memref_squeeze %dma_start3A_657 : memref<1x1x128xi32, #tpu.memory_space<vmem>> -> memref<128xi32, #tpu.memory_space<vmem>>
      %dma_start3A_659 = arith.constant 0 : i32
      %dma_start3A_660 = arith.constant 0 : i32
      %dma_start3A_661 = tpu.memref_slice %arg2[%dma_start3A_659, %dma_start3A_660] : memref<80000x128xf32, #tpu.memory_space<hbm>> -> memref<80000x128xf32, #tpu.memory_space<hbm>>
      tpu.enqueue_indirect_dma source(%dma_start3A_661 : memref<80000x128xf32, #tpu.memory_space<hbm>>) target(%dma_start3A_655 : memref<128x128xf32, #tpu.memory_space<vmem>>) offsets(%dma_start3A_658 : memref<128xi32, #tpu.memory_space<vmem>>) semaphore(%arg11 : memref<!tpu.dma_semaphore, #tpu.memory_space<semaphore_mem>>)
      %scan3A_662 = arith.constant 0 : i32
      scf.yield %scan3A_662 : i32
    }
    %scan3A_205 = arith.constant 7 : i32
    %add3A_206 = arith.constant 32 : i32
    %add3A_207 = arith.addi %mul3A_0, %add3A_206 : i32
    %mul3A_208 = arith.constant 1280 : i32
    %mul3A_209 = arith.muli %arg0, %mul3A_208 : i32
    %add3A_210 = arith.addi %mul3A_209, %add3A_207 : i32
    %dma_wait3A_211 = arith.constant 0 : i32
    %dma_wait3A_212 = arith.constant 0 : i32
    %dma_wait3A_213 = arith.constant 0 : i32
    %dma_wait3A_214 = tpu.memref_slice %arg6[%dma_wait3A_211, %dma_wait3A_212, %dma_wait3A_213] : memref<2x16x128xi32, #tpu.memory_space<vmem>> -> memref<1x16x128xi32, #tpu.memory_space<vmem>>
    %dma_wait3A_215 = tpu.memref_squeeze %dma_wait3A_214 : memref<1x16x128xi32, #tpu.memory_space<vmem>> -> memref<16x128xi32, #tpu.memory_space<vmem>>
    %dma_wait3A_216 = arith.constant 0 : i32
    %dma_wait3A_217 = tpu.memref_slice %arg3[%add3A_210, %dma_wait3A_216] : memref<2560x128xi32, #tpu.memory_space<hbm>> -> memref<16x128xi32, #tpu.memory_space<hbm>>
    %dma_wait3A_218 = arith.constant 0 : i32
    %dma_wait3A_219 = arith.constant 0 : i32
    %dma_wait3A_220 = tpu.memref_slice %arg6[%dma_wait3A_211, %dma_wait3A_218, %dma_wait3A_219] : memref<2x16x128xi32, #tpu.memory_space<vmem>> -> memref<1x16x128xi32, #tpu.memory_space<vmem>>
    %dma_wait3A_221 = tpu.memref_squeeze %dma_wait3A_220 : memref<1x16x128xi32, #tpu.memory_space<vmem>> -> memref<16x128xi32, #tpu.memory_space<vmem>>
    %dma_wait3A_222 = arith.constant 0 : i32
    %dma_wait3A_223 = tpu.memref_slice %arg3[%add3A_210, %dma_wait3A_222] : memref<2560x128xi32, #tpu.memory_space<hbm>> -> memref<16x128xi32, #tpu.memory_space<hbm>>
    tpu.wait_dma2 semaphore(%arg12 : memref<!tpu.dma_semaphore, #tpu.memory_space<semaphore_mem>>) src(%dma_wait3A_223 : memref<16x128xi32, #tpu.memory_space<hbm>>) dst(%dma_wait3A_221 : memref<16x128xi32, #tpu.memory_space<vmem>>)
    %dma_wait3A_224 = arith.constant 0 : i32
    %dma_wait3A_225 = arith.constant 0 : i32
    %dma_wait3A_226 = arith.constant 0 : i32
    %dma_wait3A_227 = tpu.memref_slice %arg7[%dma_wait3A_224, %dma_wait3A_225, %dma_wait3A_226] : memref<2x16x128xi32, #tpu.memory_space<vmem>> -> memref<1x16x128xi32, #tpu.memory_space<vmem>>
    %dma_wait3A_228 = tpu.memref_squeeze %dma_wait3A_227 : memref<1x16x128xi32, #tpu.memory_space<vmem>> -> memref<16x128xi32, #tpu.memory_space<vmem>>
    %dma_wait3A_229 = arith.constant 0 : i32
    %dma_wait3A_230 = tpu.memref_slice %arg4[%add3A_207, %dma_wait3A_229] : memref<1280x128xi32, #tpu.memory_space<hbm>> -> memref<16x128xi32, #tpu.memory_space<hbm>>
    %dma_wait3A_231 = arith.constant 0 : i32
    %dma_wait3A_232 = arith.constant 0 : i32
    %dma_wait3A_233 = tpu.memref_slice %arg7[%dma_wait3A_224, %dma_wait3A_231, %dma_wait3A_232] : memref<2x16x128xi32, #tpu.memory_space<vmem>> -> memref<1x16x128xi32, #tpu.memory_space<vmem>>
    %dma_wait3A_234 = tpu.memref_squeeze %dma_wait3A_233 : memref<1x16x128xi32, #tpu.memory_space<vmem>> -> memref<16x128xi32, #tpu.memory_space<vmem>>
    %dma_wait3A_235 = arith.constant 0 : i32
    %dma_wait3A_236 = tpu.memref_slice %arg4[%add3A_207, %dma_wait3A_235] : memref<1280x128xi32, #tpu.memory_space<hbm>> -> memref<16x128xi32, #tpu.memory_space<hbm>>
    tpu.wait_dma2 semaphore(%arg12 : memref<!tpu.dma_semaphore, #tpu.memory_space<semaphore_mem>>) src(%dma_wait3A_236 : memref<16x128xi32, #tpu.memory_space<hbm>>) dst(%dma_wait3A_234 : memref<16x128xi32, #tpu.memory_space<vmem>>)
    %dma_wait3A_237 = arith.constant 1 : i32
    %dma_wait3A_238 = arith.constant 14 : i32
    %dma_wait3A_239 = arith.constant 0 : i32
    %dma_wait3A_240 = arith.constant 0 : i32
    %dma_wait3A_241 = arith.constant 0 : i32
    %dma_wait3A_242 = tpu.memref_slice %arg8[%dma_wait3A_239, %dma_wait3A_240, %dma_wait3A_241] : memref<2x128x128xf32, #tpu.memory_space<vmem>> -> memref<1x128x128xf32, #tpu.memory_space<vmem>>
    %dma_wait3A_243 = tpu.memref_squeeze %dma_wait3A_242 : memref<1x128x128xf32, #tpu.memory_space<vmem>> -> memref<128x128xf32, #tpu.memory_space<vmem>>
    %dma_wait3A_244 = arith.constant 0 : i32
    %dma_wait3A_245 = tpu.memref_slice %arg6[%dma_wait3A_237, %dma_wait3A_238, %dma_wait3A_244] : memref<2x16x128xi32, #tpu.memory_space<vmem>> -> memref<1x1x128xi32, #tpu.memory_space<vmem>>
    %dma_wait3A_246 = tpu.memref_squeeze %dma_wait3A_245 : memref<1x1x128xi32, #tpu.memory_space<vmem>> -> memref<128xi32, #tpu.memory_space<vmem>>
    %dma_wait3A_247 = arith.constant 0 : i32
    %dma_wait3A_248 = arith.constant 0 : i32
    %dma_wait3A_249 = tpu.memref_slice %arg2[%dma_wait3A_247, %dma_wait3A_248] : memref<80000x128xf32, #tpu.memory_space<hbm>> -> memref<80000x128xf32, #tpu.memory_space<hbm>>
    tpu.wait_indirect_dma semaphore(%arg10 : memref<!tpu.dma_semaphore, #tpu.memory_space<semaphore_mem>>) src(%dma_wait3A_249 : memref<80000x128xf32, #tpu.memory_space<hbm>>) dst(%dma_wait3A_243 : memref<128x128xf32, #tpu.memory_space<vmem>>)
    %run_scoped3A_250 = arith.constant 0 : i32
    %run_scoped3A_251 = arith.constant 1 : i32
    %run_scoped3A_252 = arith.constant 14 : i32
    "tpu.region"() ({
      %run_scoped3A_596 = tpu.sem_alloc : memref<!tpu.dma_semaphore, #tpu.memory_space<semaphore_mem>>
      %dma_start3A_597 = arith.constant 0 : i32
      %dma_start3A_598 = arith.constant 0 : i32
      %dma_start3A_599 = tpu.memref_slice %arg8[%run_scoped3A_250, %dma_start3A_597, %dma_start3A_598] : memref<2x128x128xf32, #tpu.memory_space<vmem>> -> memref<1x128x128xf32, #tpu.memory_space<vmem>>
      %dma_start3A_600 = tpu.memref_squeeze %dma_start3A_599 : memref<1x128x128xf32, #tpu.memory_space<vmem>> -> memref<128x128xf32, #tpu.memory_space<vmem>>
      %dma_start3A_601 = arith.constant 0 : i32
      %dma_start3A_602 = tpu.memref_slice %arg7[%run_scoped3A_251, %run_scoped3A_252, %dma_start3A_601] : memref<2x16x128xi32, #tpu.memory_space<vmem>> -> memref<1x1x128xi32, #tpu.memory_space<vmem>>
      %dma_start3A_603 = tpu.memref_squeeze %dma_start3A_602 : memref<1x1x128xi32, #tpu.memory_space<vmem>> -> memref<128xi32, #tpu.memory_space<vmem>>
      %dma_start3A_604 = arith.constant 0 : i32
      %dma_start3A_605 = arith.constant 0 : i32
      %dma_start3A_606 = tpu.memref_slice %arg9[%dma_start3A_604, %dma_start3A_605] : memref<10240x128xf32, #tpu.memory_space<vmem_shared>> -> memref<10240x128xf32, #tpu.memory_space<vmem_shared>>
      tpu.enqueue_indirect_dma source(%dma_start3A_600 : memref<128x128xf32, #tpu.memory_space<vmem>>) target(%dma_start3A_606 : memref<10240x128xf32, #tpu.memory_space<vmem_shared>>) offsets(%dma_start3A_603 : memref<128xi32, #tpu.memory_space<vmem>>) semaphore(%run_scoped3A_596 : memref<!tpu.dma_semaphore, #tpu.memory_space<semaphore_mem>>) {add = true}
      %dma_wait3A_607 = arith.constant 0 : i32
      %dma_wait3A_608 = arith.constant 0 : i32
      %dma_wait3A_609 = tpu.memref_slice %arg8[%run_scoped3A_250, %dma_wait3A_607, %dma_wait3A_608] : memref<2x128x128xf32, #tpu.memory_space<vmem>> -> memref<1x128x128xf32, #tpu.memory_space<vmem>>
      %dma_wait3A_610 = tpu.memref_squeeze %dma_wait3A_609 : memref<1x128x128xf32, #tpu.memory_space<vmem>> -> memref<128x128xf32, #tpu.memory_space<vmem>>
      %dma_wait3A_611 = arith.constant 0 : i32
      %dma_wait3A_612 = tpu.memref_slice %arg7[%run_scoped3A_251, %run_scoped3A_252, %dma_wait3A_611] : memref<2x16x128xi32, #tpu.memory_space<vmem>> -> memref<1x1x128xi32, #tpu.memory_space<vmem>>
      %dma_wait3A_613 = tpu.memref_squeeze %dma_wait3A_612 : memref<1x1x128xi32, #tpu.memory_space<vmem>> -> memref<128xi32, #tpu.memory_space<vmem>>
      %dma_wait3A_614 = arith.constant 0 : i32
      %dma_wait3A_615 = arith.constant 0 : i32
      %dma_wait3A_616 = tpu.memref_slice %arg9[%dma_wait3A_614, %dma_wait3A_615] : memref<10240x128xf32, #tpu.memory_space<vmem_shared>> -> memref<10240x128xf32, #tpu.memory_space<vmem_shared>>
      tpu.wait_indirect_dma semaphore(%run_scoped3A_596 : memref<!tpu.dma_semaphore, #tpu.memory_space<semaphore_mem>>) src(%dma_wait3A_610 : memref<128x128xf32, #tpu.memory_space<vmem>>) dst(%dma_wait3A_616 : memref<10240x128xf32, #tpu.memory_space<vmem_shared>>)
      tpu.yield
    }) : () -> ()
    %dma_start3A_253 = arith.constant 0 : i32
    %dma_start3A_254 = arith.constant 0 : i32
    %dma_start3A_255 = arith.constant 0 : i32
    %dma_start3A_256 = arith.constant 0 : i32
    %dma_start3A_257 = arith.constant 0 : i32
    %dma_start3A_258 = tpu.memref_slice %arg8[%dma_start3A_255, %dma_start3A_256, %dma_start3A_257] : memref<2x128x128xf32, #tpu.memory_space<vmem>> -> memref<1x128x128xf32, #tpu.memory_space<vmem>>
    %dma_start3A_259 = tpu.memref_squeeze %dma_start3A_258 : memref<1x128x128xf32, #tpu.memory_space<vmem>> -> memref<128x128xf32, #tpu.memory_space<vmem>>
    %dma_start3A_260 = arith.constant 0 : i32
    %dma_start3A_261 = tpu.memref_slice %arg6[%dma_start3A_253, %dma_start3A_254, %dma_start3A_260] : memref<2x16x128xi32, #tpu.memory_space<vmem>> -> memref<1x1x128xi32, #tpu.memory_space<vmem>>
    %dma_start3A_262 = tpu.memref_squeeze %dma_start3A_261 : memref<1x1x128xi32, #tpu.memory_space<vmem>> -> memref<128xi32, #tpu.memory_space<vmem>>
    %dma_start3A_263 = arith.constant 0 : i32
    %dma_start3A_264 = arith.constant 0 : i32
    %dma_start3A_265 = tpu.memref_slice %arg2[%dma_start3A_263, %dma_start3A_264] : memref<80000x128xf32, #tpu.memory_space<hbm>> -> memref<80000x128xf32, #tpu.memory_space<hbm>>
    tpu.enqueue_indirect_dma source(%dma_start3A_265 : memref<80000x128xf32, #tpu.memory_space<hbm>>) target(%dma_start3A_259 : memref<128x128xf32, #tpu.memory_space<vmem>>) offsets(%dma_start3A_262 : memref<128xi32, #tpu.memory_space<vmem>>) semaphore(%arg10 : memref<!tpu.dma_semaphore, #tpu.memory_space<semaphore_mem>>)
    %dma_wait3A_266 = arith.constant 1 : i32
    %dma_wait3A_267 = arith.constant 15 : i32
    %dma_wait3A_268 = arith.constant 1 : i32
    %dma_wait3A_269 = arith.constant 0 : i32
    %dma_wait3A_270 = arith.constant 0 : i32
    %dma_wait3A_271 = tpu.memref_slice %arg8[%dma_wait3A_268, %dma_wait3A_269, %dma_wait3A_270] : memref<2x128x128xf32, #tpu.memory_space<vmem>> -> memref<1x128x128xf32, #tpu.memory_space<vmem>>
    %dma_wait3A_272 = tpu.memref_squeeze %dma_wait3A_271 : memref<1x128x128xf32, #tpu.memory_space<vmem>> -> memref<128x128xf32, #tpu.memory_space<vmem>>
    %dma_wait3A_273 = arith.constant 0 : i32
    %dma_wait3A_274 = tpu.memref_slice %arg6[%dma_wait3A_266, %dma_wait3A_267, %dma_wait3A_273] : memref<2x16x128xi32, #tpu.memory_space<vmem>> -> memref<1x1x128xi32, #tpu.memory_space<vmem>>
    %dma_wait3A_275 = tpu.memref_squeeze %dma_wait3A_274 : memref<1x1x128xi32, #tpu.memory_space<vmem>> -> memref<128xi32, #tpu.memory_space<vmem>>
    %dma_wait3A_276 = arith.constant 0 : i32
    %dma_wait3A_277 = arith.constant 0 : i32
    %dma_wait3A_278 = tpu.memref_slice %arg2[%dma_wait3A_276, %dma_wait3A_277] : memref<80000x128xf32, #tpu.memory_space<hbm>> -> memref<80000x128xf32, #tpu.memory_space<hbm>>
    tpu.wait_indirect_dma semaphore(%arg11 : memref<!tpu.dma_semaphore, #tpu.memory_space<semaphore_mem>>) src(%dma_wait3A_278 : memref<80000x128xf32, #tpu.memory_space<hbm>>) dst(%dma_wait3A_272 : memref<128x128xf32, #tpu.memory_space<vmem>>)
    %run_scoped3A_279 = arith.constant 1 : i32
    %run_scoped3A_280 = arith.constant 1 : i32
    %run_scoped3A_281 = arith.constant 15 : i32
    "tpu.region"() ({
      %run_scoped3A_596 = tpu.sem_alloc : memref<!tpu.dma_semaphore, #tpu.memory_space<semaphore_mem>>
      %dma_start3A_597 = arith.constant 0 : i32
      %dma_start3A_598 = arith.constant 0 : i32
      %dma_start3A_599 = tpu.memref_slice %arg8[%run_scoped3A_279, %dma_start3A_597, %dma_start3A_598] : memref<2x128x128xf32, #tpu.memory_space<vmem>> -> memref<1x128x128xf32, #tpu.memory_space<vmem>>
      %dma_start3A_600 = tpu.memref_squeeze %dma_start3A_599 : memref<1x128x128xf32, #tpu.memory_space<vmem>> -> memref<128x128xf32, #tpu.memory_space<vmem>>
      %dma_start3A_601 = arith.constant 0 : i32
      %dma_start3A_602 = tpu.memref_slice %arg7[%run_scoped3A_280, %run_scoped3A_281, %dma_start3A_601] : memref<2x16x128xi32, #tpu.memory_space<vmem>> -> memref<1x1x128xi32, #tpu.memory_space<vmem>>
      %dma_start3A_603 = tpu.memref_squeeze %dma_start3A_602 : memref<1x1x128xi32, #tpu.memory_space<vmem>> -> memref<128xi32, #tpu.memory_space<vmem>>
      %dma_start3A_604 = arith.constant 0 : i32
      %dma_start3A_605 = arith.constant 0 : i32
      %dma_start3A_606 = tpu.memref_slice %arg9[%dma_start3A_604, %dma_start3A_605] : memref<10240x128xf32, #tpu.memory_space<vmem_shared>> -> memref<10240x128xf32, #tpu.memory_space<vmem_shared>>
      tpu.enqueue_indirect_dma source(%dma_start3A_600 : memref<128x128xf32, #tpu.memory_space<vmem>>) target(%dma_start3A_606 : memref<10240x128xf32, #tpu.memory_space<vmem_shared>>) offsets(%dma_start3A_603 : memref<128xi32, #tpu.memory_space<vmem>>) semaphore(%run_scoped3A_596 : memref<!tpu.dma_semaphore, #tpu.memory_space<semaphore_mem>>) {add = true}
      %dma_wait3A_607 = arith.constant 0 : i32
      %dma_wait3A_608 = arith.constant 0 : i32
      %dma_wait3A_609 = tpu.memref_slice %arg8[%run_scoped3A_279, %dma_wait3A_607, %dma_wait3A_608] : memref<2x128x128xf32, #tpu.memory_space<vmem>> -> memref<1x128x128xf32, #tpu.memory_space<vmem>>
      %dma_wait3A_610 = tpu.memref_squeeze %dma_wait3A_609 : memref<1x128x128xf32, #tpu.memory_space<vmem>> -> memref<128x128xf32, #tpu.memory_space<vmem>>
      %dma_wait3A_611 = arith.constant 0 : i32
      %dma_wait3A_612 = tpu.memref_slice %arg7[%run_scoped3A_280, %run_scoped3A_281, %dma_wait3A_611] : memref<2x16x128xi32, #tpu.memory_space<vmem>> -> memref<1x1x128xi32, #tpu.memory_space<vmem>>
      %dma_wait3A_613 = tpu.memref_squeeze %dma_wait3A_612 : memref<1x1x128xi32, #tpu.memory_space<vmem>> -> memref<128xi32, #tpu.memory_space<vmem>>
      %dma_wait3A_614 = arith.constant 0 : i32
      %dma_wait3A_615 = arith.constant 0 : i32
      %dma_wait3A_616 = tpu.memref_slice %arg9[%dma_wait3A_614, %dma_wait3A_615] : memref<10240x128xf32, #tpu.memory_space<vmem_shared>> -> memref<10240x128xf32, #tpu.memory_space<vmem_shared>>
      tpu.wait_indirect_dma semaphore(%run_scoped3A_596 : memref<!tpu.dma_semaphore, #tpu.memory_space<semaphore_mem>>) src(%dma_wait3A_610 : memref<128x128xf32, #tpu.memory_space<vmem>>) dst(%dma_wait3A_616 : memref<10240x128xf32, #tpu.memory_space<vmem_shared>>)
      tpu.yield
    }) : () -> ()
    %dma_start3A_282 = arith.constant 0 : i32
    %dma_start3A_283 = arith.constant 1 : i32
    %dma_start3A_284 = arith.constant 1 : i32
    %dma_start3A_285 = arith.constant 0 : i32
    %dma_start3A_286 = arith.constant 0 : i32
    %dma_start3A_287 = tpu.memref_slice %arg8[%dma_start3A_284, %dma_start3A_285, %dma_start3A_286] : memref<2x128x128xf32, #tpu.memory_space<vmem>> -> memref<1x128x128xf32, #tpu.memory_space<vmem>>
    %dma_start3A_288 = tpu.memref_squeeze %dma_start3A_287 : memref<1x128x128xf32, #tpu.memory_space<vmem>> -> memref<128x128xf32, #tpu.memory_space<vmem>>
    %dma_start3A_289 = arith.constant 0 : i32
    %dma_start3A_290 = tpu.memref_slice %arg6[%dma_start3A_282, %dma_start3A_283, %dma_start3A_289] : memref<2x16x128xi32, #tpu.memory_space<vmem>> -> memref<1x1x128xi32, #tpu.memory_space<vmem>>
    %dma_start3A_291 = tpu.memref_squeeze %dma_start3A_290 : memref<1x1x128xi32, #tpu.memory_space<vmem>> -> memref<128xi32, #tpu.memory_space<vmem>>
    %dma_start3A_292 = arith.constant 0 : i32
    %dma_start3A_293 = arith.constant 0 : i32
    %dma_start3A_294 = tpu.memref_slice %arg2[%dma_start3A_292, %dma_start3A_293] : memref<80000x128xf32, #tpu.memory_space<hbm>> -> memref<80000x128xf32, #tpu.memory_space<hbm>>
    tpu.enqueue_indirect_dma source(%dma_start3A_294 : memref<80000x128xf32, #tpu.memory_space<hbm>>) target(%dma_start3A_288 : memref<128x128xf32, #tpu.memory_space<vmem>>) offsets(%dma_start3A_291 : memref<128xi32, #tpu.memory_space<vmem>>) semaphore(%arg11 : memref<!tpu.dma_semaphore, #tpu.memory_space<semaphore_mem>>)
    %add3A_295 = arith.constant 48 : i32
    %add3A_296 = arith.addi %mul3A_0, %add3A_295 : i32
    %mul3A_297 = arith.constant 1280 : i32
    %mul3A_298 = arith.muli %arg0, %mul3A_297 : i32
    %add3A_299 = arith.addi %mul3A_298, %add3A_296 : i32
    %dma_start3A_300 = arith.constant 1 : i32
    %dma_start3A_301 = arith.constant 0 : i32
    %dma_start3A_302 = arith.constant 0 : i32
    %dma_start3A_303 = tpu.memref_slice %arg6[%dma_start3A_300, %dma_start3A_301, %dma_start3A_302] : memref<2x16x128xi32, #tpu.memory_space<vmem>> -> memref<1x16x128xi32, #tpu.memory_space<vmem>>
    %dma_start3A_304 = tpu.memref_squeeze %dma_start3A_303 : memref<1x16x128xi32, #tpu.memory_space<vmem>> -> memref<16x128xi32, #tpu.memory_space<vmem>>
    %dma_start3A_305 = arith.constant 0 : i32
    %dma_start3A_306 = tpu.memref_slice %arg3[%add3A_299, %dma_start3A_305] : memref<2560x128xi32, #tpu.memory_space<hbm>> -> memref<16x128xi32, #tpu.memory_space<hbm>>
    %dma_start3A_307 = arith.constant 0 : i32
    %dma_start3A_308 = arith.constant 0 : i32
    %dma_start3A_309 = tpu.memref_slice %arg6[%dma_start3A_300, %dma_start3A_307, %dma_start3A_308] : memref<2x16x128xi32, #tpu.memory_space<vmem>> -> memref<1x16x128xi32, #tpu.memory_space<vmem>>
    %dma_start3A_310 = tpu.memref_squeeze %dma_start3A_309 : memref<1x16x128xi32, #tpu.memory_space<vmem>> -> memref<16x128xi32, #tpu.memory_space<vmem>>
    %dma_start3A_311 = arith.constant 0 : i32
    %dma_start3A_312 = tpu.memref_slice %arg3[%add3A_299, %dma_start3A_311] : memref<2560x128xi32, #tpu.memory_space<hbm>> -> memref<16x128xi32, #tpu.memory_space<hbm>>
    tpu.enqueue_dma source(%dma_start3A_312 : memref<16x128xi32, #tpu.memory_space<hbm>>) target(%dma_start3A_310 : memref<16x128xi32, #tpu.memory_space<vmem>>) target_semaphore(%arg12 : memref<!tpu.dma_semaphore, #tpu.memory_space<semaphore_mem>>)
    %dma_start3A_313 = arith.constant 1 : i32
    %dma_start3A_314 = arith.constant 0 : i32
    %dma_start3A_315 = arith.constant 0 : i32
    %dma_start3A_316 = tpu.memref_slice %arg7[%dma_start3A_313, %dma_start3A_314, %dma_start3A_315] : memref<2x16x128xi32, #tpu.memory_space<vmem>> -> memref<1x16x128xi32, #tpu.memory_space<vmem>>
    %dma_start3A_317 = tpu.memref_squeeze %dma_start3A_316 : memref<1x16x128xi32, #tpu.memory_space<vmem>> -> memref<16x128xi32, #tpu.memory_space<vmem>>
    %dma_start3A_318 = arith.constant 0 : i32
    %dma_start3A_319 = tpu.memref_slice %arg4[%add3A_296, %dma_start3A_318] : memref<1280x128xi32, #tpu.memory_space<hbm>> -> memref<16x128xi32, #tpu.memory_space<hbm>>
    %dma_start3A_320 = arith.constant 0 : i32
    %dma_start3A_321 = arith.constant 0 : i32
    %dma_start3A_322 = tpu.memref_slice %arg7[%dma_start3A_313, %dma_start3A_320, %dma_start3A_321] : memref<2x16x128xi32, #tpu.memory_space<vmem>> -> memref<1x16x128xi32, #tpu.memory_space<vmem>>
    %dma_start3A_323 = tpu.memref_squeeze %dma_start3A_322 : memref<1x16x128xi32, #tpu.memory_space<vmem>> -> memref<16x128xi32, #tpu.memory_space<vmem>>
    %dma_start3A_324 = arith.constant 0 : i32
    %dma_start3A_325 = tpu.memref_slice %arg4[%add3A_296, %dma_start3A_324] : memref<1280x128xi32, #tpu.memory_space<hbm>> -> memref<16x128xi32, #tpu.memory_space<hbm>>
    tpu.enqueue_dma source(%dma_start3A_325 : memref<16x128xi32, #tpu.memory_space<hbm>>) target(%dma_start3A_323 : memref<16x128xi32, #tpu.memory_space<vmem>>) target_semaphore(%arg12 : memref<!tpu.dma_semaphore, #tpu.memory_space<semaphore_mem>>)
    %scan3A_326 = arith.constant 0 : i32
    %scan3A_327 = arith.constant 0 : i32
    %scan3A_328 = arith.constant 7 : i32
    %scan3A_329 = arith.addi %scan3A_327, %scan3A_328 : i32
    %scan3A_330 = arith.constant 1 : i32
    %scan3A_331 = scf.for %scan3A_596 = %scan3A_327 to %scan3A_329 step %scan3A_330 iter_args(%scan3A_597 = %scan3A_326) -> (i32)  : i32 {
      %mul3A_598 = arith.constant 2 : i32
      %mul3A_599 = arith.muli %scan3A_596, %mul3A_598 : i32
      %add3A_600 = arith.constant 0 : i32
      %add3A_601 = arith.addi %mul3A_599, %add3A_600 : i32
      %dma_wait3A_602 = arith.constant 0 : i32
      %dma_wait3A_603 = arith.constant 0 : i32
      %dma_wait3A_604 = arith.constant 0 : i32
      %dma_wait3A_605 = arith.constant 0 : i32
      %dma_wait3A_606 = tpu.memref_slice %arg8[%dma_wait3A_603, %dma_wait3A_604, %dma_wait3A_605] : memref<2x128x128xf32, #tpu.memory_space<vmem>> -> memref<1x128x128xf32, #tpu.memory_space<vmem>>
      %dma_wait3A_607 = tpu.memref_squeeze %dma_wait3A_606 : memref<1x128x128xf32, #tpu.memory_space<vmem>> -> memref<128x128xf32, #tpu.memory_space<vmem>>
      %dma_wait3A_608 = arith.constant 0 : i32
      %dma_wait3A_609 = tpu.memref_slice %arg6[%dma_wait3A_602, %add3A_601, %dma_wait3A_608] : memref<2x16x128xi32, #tpu.memory_space<vmem>> -> memref<1x1x128xi32, #tpu.memory_space<vmem>>
      %dma_wait3A_610 = tpu.memref_squeeze %dma_wait3A_609 : memref<1x1x128xi32, #tpu.memory_space<vmem>> -> memref<128xi32, #tpu.memory_space<vmem>>
      %dma_wait3A_611 = arith.constant 0 : i32
      %dma_wait3A_612 = arith.constant 0 : i32
      %dma_wait3A_613 = tpu.memref_slice %arg2[%dma_wait3A_611, %dma_wait3A_612] : memref<80000x128xf32, #tpu.memory_space<hbm>> -> memref<80000x128xf32, #tpu.memory_space<hbm>>
      tpu.wait_indirect_dma semaphore(%arg10 : memref<!tpu.dma_semaphore, #tpu.memory_space<semaphore_mem>>) src(%dma_wait3A_613 : memref<80000x128xf32, #tpu.memory_space<hbm>>) dst(%dma_wait3A_607 : memref<128x128xf32, #tpu.memory_space<vmem>>)
      %run_scoped3A_614 = arith.constant 0 : i32
      %run_scoped3A_615 = arith.constant 0 : i32
      "tpu.region"() ({
        %run_scoped3A_663 = tpu.sem_alloc : memref<!tpu.dma_semaphore, #tpu.memory_space<semaphore_mem>>
        %dma_start3A_664 = arith.constant 0 : i32
        %dma_start3A_665 = arith.constant 0 : i32
        %dma_start3A_666 = tpu.memref_slice %arg8[%run_scoped3A_614, %dma_start3A_664, %dma_start3A_665] : memref<2x128x128xf32, #tpu.memory_space<vmem>> -> memref<1x128x128xf32, #tpu.memory_space<vmem>>
        %dma_start3A_667 = tpu.memref_squeeze %dma_start3A_666 : memref<1x128x128xf32, #tpu.memory_space<vmem>> -> memref<128x128xf32, #tpu.memory_space<vmem>>
        %dma_start3A_668 = arith.constant 0 : i32
        %dma_start3A_669 = tpu.memref_slice %arg7[%run_scoped3A_615, %add3A_601, %dma_start3A_668] : memref<2x16x128xi32, #tpu.memory_space<vmem>> -> memref<1x1x128xi32, #tpu.memory_space<vmem>>
        %dma_start3A_670 = tpu.memref_squeeze %dma_start3A_669 : memref<1x1x128xi32, #tpu.memory_space<vmem>> -> memref<128xi32, #tpu.memory_space<vmem>>
        %dma_start3A_671 = arith.constant 0 : i32
        %dma_start3A_672 = arith.constant 0 : i32
        %dma_start3A_673 = tpu.memref_slice %arg9[%dma_start3A_671, %dma_start3A_672] : memref<10240x128xf32, #tpu.memory_space<vmem_shared>> -> memref<10240x128xf32, #tpu.memory_space<vmem_shared>>
        tpu.enqueue_indirect_dma source(%dma_start3A_667 : memref<128x128xf32, #tpu.memory_space<vmem>>) target(%dma_start3A_673 : memref<10240x128xf32, #tpu.memory_space<vmem_shared>>) offsets(%dma_start3A_670 : memref<128xi32, #tpu.memory_space<vmem>>) semaphore(%run_scoped3A_663 : memref<!tpu.dma_semaphore, #tpu.memory_space<semaphore_mem>>) {add = true}
        %dma_wait3A_674 = arith.constant 0 : i32
        %dma_wait3A_675 = arith.constant 0 : i32
        %dma_wait3A_676 = tpu.memref_slice %arg8[%run_scoped3A_614, %dma_wait3A_674, %dma_wait3A_675] : memref<2x128x128xf32, #tpu.memory_space<vmem>> -> memref<1x128x128xf32, #tpu.memory_space<vmem>>
        %dma_wait3A_677 = tpu.memref_squeeze %dma_wait3A_676 : memref<1x128x128xf32, #tpu.memory_space<vmem>> -> memref<128x128xf32, #tpu.memory_space<vmem>>
        %dma_wait3A_678 = arith.constant 0 : i32
        %dma_wait3A_679 = tpu.memref_slice %arg7[%run_scoped3A_615, %add3A_601, %dma_wait3A_678] : memref<2x16x128xi32, #tpu.memory_space<vmem>> -> memref<1x1x128xi32, #tpu.memory_space<vmem>>
        %dma_wait3A_680 = tpu.memref_squeeze %dma_wait3A_679 : memref<1x1x128xi32, #tpu.memory_space<vmem>> -> memref<128xi32, #tpu.memory_space<vmem>>
        %dma_wait3A_681 = arith.constant 0 : i32
        %dma_wait3A_682 = arith.constant 0 : i32
        %dma_wait3A_683 = tpu.memref_slice %arg9[%dma_wait3A_681, %dma_wait3A_682] : memref<10240x128xf32, #tpu.memory_space<vmem_shared>> -> memref<10240x128xf32, #tpu.memory_space<vmem_shared>>
        tpu.wait_indirect_dma semaphore(%run_scoped3A_663 : memref<!tpu.dma_semaphore, #tpu.memory_space<semaphore_mem>>) src(%dma_wait3A_677 : memref<128x128xf32, #tpu.memory_space<vmem>>) dst(%dma_wait3A_683 : memref<10240x128xf32, #tpu.memory_space<vmem_shared>>)
        tpu.yield
      }) : () -> ()
      %add3A_616 = arith.constant 2 : i32
      %add3A_617 = arith.addi %add3A_601, %add3A_616 : i32
      %dma_start3A_618 = arith.constant 0 : i32
      %dma_start3A_619 = arith.constant 0 : i32
      %dma_start3A_620 = arith.constant 0 : i32
      %dma_start3A_621 = arith.constant 0 : i32
      %dma_start3A_622 = tpu.memref_slice %arg8[%dma_start3A_619, %dma_start3A_620, %dma_start3A_621] : memref<2x128x128xf32, #tpu.memory_space<vmem>> -> memref<1x128x128xf32, #tpu.memory_space<vmem>>
      %dma_start3A_623 = tpu.memref_squeeze %dma_start3A_622 : memref<1x128x128xf32, #tpu.memory_space<vmem>> -> memref<128x128xf32, #tpu.memory_space<vmem>>
      %dma_start3A_624 = arith.constant 0 : i32
      %dma_start3A_625 = tpu.memref_slice %arg6[%dma_start3A_618, %add3A_617, %dma_start3A_624] : memref<2x16x128xi32, #tpu.memory_space<vmem>> -> memref<1x1x128xi32, #tpu.memory_space<vmem>>
      %dma_start3A_626 = tpu.memref_squeeze %dma_start3A_625 : memref<1x1x128xi32, #tpu.memory_space<vmem>> -> memref<128xi32, #tpu.memory_space<vmem>>
      %dma_start3A_627 = arith.constant 0 : i32
      %dma_start3A_628 = arith.constant 0 : i32
      %dma_start3A_629 = tpu.memref_slice %arg2[%dma_start3A_627, %dma_start3A_628] : memref<80000x128xf32, #tpu.memory_space<hbm>> -> memref<80000x128xf32, #tpu.memory_space<hbm>>
      tpu.enqueue_indirect_dma source(%dma_start3A_629 : memref<80000x128xf32, #tpu.memory_space<hbm>>) target(%dma_start3A_623 : memref<128x128xf32, #tpu.memory_space<vmem>>) offsets(%dma_start3A_626 : memref<128xi32, #tpu.memory_space<vmem>>) semaphore(%arg10 : memref<!tpu.dma_semaphore, #tpu.memory_space<semaphore_mem>>)
      %mul3A_630 = arith.constant 2 : i32
      %mul3A_631 = arith.muli %scan3A_596, %mul3A_630 : i32
      %add3A_632 = arith.constant 1 : i32
      %add3A_633 = arith.addi %mul3A_631, %add3A_632 : i32
      %dma_wait3A_634 = arith.constant 0 : i32
      %dma_wait3A_635 = arith.constant 1 : i32
      %dma_wait3A_636 = arith.constant 0 : i32
      %dma_wait3A_637 = arith.constant 0 : i32
      %dma_wait3A_638 = tpu.memref_slice %arg8[%dma_wait3A_635, %dma_wait3A_636, %dma_wait3A_637] : memref<2x128x128xf32, #tpu.memory_space<vmem>> -> memref<1x128x128xf32, #tpu.memory_space<vmem>>
      %dma_wait3A_639 = tpu.memref_squeeze %dma_wait3A_638 : memref<1x128x128xf32, #tpu.memory_space<vmem>> -> memref<128x128xf32, #tpu.memory_space<vmem>>
      %dma_wait3A_640 = arith.constant 0 : i32
      %dma_wait3A_641 = tpu.memref_slice %arg6[%dma_wait3A_634, %add3A_633, %dma_wait3A_640] : memref<2x16x128xi32, #tpu.memory_space<vmem>> -> memref<1x1x128xi32, #tpu.memory_space<vmem>>
      %dma_wait3A_642 = tpu.memref_squeeze %dma_wait3A_641 : memref<1x1x128xi32, #tpu.memory_space<vmem>> -> memref<128xi32, #tpu.memory_space<vmem>>
      %dma_wait3A_643 = arith.constant 0 : i32
      %dma_wait3A_644 = arith.constant 0 : i32
      %dma_wait3A_645 = tpu.memref_slice %arg2[%dma_wait3A_643, %dma_wait3A_644] : memref<80000x128xf32, #tpu.memory_space<hbm>> -> memref<80000x128xf32, #tpu.memory_space<hbm>>
      tpu.wait_indirect_dma semaphore(%arg11 : memref<!tpu.dma_semaphore, #tpu.memory_space<semaphore_mem>>) src(%dma_wait3A_645 : memref<80000x128xf32, #tpu.memory_space<hbm>>) dst(%dma_wait3A_639 : memref<128x128xf32, #tpu.memory_space<vmem>>)
      %run_scoped3A_646 = arith.constant 1 : i32
      %run_scoped3A_647 = arith.constant 0 : i32
      "tpu.region"() ({
        %run_scoped3A_663 = tpu.sem_alloc : memref<!tpu.dma_semaphore, #tpu.memory_space<semaphore_mem>>
        %dma_start3A_664 = arith.constant 0 : i32
        %dma_start3A_665 = arith.constant 0 : i32
        %dma_start3A_666 = tpu.memref_slice %arg8[%run_scoped3A_646, %dma_start3A_664, %dma_start3A_665] : memref<2x128x128xf32, #tpu.memory_space<vmem>> -> memref<1x128x128xf32, #tpu.memory_space<vmem>>
        %dma_start3A_667 = tpu.memref_squeeze %dma_start3A_666 : memref<1x128x128xf32, #tpu.memory_space<vmem>> -> memref<128x128xf32, #tpu.memory_space<vmem>>
        %dma_start3A_668 = arith.constant 0 : i32
        %dma_start3A_669 = tpu.memref_slice %arg7[%run_scoped3A_647, %add3A_633, %dma_start3A_668] : memref<2x16x128xi32, #tpu.memory_space<vmem>> -> memref<1x1x128xi32, #tpu.memory_space<vmem>>
        %dma_start3A_670 = tpu.memref_squeeze %dma_start3A_669 : memref<1x1x128xi32, #tpu.memory_space<vmem>> -> memref<128xi32, #tpu.memory_space<vmem>>
        %dma_start3A_671 = arith.constant 0 : i32
        %dma_start3A_672 = arith.constant 0 : i32
        %dma_start3A_673 = tpu.memref_slice %arg9[%dma_start3A_671, %dma_start3A_672] : memref<10240x128xf32, #tpu.memory_space<vmem_shared>> -> memref<10240x128xf32, #tpu.memory_space<vmem_shared>>
        tpu.enqueue_indirect_dma source(%dma_start3A_667 : memref<128x128xf32, #tpu.memory_space<vmem>>) target(%dma_start3A_673 : memref<10240x128xf32, #tpu.memory_space<vmem_shared>>) offsets(%dma_start3A_670 : memref<128xi32, #tpu.memory_space<vmem>>) semaphore(%run_scoped3A_663 : memref<!tpu.dma_semaphore, #tpu.memory_space<semaphore_mem>>) {add = true}
        %dma_wait3A_674 = arith.constant 0 : i32
        %dma_wait3A_675 = arith.constant 0 : i32
        %dma_wait3A_676 = tpu.memref_slice %arg8[%run_scoped3A_646, %dma_wait3A_674, %dma_wait3A_675] : memref<2x128x128xf32, #tpu.memory_space<vmem>> -> memref<1x128x128xf32, #tpu.memory_space<vmem>>
        %dma_wait3A_677 = tpu.memref_squeeze %dma_wait3A_676 : memref<1x128x128xf32, #tpu.memory_space<vmem>> -> memref<128x128xf32, #tpu.memory_space<vmem>>
        %dma_wait3A_678 = arith.constant 0 : i32
        %dma_wait3A_679 = tpu.memref_slice %arg7[%run_scoped3A_647, %add3A_633, %dma_wait3A_678] : memref<2x16x128xi32, #tpu.memory_space<vmem>> -> memref<1x1x128xi32, #tpu.memory_space<vmem>>
        %dma_wait3A_680 = tpu.memref_squeeze %dma_wait3A_679 : memref<1x1x128xi32, #tpu.memory_space<vmem>> -> memref<128xi32, #tpu.memory_space<vmem>>
        %dma_wait3A_681 = arith.constant 0 : i32
        %dma_wait3A_682 = arith.constant 0 : i32
        %dma_wait3A_683 = tpu.memref_slice %arg9[%dma_wait3A_681, %dma_wait3A_682] : memref<10240x128xf32, #tpu.memory_space<vmem_shared>> -> memref<10240x128xf32, #tpu.memory_space<vmem_shared>>
        tpu.wait_indirect_dma semaphore(%run_scoped3A_663 : memref<!tpu.dma_semaphore, #tpu.memory_space<semaphore_mem>>) src(%dma_wait3A_677 : memref<128x128xf32, #tpu.memory_space<vmem>>) dst(%dma_wait3A_683 : memref<10240x128xf32, #tpu.memory_space<vmem_shared>>)
        tpu.yield
      }) : () -> ()
      %add3A_648 = arith.constant 2 : i32
      %add3A_649 = arith.addi %add3A_633, %add3A_648 : i32
      %dma_start3A_650 = arith.constant 0 : i32
      %dma_start3A_651 = arith.constant 1 : i32
      %dma_start3A_652 = arith.constant 0 : i32
      %dma_start3A_653 = arith.constant 0 : i32
      %dma_start3A_654 = tpu.memref_slice %arg8[%dma_start3A_651, %dma_start3A_652, %dma_start3A_653] : memref<2x128x128xf32, #tpu.memory_space<vmem>> -> memref<1x128x128xf32, #tpu.memory_space<vmem>>
      %dma_start3A_655 = tpu.memref_squeeze %dma_start3A_654 : memref<1x128x128xf32, #tpu.memory_space<vmem>> -> memref<128x128xf32, #tpu.memory_space<vmem>>
      %dma_start3A_656 = arith.constant 0 : i32
      %dma_start3A_657 = tpu.memref_slice %arg6[%dma_start3A_650, %add3A_649, %dma_start3A_656] : memref<2x16x128xi32, #tpu.memory_space<vmem>> -> memref<1x1x128xi32, #tpu.memory_space<vmem>>
      %dma_start3A_658 = tpu.memref_squeeze %dma_start3A_657 : memref<1x1x128xi32, #tpu.memory_space<vmem>> -> memref<128xi32, #tpu.memory_space<vmem>>
      %dma_start3A_659 = arith.constant 0 : i32
      %dma_start3A_660 = arith.constant 0 : i32
      %dma_start3A_661 = tpu.memref_slice %arg2[%dma_start3A_659, %dma_start3A_660] : memref<80000x128xf32, #tpu.memory_space<hbm>> -> memref<80000x128xf32, #tpu.memory_space<hbm>>
      tpu.enqueue_indirect_dma source(%dma_start3A_661 : memref<80000x128xf32, #tpu.memory_space<hbm>>) target(%dma_start3A_655 : memref<128x128xf32, #tpu.memory_space<vmem>>) offsets(%dma_start3A_658 : memref<128xi32, #tpu.memory_space<vmem>>) semaphore(%arg11 : memref<!tpu.dma_semaphore, #tpu.memory_space<semaphore_mem>>)
      %scan3A_662 = arith.constant 0 : i32
      scf.yield %scan3A_662 : i32
    }
    %scan3A_332 = arith.constant 7 : i32
    %add3A_333 = arith.constant 48 : i32
    %add3A_334 = arith.addi %mul3A_0, %add3A_333 : i32
    %mul3A_335 = arith.constant 1280 : i32
    %mul3A_336 = arith.muli %arg0, %mul3A_335 : i32
    %add3A_337 = arith.addi %mul3A_336, %add3A_334 : i32
    %dma_wait3A_338 = arith.constant 1 : i32
    %dma_wait3A_339 = arith.constant 0 : i32
    %dma_wait3A_340 = arith.constant 0 : i32
    %dma_wait3A_341 = tpu.memref_slice %arg6[%dma_wait3A_338, %dma_wait3A_339, %dma_wait3A_340] : memref<2x16x128xi32, #tpu.memory_space<vmem>> -> memref<1x16x128xi32, #tpu.memory_space<vmem>>
    %dma_wait3A_342 = tpu.memref_squeeze %dma_wait3A_341 : memref<1x16x128xi32, #tpu.memory_space<vmem>> -> memref<16x128xi32, #tpu.memory_space<vmem>>
    %dma_wait3A_343 = arith.constant 0 : i32
    %dma_wait3A_344 = tpu.memref_slice %arg3[%add3A_337, %dma_wait3A_343] : memref<2560x128xi32, #tpu.memory_space<hbm>> -> memref<16x128xi32, #tpu.memory_space<hbm>>
    %dma_wait3A_345 = arith.constant 0 : i32
    %dma_wait3A_346 = arith.constant 0 : i32
    %dma_wait3A_347 = tpu.memref_slice %arg6[%dma_wait3A_338, %dma_wait3A_345, %dma_wait3A_346] : memref<2x16x128xi32, #tpu.memory_space<vmem>> -> memref<1x16x128xi32, #tpu.memory_space<vmem>>
    %dma_wait3A_348 = tpu.memref_squeeze %dma_wait3A_347 : memref<1x16x128xi32, #tpu.memory_space<vmem>> -> memref<16x128xi32, #tpu.memory_space<vmem>>
    %dma_wait3A_349 = arith.constant 0 : i32
    %dma_wait3A_350 = tpu.memref_slice %arg3[%add3A_337, %dma_wait3A_349] : memref<2560x128xi32, #tpu.memory_space<hbm>> -> memref<16x128xi32, #tpu.memory_space<hbm>>
    tpu.wait_dma2 semaphore(%arg12 : memref<!tpu.dma_semaphore, #tpu.memory_space<semaphore_mem>>) src(%dma_wait3A_350 : memref<16x128xi32, #tpu.memory_space<hbm>>) dst(%dma_wait3A_348 : memref<16x128xi32, #tpu.memory_space<vmem>>)
    %dma_wait3A_351 = arith.constant 1 : i32
    %dma_wait3A_352 = arith.constant 0 : i32
    %dma_wait3A_353 = arith.constant 0 : i32
    %dma_wait3A_354 = tpu.memref_slice %arg7[%dma_wait3A_351, %dma_wait3A_352, %dma_wait3A_353] : memref<2x16x128xi32, #tpu.memory_space<vmem>> -> memref<1x16x128xi32, #tpu.memory_space<vmem>>
    %dma_wait3A_355 = tpu.memref_squeeze %dma_wait3A_354 : memref<1x16x128xi32, #tpu.memory_space<vmem>> -> memref<16x128xi32, #tpu.memory_space<vmem>>
    %dma_wait3A_356 = arith.constant 0 : i32
    %dma_wait3A_357 = tpu.memref_slice %arg4[%add3A_334, %dma_wait3A_356] : memref<1280x128xi32, #tpu.memory_space<hbm>> -> memref<16x128xi32, #tpu.memory_space<hbm>>
    %dma_wait3A_358 = arith.constant 0 : i32
    %dma_wait3A_359 = arith.constant 0 : i32
    %dma_wait3A_360 = tpu.memref_slice %arg7[%dma_wait3A_351, %dma_wait3A_358, %dma_wait3A_359] : memref<2x16x128xi32, #tpu.memory_space<vmem>> -> memref<1x16x128xi32, #tpu.memory_space<vmem>>
    %dma_wait3A_361 = tpu.memref_squeeze %dma_wait3A_360 : memref<1x16x128xi32, #tpu.memory_space<vmem>> -> memref<16x128xi32, #tpu.memory_space<vmem>>
    %dma_wait3A_362 = arith.constant 0 : i32
    %dma_wait3A_363 = tpu.memref_slice %arg4[%add3A_334, %dma_wait3A_362] : memref<1280x128xi32, #tpu.memory_space<hbm>> -> memref<16x128xi32, #tpu.memory_space<hbm>>
    tpu.wait_dma2 semaphore(%arg12 : memref<!tpu.dma_semaphore, #tpu.memory_space<semaphore_mem>>) src(%dma_wait3A_363 : memref<16x128xi32, #tpu.memory_space<hbm>>) dst(%dma_wait3A_361 : memref<16x128xi32, #tpu.memory_space<vmem>>)
    %dma_wait3A_364 = arith.constant 0 : i32
    %dma_wait3A_365 = arith.constant 14 : i32
    %dma_wait3A_366 = arith.constant 0 : i32
    %dma_wait3A_367 = arith.constant 0 : i32
    %dma_wait3A_368 = arith.constant 0 : i32
    %dma_wait3A_369 = tpu.memref_slice %arg8[%dma_wait3A_366, %dma_wait3A_367, %dma_wait3A_368] : memref<2x128x128xf32, #tpu.memory_space<vmem>> -> memref<1x128x128xf32, #tpu.memory_space<vmem>>
    %dma_wait3A_370 = tpu.memref_squeeze %dma_wait3A_369 : memref<1x128x128xf32, #tpu.memory_space<vmem>> -> memref<128x128xf32, #tpu.memory_space<vmem>>
    %dma_wait3A_371 = arith.constant 0 : i32
    %dma_wait3A_372 = tpu.memref_slice %arg6[%dma_wait3A_364, %dma_wait3A_365, %dma_wait3A_371] : memref<2x16x128xi32, #tpu.memory_space<vmem>> -> memref<1x1x128xi32, #tpu.memory_space<vmem>>
    %dma_wait3A_373 = tpu.memref_squeeze %dma_wait3A_372 : memref<1x1x128xi32, #tpu.memory_space<vmem>> -> memref<128xi32, #tpu.memory_space<vmem>>
    %dma_wait3A_374 = arith.constant 0 : i32
    %dma_wait3A_375 = arith.constant 0 : i32
    %dma_wait3A_376 = tpu.memref_slice %arg2[%dma_wait3A_374, %dma_wait3A_375] : memref<80000x128xf32, #tpu.memory_space<hbm>> -> memref<80000x128xf32, #tpu.memory_space<hbm>>
    tpu.wait_indirect_dma semaphore(%arg10 : memref<!tpu.dma_semaphore, #tpu.memory_space<semaphore_mem>>) src(%dma_wait3A_376 : memref<80000x128xf32, #tpu.memory_space<hbm>>) dst(%dma_wait3A_370 : memref<128x128xf32, #tpu.memory_space<vmem>>)
    %run_scoped3A_377 = arith.constant 0 : i32
    %run_scoped3A_378 = arith.constant 0 : i32
    %run_scoped3A_379 = arith.constant 14 : i32
    "tpu.region"() ({
      %run_scoped3A_596 = tpu.sem_alloc : memref<!tpu.dma_semaphore, #tpu.memory_space<semaphore_mem>>
      %dma_start3A_597 = arith.constant 0 : i32
      %dma_start3A_598 = arith.constant 0 : i32
      %dma_start3A_599 = tpu.memref_slice %arg8[%run_scoped3A_377, %dma_start3A_597, %dma_start3A_598] : memref<2x128x128xf32, #tpu.memory_space<vmem>> -> memref<1x128x128xf32, #tpu.memory_space<vmem>>
      %dma_start3A_600 = tpu.memref_squeeze %dma_start3A_599 : memref<1x128x128xf32, #tpu.memory_space<vmem>> -> memref<128x128xf32, #tpu.memory_space<vmem>>
      %dma_start3A_601 = arith.constant 0 : i32
      %dma_start3A_602 = tpu.memref_slice %arg7[%run_scoped3A_378, %run_scoped3A_379, %dma_start3A_601] : memref<2x16x128xi32, #tpu.memory_space<vmem>> -> memref<1x1x128xi32, #tpu.memory_space<vmem>>
      %dma_start3A_603 = tpu.memref_squeeze %dma_start3A_602 : memref<1x1x128xi32, #tpu.memory_space<vmem>> -> memref<128xi32, #tpu.memory_space<vmem>>
      %dma_start3A_604 = arith.constant 0 : i32
      %dma_start3A_605 = arith.constant 0 : i32
      %dma_start3A_606 = tpu.memref_slice %arg9[%dma_start3A_604, %dma_start3A_605] : memref<10240x128xf32, #tpu.memory_space<vmem_shared>> -> memref<10240x128xf32, #tpu.memory_space<vmem_shared>>
      tpu.enqueue_indirect_dma source(%dma_start3A_600 : memref<128x128xf32, #tpu.memory_space<vmem>>) target(%dma_start3A_606 : memref<10240x128xf32, #tpu.memory_space<vmem_shared>>) offsets(%dma_start3A_603 : memref<128xi32, #tpu.memory_space<vmem>>) semaphore(%run_scoped3A_596 : memref<!tpu.dma_semaphore, #tpu.memory_space<semaphore_mem>>) {add = true}
      %dma_wait3A_607 = arith.constant 0 : i32
      %dma_wait3A_608 = arith.constant 0 : i32
      %dma_wait3A_609 = tpu.memref_slice %arg8[%run_scoped3A_377, %dma_wait3A_607, %dma_wait3A_608] : memref<2x128x128xf32, #tpu.memory_space<vmem>> -> memref<1x128x128xf32, #tpu.memory_space<vmem>>
      %dma_wait3A_610 = tpu.memref_squeeze %dma_wait3A_609 : memref<1x128x128xf32, #tpu.memory_space<vmem>> -> memref<128x128xf32, #tpu.memory_space<vmem>>
      %dma_wait3A_611 = arith.constant 0 : i32
      %dma_wait3A_612 = tpu.memref_slice %arg7[%run_scoped3A_378, %run_scoped3A_379, %dma_wait3A_611] : memref<2x16x128xi32, #tpu.memory_space<vmem>> -> memref<1x1x128xi32, #tpu.memory_space<vmem>>
      %dma_wait3A_613 = tpu.memref_squeeze %dma_wait3A_612 : memref<1x1x128xi32, #tpu.memory_space<vmem>> -> memref<128xi32, #tpu.memory_space<vmem>>
      %dma_wait3A_614 = arith.constant 0 : i32
      %dma_wait3A_615 = arith.constant 0 : i32
      %dma_wait3A_616 = tpu.memref_slice %arg9[%dma_wait3A_614, %dma_wait3A_615] : memref<10240x128xf32, #tpu.memory_space<vmem_shared>> -> memref<10240x128xf32, #tpu.memory_space<vmem_shared>>
      tpu.wait_indirect_dma semaphore(%run_scoped3A_596 : memref<!tpu.dma_semaphore, #tpu.memory_space<semaphore_mem>>) src(%dma_wait3A_610 : memref<128x128xf32, #tpu.memory_space<vmem>>) dst(%dma_wait3A_616 : memref<10240x128xf32, #tpu.memory_space<vmem_shared>>)
      tpu.yield
    }) : () -> ()
    %dma_start3A_380 = arith.constant 1 : i32
    %dma_start3A_381 = arith.constant 0 : i32
    %dma_start3A_382 = arith.constant 0 : i32
    %dma_start3A_383 = arith.constant 0 : i32
    %dma_start3A_384 = arith.constant 0 : i32
    %dma_start3A_385 = tpu.memref_slice %arg8[%dma_start3A_382, %dma_start3A_383, %dma_start3A_384] : memref<2x128x128xf32, #tpu.memory_space<vmem>> -> memref<1x128x128xf32, #tpu.memory_space<vmem>>
    %dma_start3A_386 = tpu.memref_squeeze %dma_start3A_385 : memref<1x128x128xf32, #tpu.memory_space<vmem>> -> memref<128x128xf32, #tpu.memory_space<vmem>>
    %dma_start3A_387 = arith.constant 0 : i32
    %dma_start3A_388 = tpu.memref_slice %arg6[%dma_start3A_380, %dma_start3A_381, %dma_start3A_387] : memref<2x16x128xi32, #tpu.memory_space<vmem>> -> memref<1x1x128xi32, #tpu.memory_space<vmem>>
    %dma_start3A_389 = tpu.memref_squeeze %dma_start3A_388 : memref<1x1x128xi32, #tpu.memory_space<vmem>> -> memref<128xi32, #tpu.memory_space<vmem>>
    %dma_start3A_390 = arith.constant 0 : i32
    %dma_start3A_391 = arith.constant 0 : i32
    %dma_start3A_392 = tpu.memref_slice %arg2[%dma_start3A_390, %dma_start3A_391] : memref<80000x128xf32, #tpu.memory_space<hbm>> -> memref<80000x128xf32, #tpu.memory_space<hbm>>
    tpu.enqueue_indirect_dma source(%dma_start3A_392 : memref<80000x128xf32, #tpu.memory_space<hbm>>) target(%dma_start3A_386 : memref<128x128xf32, #tpu.memory_space<vmem>>) offsets(%dma_start3A_389 : memref<128xi32, #tpu.memory_space<vmem>>) semaphore(%arg10 : memref<!tpu.dma_semaphore, #tpu.memory_space<semaphore_mem>>)
    %dma_wait3A_393 = arith.constant 0 : i32
    %dma_wait3A_394 = arith.constant 15 : i32
    %dma_wait3A_395 = arith.constant 1 : i32
    %dma_wait3A_396 = arith.constant 0 : i32
    %dma_wait3A_397 = arith.constant 0 : i32
    %dma_wait3A_398 = tpu.memref_slice %arg8[%dma_wait3A_395, %dma_wait3A_396, %dma_wait3A_397] : memref<2x128x128xf32, #tpu.memory_space<vmem>> -> memref<1x128x128xf32, #tpu.memory_space<vmem>>
    %dma_wait3A_399 = tpu.memref_squeeze %dma_wait3A_398 : memref<1x128x128xf32, #tpu.memory_space<vmem>> -> memref<128x128xf32, #tpu.memory_space<vmem>>
    %dma_wait3A_400 = arith.constant 0 : i32
    %dma_wait3A_401 = tpu.memref_slice %arg6[%dma_wait3A_393, %dma_wait3A_394, %dma_wait3A_400] : memref<2x16x128xi32, #tpu.memory_space<vmem>> -> memref<1x1x128xi32, #tpu.memory_space<vmem>>
    %dma_wait3A_402 = tpu.memref_squeeze %dma_wait3A_401 : memref<1x1x128xi32, #tpu.memory_space<vmem>> -> memref<128xi32, #tpu.memory_space<vmem>>
    %dma_wait3A_403 = arith.constant 0 : i32
    %dma_wait3A_404 = arith.constant 0 : i32
    %dma_wait3A_405 = tpu.memref_slice %arg2[%dma_wait3A_403, %dma_wait3A_404] : memref<80000x128xf32, #tpu.memory_space<hbm>> -> memref<80000x128xf32, #tpu.memory_space<hbm>>
    tpu.wait_indirect_dma semaphore(%arg11 : memref<!tpu.dma_semaphore, #tpu.memory_space<semaphore_mem>>) src(%dma_wait3A_405 : memref<80000x128xf32, #tpu.memory_space<hbm>>) dst(%dma_wait3A_399 : memref<128x128xf32, #tpu.memory_space<vmem>>)
    %run_scoped3A_406 = arith.constant 1 : i32
    %run_scoped3A_407 = arith.constant 0 : i32
    %run_scoped3A_408 = arith.constant 15 : i32
    "tpu.region"() ({
      %run_scoped3A_596 = tpu.sem_alloc : memref<!tpu.dma_semaphore, #tpu.memory_space<semaphore_mem>>
      %dma_start3A_597 = arith.constant 0 : i32
      %dma_start3A_598 = arith.constant 0 : i32
      %dma_start3A_599 = tpu.memref_slice %arg8[%run_scoped3A_406, %dma_start3A_597, %dma_start3A_598] : memref<2x128x128xf32, #tpu.memory_space<vmem>> -> memref<1x128x128xf32, #tpu.memory_space<vmem>>
      %dma_start3A_600 = tpu.memref_squeeze %dma_start3A_599 : memref<1x128x128xf32, #tpu.memory_space<vmem>> -> memref<128x128xf32, #tpu.memory_space<vmem>>
      %dma_start3A_601 = arith.constant 0 : i32
      %dma_start3A_602 = tpu.memref_slice %arg7[%run_scoped3A_407, %run_scoped3A_408, %dma_start3A_601] : memref<2x16x128xi32, #tpu.memory_space<vmem>> -> memref<1x1x128xi32, #tpu.memory_space<vmem>>
      %dma_start3A_603 = tpu.memref_squeeze %dma_start3A_602 : memref<1x1x128xi32, #tpu.memory_space<vmem>> -> memref<128xi32, #tpu.memory_space<vmem>>
      %dma_start3A_604 = arith.constant 0 : i32
      %dma_start3A_605 = arith.constant 0 : i32
      %dma_start3A_606 = tpu.memref_slice %arg9[%dma_start3A_604, %dma_start3A_605] : memref<10240x128xf32, #tpu.memory_space<vmem_shared>> -> memref<10240x128xf32, #tpu.memory_space<vmem_shared>>
      tpu.enqueue_indirect_dma source(%dma_start3A_600 : memref<128x128xf32, #tpu.memory_space<vmem>>) target(%dma_start3A_606 : memref<10240x128xf32, #tpu.memory_space<vmem_shared>>) offsets(%dma_start3A_603 : memref<128xi32, #tpu.memory_space<vmem>>) semaphore(%run_scoped3A_596 : memref<!tpu.dma_semaphore, #tpu.memory_space<semaphore_mem>>) {add = true}
      %dma_wait3A_607 = arith.constant 0 : i32
      %dma_wait3A_608 = arith.constant 0 : i32
      %dma_wait3A_609 = tpu.memref_slice %arg8[%run_scoped3A_406, %dma_wait3A_607, %dma_wait3A_608] : memref<2x128x128xf32, #tpu.memory_space<vmem>> -> memref<1x128x128xf32, #tpu.memory_space<vmem>>
      %dma_wait3A_610 = tpu.memref_squeeze %dma_wait3A_609 : memref<1x128x128xf32, #tpu.memory_space<vmem>> -> memref<128x128xf32, #tpu.memory_space<vmem>>
      %dma_wait3A_611 = arith.constant 0 : i32
      %dma_wait3A_612 = tpu.memref_slice %arg7[%run_scoped3A_407, %run_scoped3A_408, %dma_wait3A_611] : memref<2x16x128xi32, #tpu.memory_space<vmem>> -> memref<1x1x128xi32, #tpu.memory_space<vmem>>
      %dma_wait3A_613 = tpu.memref_squeeze %dma_wait3A_612 : memref<1x1x128xi32, #tpu.memory_space<vmem>> -> memref<128xi32, #tpu.memory_space<vmem>>
      %dma_wait3A_614 = arith.constant 0 : i32
      %dma_wait3A_615 = arith.constant 0 : i32
      %dma_wait3A_616 = tpu.memref_slice %arg9[%dma_wait3A_614, %dma_wait3A_615] : memref<10240x128xf32, #tpu.memory_space<vmem_shared>> -> memref<10240x128xf32, #tpu.memory_space<vmem_shared>>
      tpu.wait_indirect_dma semaphore(%run_scoped3A_596 : memref<!tpu.dma_semaphore, #tpu.memory_space<semaphore_mem>>) src(%dma_wait3A_610 : memref<128x128xf32, #tpu.memory_space<vmem>>) dst(%dma_wait3A_616 : memref<10240x128xf32, #tpu.memory_space<vmem_shared>>)
      tpu.yield
    }) : () -> ()
    %dma_start3A_409 = arith.constant 1 : i32
    %dma_start3A_410 = arith.constant 1 : i32
    %dma_start3A_411 = arith.constant 1 : i32
    %dma_start3A_412 = arith.constant 0 : i32
    %dma_start3A_413 = arith.constant 0 : i32
    %dma_start3A_414 = tpu.memref_slice %arg8[%dma_start3A_411, %dma_start3A_412, %dma_start3A_413] : memref<2x128x128xf32, #tpu.memory_space<vmem>> -> memref<1x128x128xf32, #tpu.memory_space<vmem>>
    %dma_start3A_415 = tpu.memref_squeeze %dma_start3A_414 : memref<1x128x128xf32, #tpu.memory_space<vmem>> -> memref<128x128xf32, #tpu.memory_space<vmem>>
    %dma_start3A_416 = arith.constant 0 : i32
    %dma_start3A_417 = tpu.memref_slice %arg6[%dma_start3A_409, %dma_start3A_410, %dma_start3A_416] : memref<2x16x128xi32, #tpu.memory_space<vmem>> -> memref<1x1x128xi32, #tpu.memory_space<vmem>>
    %dma_start3A_418 = tpu.memref_squeeze %dma_start3A_417 : memref<1x1x128xi32, #tpu.memory_space<vmem>> -> memref<128xi32, #tpu.memory_space<vmem>>
    %dma_start3A_419 = arith.constant 0 : i32
    %dma_start3A_420 = arith.constant 0 : i32
    %dma_start3A_421 = tpu.memref_slice %arg2[%dma_start3A_419, %dma_start3A_420] : memref<80000x128xf32, #tpu.memory_space<hbm>> -> memref<80000x128xf32, #tpu.memory_space<hbm>>
    tpu.enqueue_indirect_dma source(%dma_start3A_421 : memref<80000x128xf32, #tpu.memory_space<hbm>>) target(%dma_start3A_415 : memref<128x128xf32, #tpu.memory_space<vmem>>) offsets(%dma_start3A_418 : memref<128xi32, #tpu.memory_space<vmem>>) semaphore(%arg11 : memref<!tpu.dma_semaphore, #tpu.memory_space<semaphore_mem>>)
    %add3A_422 = arith.constant 64 : i32
    %add3A_423 = arith.addi %mul3A_0, %add3A_422 : i32
    %mul3A_424 = arith.constant 1280 : i32
    %mul3A_425 = arith.muli %arg0, %mul3A_424 : i32
    %add3A_426 = arith.addi %mul3A_425, %add3A_423 : i32
    %dma_start3A_427 = arith.constant 0 : i32
    %dma_start3A_428 = arith.constant 0 : i32
    %dma_start3A_429 = arith.constant 0 : i32
    %dma_start3A_430 = tpu.memref_slice %arg6[%dma_start3A_427, %dma_start3A_428, %dma_start3A_429] : memref<2x16x128xi32, #tpu.memory_space<vmem>> -> memref<1x16x128xi32, #tpu.memory_space<vmem>>
    %dma_start3A_431 = tpu.memref_squeeze %dma_start3A_430 : memref<1x16x128xi32, #tpu.memory_space<vmem>> -> memref<16x128xi32, #tpu.memory_space<vmem>>
    %dma_start3A_432 = arith.constant 0 : i32
    %dma_start3A_433 = tpu.memref_slice %arg3[%add3A_426, %dma_start3A_432] : memref<2560x128xi32, #tpu.memory_space<hbm>> -> memref<16x128xi32, #tpu.memory_space<hbm>>
    %dma_start3A_434 = arith.constant 0 : i32
    %dma_start3A_435 = arith.constant 0 : i32
    %dma_start3A_436 = tpu.memref_slice %arg6[%dma_start3A_427, %dma_start3A_434, %dma_start3A_435] : memref<2x16x128xi32, #tpu.memory_space<vmem>> -> memref<1x16x128xi32, #tpu.memory_space<vmem>>
    %dma_start3A_437 = tpu.memref_squeeze %dma_start3A_436 : memref<1x16x128xi32, #tpu.memory_space<vmem>> -> memref<16x128xi32, #tpu.memory_space<vmem>>
    %dma_start3A_438 = arith.constant 0 : i32
    %dma_start3A_439 = tpu.memref_slice %arg3[%add3A_426, %dma_start3A_438] : memref<2560x128xi32, #tpu.memory_space<hbm>> -> memref<16x128xi32, #tpu.memory_space<hbm>>
    tpu.enqueue_dma source(%dma_start3A_439 : memref<16x128xi32, #tpu.memory_space<hbm>>) target(%dma_start3A_437 : memref<16x128xi32, #tpu.memory_space<vmem>>) target_semaphore(%arg12 : memref<!tpu.dma_semaphore, #tpu.memory_space<semaphore_mem>>)
    %dma_start3A_440 = arith.constant 0 : i32
    %dma_start3A_441 = arith.constant 0 : i32
    %dma_start3A_442 = arith.constant 0 : i32
    %dma_start3A_443 = tpu.memref_slice %arg7[%dma_start3A_440, %dma_start3A_441, %dma_start3A_442] : memref<2x16x128xi32, #tpu.memory_space<vmem>> -> memref<1x16x128xi32, #tpu.memory_space<vmem>>
    %dma_start3A_444 = tpu.memref_squeeze %dma_start3A_443 : memref<1x16x128xi32, #tpu.memory_space<vmem>> -> memref<16x128xi32, #tpu.memory_space<vmem>>
    %dma_start3A_445 = arith.constant 0 : i32
    %dma_start3A_446 = tpu.memref_slice %arg4[%add3A_423, %dma_start3A_445] : memref<1280x128xi32, #tpu.memory_space<hbm>> -> memref<16x128xi32, #tpu.memory_space<hbm>>
    %dma_start3A_447 = arith.constant 0 : i32
    %dma_start3A_448 = arith.constant 0 : i32
    %dma_start3A_449 = tpu.memref_slice %arg7[%dma_start3A_440, %dma_start3A_447, %dma_start3A_448] : memref<2x16x128xi32, #tpu.memory_space<vmem>> -> memref<1x16x128xi32, #tpu.memory_space<vmem>>
    %dma_start3A_450 = tpu.memref_squeeze %dma_start3A_449 : memref<1x16x128xi32, #tpu.memory_space<vmem>> -> memref<16x128xi32, #tpu.memory_space<vmem>>
    %dma_start3A_451 = arith.constant 0 : i32
    %dma_start3A_452 = tpu.memref_slice %arg4[%add3A_423, %dma_start3A_451] : memref<1280x128xi32, #tpu.memory_space<hbm>> -> memref<16x128xi32, #tpu.memory_space<hbm>>
    tpu.enqueue_dma source(%dma_start3A_452 : memref<16x128xi32, #tpu.memory_space<hbm>>) target(%dma_start3A_450 : memref<16x128xi32, #tpu.memory_space<vmem>>) target_semaphore(%arg12 : memref<!tpu.dma_semaphore, #tpu.memory_space<semaphore_mem>>)
    %scan3A_453 = arith.constant 0 : i32
    %scan3A_454 = arith.constant 0 : i32
    %scan3A_455 = arith.constant 7 : i32
    %scan3A_456 = arith.addi %scan3A_454, %scan3A_455 : i32
    %scan3A_457 = arith.constant 1 : i32
    %scan3A_458 = scf.for %scan3A_596 = %scan3A_454 to %scan3A_456 step %scan3A_457 iter_args(%scan3A_597 = %scan3A_453) -> (i32)  : i32 {
      %mul3A_598 = arith.constant 2 : i32
      %mul3A_599 = arith.muli %scan3A_596, %mul3A_598 : i32
      %add3A_600 = arith.constant 0 : i32
      %add3A_601 = arith.addi %mul3A_599, %add3A_600 : i32
      %dma_wait3A_602 = arith.constant 1 : i32
      %dma_wait3A_603 = arith.constant 0 : i32
      %dma_wait3A_604 = arith.constant 0 : i32
      %dma_wait3A_605 = arith.constant 0 : i32
      %dma_wait3A_606 = tpu.memref_slice %arg8[%dma_wait3A_603, %dma_wait3A_604, %dma_wait3A_605] : memref<2x128x128xf32, #tpu.memory_space<vmem>> -> memref<1x128x128xf32, #tpu.memory_space<vmem>>
      %dma_wait3A_607 = tpu.memref_squeeze %dma_wait3A_606 : memref<1x128x128xf32, #tpu.memory_space<vmem>> -> memref<128x128xf32, #tpu.memory_space<vmem>>
      %dma_wait3A_608 = arith.constant 0 : i32
      %dma_wait3A_609 = tpu.memref_slice %arg6[%dma_wait3A_602, %add3A_601, %dma_wait3A_608] : memref<2x16x128xi32, #tpu.memory_space<vmem>> -> memref<1x1x128xi32, #tpu.memory_space<vmem>>
      %dma_wait3A_610 = tpu.memref_squeeze %dma_wait3A_609 : memref<1x1x128xi32, #tpu.memory_space<vmem>> -> memref<128xi32, #tpu.memory_space<vmem>>
      %dma_wait3A_611 = arith.constant 0 : i32
      %dma_wait3A_612 = arith.constant 0 : i32
      %dma_wait3A_613 = tpu.memref_slice %arg2[%dma_wait3A_611, %dma_wait3A_612] : memref<80000x128xf32, #tpu.memory_space<hbm>> -> memref<80000x128xf32, #tpu.memory_space<hbm>>
      tpu.wait_indirect_dma semaphore(%arg10 : memref<!tpu.dma_semaphore, #tpu.memory_space<semaphore_mem>>) src(%dma_wait3A_613 : memref<80000x128xf32, #tpu.memory_space<hbm>>) dst(%dma_wait3A_607 : memref<128x128xf32, #tpu.memory_space<vmem>>)
      %run_scoped3A_614 = arith.constant 0 : i32
      %run_scoped3A_615 = arith.constant 1 : i32
      "tpu.region"() ({
        %run_scoped3A_663 = tpu.sem_alloc : memref<!tpu.dma_semaphore, #tpu.memory_space<semaphore_mem>>
        %dma_start3A_664 = arith.constant 0 : i32
        %dma_start3A_665 = arith.constant 0 : i32
        %dma_start3A_666 = tpu.memref_slice %arg8[%run_scoped3A_614, %dma_start3A_664, %dma_start3A_665] : memref<2x128x128xf32, #tpu.memory_space<vmem>> -> memref<1x128x128xf32, #tpu.memory_space<vmem>>
        %dma_start3A_667 = tpu.memref_squeeze %dma_start3A_666 : memref<1x128x128xf32, #tpu.memory_space<vmem>> -> memref<128x128xf32, #tpu.memory_space<vmem>>
        %dma_start3A_668 = arith.constant 0 : i32
        %dma_start3A_669 = tpu.memref_slice %arg7[%run_scoped3A_615, %add3A_601, %dma_start3A_668] : memref<2x16x128xi32, #tpu.memory_space<vmem>> -> memref<1x1x128xi32, #tpu.memory_space<vmem>>
        %dma_start3A_670 = tpu.memref_squeeze %dma_start3A_669 : memref<1x1x128xi32, #tpu.memory_space<vmem>> -> memref<128xi32, #tpu.memory_space<vmem>>
        %dma_start3A_671 = arith.constant 0 : i32
        %dma_start3A_672 = arith.constant 0 : i32
        %dma_start3A_673 = tpu.memref_slice %arg9[%dma_start3A_671, %dma_start3A_672] : memref<10240x128xf32, #tpu.memory_space<vmem_shared>> -> memref<10240x128xf32, #tpu.memory_space<vmem_shared>>
        tpu.enqueue_indirect_dma source(%dma_start3A_667 : memref<128x128xf32, #tpu.memory_space<vmem>>) target(%dma_start3A_673 : memref<10240x128xf32, #tpu.memory_space<vmem_shared>>) offsets(%dma_start3A_670 : memref<128xi32, #tpu.memory_space<vmem>>) semaphore(%run_scoped3A_663 : memref<!tpu.dma_semaphore, #tpu.memory_space<semaphore_mem>>) {add = true}
        %dma_wait3A_674 = arith.constant 0 : i32
        %dma_wait3A_675 = arith.constant 0 : i32
        %dma_wait3A_676 = tpu.memref_slice %arg8[%run_scoped3A_614, %dma_wait3A_674, %dma_wait3A_675] : memref<2x128x128xf32, #tpu.memory_space<vmem>> -> memref<1x128x128xf32, #tpu.memory_space<vmem>>
        %dma_wait3A_677 = tpu.memref_squeeze %dma_wait3A_676 : memref<1x128x128xf32, #tpu.memory_space<vmem>> -> memref<128x128xf32, #tpu.memory_space<vmem>>
        %dma_wait3A_678 = arith.constant 0 : i32
        %dma_wait3A_679 = tpu.memref_slice %arg7[%run_scoped3A_615, %add3A_601, %dma_wait3A_678] : memref<2x16x128xi32, #tpu.memory_space<vmem>> -> memref<1x1x128xi32, #tpu.memory_space<vmem>>
        %dma_wait3A_680 = tpu.memref_squeeze %dma_wait3A_679 : memref<1x1x128xi32, #tpu.memory_space<vmem>> -> memref<128xi32, #tpu.memory_space<vmem>>
        %dma_wait3A_681 = arith.constant 0 : i32
        %dma_wait3A_682 = arith.constant 0 : i32
        %dma_wait3A_683 = tpu.memref_slice %arg9[%dma_wait3A_681, %dma_wait3A_682] : memref<10240x128xf32, #tpu.memory_space<vmem_shared>> -> memref<10240x128xf32, #tpu.memory_space<vmem_shared>>
        tpu.wait_indirect_dma semaphore(%run_scoped3A_663 : memref<!tpu.dma_semaphore, #tpu.memory_space<semaphore_mem>>) src(%dma_wait3A_677 : memref<128x128xf32, #tpu.memory_space<vmem>>) dst(%dma_wait3A_683 : memref<10240x128xf32, #tpu.memory_space<vmem_shared>>)
        tpu.yield
      }) : () -> ()
      %add3A_616 = arith.constant 2 : i32
      %add3A_617 = arith.addi %add3A_601, %add3A_616 : i32
      %dma_start3A_618 = arith.constant 1 : i32
      %dma_start3A_619 = arith.constant 0 : i32
      %dma_start3A_620 = arith.constant 0 : i32
      %dma_start3A_621 = arith.constant 0 : i32
      %dma_start3A_622 = tpu.memref_slice %arg8[%dma_start3A_619, %dma_start3A_620, %dma_start3A_621] : memref<2x128x128xf32, #tpu.memory_space<vmem>> -> memref<1x128x128xf32, #tpu.memory_space<vmem>>
      %dma_start3A_623 = tpu.memref_squeeze %dma_start3A_622 : memref<1x128x128xf32, #tpu.memory_space<vmem>> -> memref<128x128xf32, #tpu.memory_space<vmem>>
      %dma_start3A_624 = arith.constant 0 : i32
      %dma_start3A_625 = tpu.memref_slice %arg6[%dma_start3A_618, %add3A_617, %dma_start3A_624] : memref<2x16x128xi32, #tpu.memory_space<vmem>> -> memref<1x1x128xi32, #tpu.memory_space<vmem>>
      %dma_start3A_626 = tpu.memref_squeeze %dma_start3A_625 : memref<1x1x128xi32, #tpu.memory_space<vmem>> -> memref<128xi32, #tpu.memory_space<vmem>>
      %dma_start3A_627 = arith.constant 0 : i32
      %dma_start3A_628 = arith.constant 0 : i32
      %dma_start3A_629 = tpu.memref_slice %arg2[%dma_start3A_627, %dma_start3A_628] : memref<80000x128xf32, #tpu.memory_space<hbm>> -> memref<80000x128xf32, #tpu.memory_space<hbm>>
      tpu.enqueue_indirect_dma source(%dma_start3A_629 : memref<80000x128xf32, #tpu.memory_space<hbm>>) target(%dma_start3A_623 : memref<128x128xf32, #tpu.memory_space<vmem>>) offsets(%dma_start3A_626 : memref<128xi32, #tpu.memory_space<vmem>>) semaphore(%arg10 : memref<!tpu.dma_semaphore, #tpu.memory_space<semaphore_mem>>)
      %mul3A_630 = arith.constant 2 : i32
      %mul3A_631 = arith.muli %scan3A_596, %mul3A_630 : i32
      %add3A_632 = arith.constant 1 : i32
      %add3A_633 = arith.addi %mul3A_631, %add3A_632 : i32
      %dma_wait3A_634 = arith.constant 1 : i32
      %dma_wait3A_635 = arith.constant 1 : i32
      %dma_wait3A_636 = arith.constant 0 : i32
      %dma_wait3A_637 = arith.constant 0 : i32
      %dma_wait3A_638 = tpu.memref_slice %arg8[%dma_wait3A_635, %dma_wait3A_636, %dma_wait3A_637] : memref<2x128x128xf32, #tpu.memory_space<vmem>> -> memref<1x128x128xf32, #tpu.memory_space<vmem>>
      %dma_wait3A_639 = tpu.memref_squeeze %dma_wait3A_638 : memref<1x128x128xf32, #tpu.memory_space<vmem>> -> memref<128x128xf32, #tpu.memory_space<vmem>>
      %dma_wait3A_640 = arith.constant 0 : i32
      %dma_wait3A_641 = tpu.memref_slice %arg6[%dma_wait3A_634, %add3A_633, %dma_wait3A_640] : memref<2x16x128xi32, #tpu.memory_space<vmem>> -> memref<1x1x128xi32, #tpu.memory_space<vmem>>
      %dma_wait3A_642 = tpu.memref_squeeze %dma_wait3A_641 : memref<1x1x128xi32, #tpu.memory_space<vmem>> -> memref<128xi32, #tpu.memory_space<vmem>>
      %dma_wait3A_643 = arith.constant 0 : i32
      %dma_wait3A_644 = arith.constant 0 : i32
      %dma_wait3A_645 = tpu.memref_slice %arg2[%dma_wait3A_643, %dma_wait3A_644] : memref<80000x128xf32, #tpu.memory_space<hbm>> -> memref<80000x128xf32, #tpu.memory_space<hbm>>
      tpu.wait_indirect_dma semaphore(%arg11 : memref<!tpu.dma_semaphore, #tpu.memory_space<semaphore_mem>>) src(%dma_wait3A_645 : memref<80000x128xf32, #tpu.memory_space<hbm>>) dst(%dma_wait3A_639 : memref<128x128xf32, #tpu.memory_space<vmem>>)
      %run_scoped3A_646 = arith.constant 1 : i32
      %run_scoped3A_647 = arith.constant 1 : i32
      "tpu.region"() ({
        %run_scoped3A_663 = tpu.sem_alloc : memref<!tpu.dma_semaphore, #tpu.memory_space<semaphore_mem>>
        %dma_start3A_664 = arith.constant 0 : i32
        %dma_start3A_665 = arith.constant 0 : i32
        %dma_start3A_666 = tpu.memref_slice %arg8[%run_scoped3A_646, %dma_start3A_664, %dma_start3A_665] : memref<2x128x128xf32, #tpu.memory_space<vmem>> -> memref<1x128x128xf32, #tpu.memory_space<vmem>>
        %dma_start3A_667 = tpu.memref_squeeze %dma_start3A_666 : memref<1x128x128xf32, #tpu.memory_space<vmem>> -> memref<128x128xf32, #tpu.memory_space<vmem>>
        %dma_start3A_668 = arith.constant 0 : i32
        %dma_start3A_669 = tpu.memref_slice %arg7[%run_scoped3A_647, %add3A_633, %dma_start3A_668] : memref<2x16x128xi32, #tpu.memory_space<vmem>> -> memref<1x1x128xi32, #tpu.memory_space<vmem>>
        %dma_start3A_670 = tpu.memref_squeeze %dma_start3A_669 : memref<1x1x128xi32, #tpu.memory_space<vmem>> -> memref<128xi32, #tpu.memory_space<vmem>>
        %dma_start3A_671 = arith.constant 0 : i32
        %dma_start3A_672 = arith.constant 0 : i32
        %dma_start3A_673 = tpu.memref_slice %arg9[%dma_start3A_671, %dma_start3A_672] : memref<10240x128xf32, #tpu.memory_space<vmem_shared>> -> memref<10240x128xf32, #tpu.memory_space<vmem_shared>>
        tpu.enqueue_indirect_dma source(%dma_start3A_667 : memref<128x128xf32, #tpu.memory_space<vmem>>) target(%dma_start3A_673 : memref<10240x128xf32, #tpu.memory_space<vmem_shared>>) offsets(%dma_start3A_670 : memref<128xi32, #tpu.memory_space<vmem>>) semaphore(%run_scoped3A_663 : memref<!tpu.dma_semaphore, #tpu.memory_space<semaphore_mem>>) {add = true}
        %dma_wait3A_674 = arith.constant 0 : i32
        %dma_wait3A_675 = arith.constant 0 : i32
        %dma_wait3A_676 = tpu.memref_slice %arg8[%run_scoped3A_646, %dma_wait3A_674, %dma_wait3A_675] : memref<2x128x128xf32, #tpu.memory_space<vmem>> -> memref<1x128x128xf32, #tpu.memory_space<vmem>>
        %dma_wait3A_677 = tpu.memref_squeeze %dma_wait3A_676 : memref<1x128x128xf32, #tpu.memory_space<vmem>> -> memref<128x128xf32, #tpu.memory_space<vmem>>
        %dma_wait3A_678 = arith.constant 0 : i32
        %dma_wait3A_679 = tpu.memref_slice %arg7[%run_scoped3A_647, %add3A_633, %dma_wait3A_678] : memref<2x16x128xi32, #tpu.memory_space<vmem>> -> memref<1x1x128xi32, #tpu.memory_space<vmem>>
        %dma_wait3A_680 = tpu.memref_squeeze %dma_wait3A_679 : memref<1x1x128xi32, #tpu.memory_space<vmem>> -> memref<128xi32, #tpu.memory_space<vmem>>
        %dma_wait3A_681 = arith.constant 0 : i32
        %dma_wait3A_682 = arith.constant 0 : i32
        %dma_wait3A_683 = tpu.memref_slice %arg9[%dma_wait3A_681, %dma_wait3A_682] : memref<10240x128xf32, #tpu.memory_space<vmem_shared>> -> memref<10240x128xf32, #tpu.memory_space<vmem_shared>>
        tpu.wait_indirect_dma semaphore(%run_scoped3A_663 : memref<!tpu.dma_semaphore, #tpu.memory_space<semaphore_mem>>) src(%dma_wait3A_677 : memref<128x128xf32, #tpu.memory_space<vmem>>) dst(%dma_wait3A_683 : memref<10240x128xf32, #tpu.memory_space<vmem_shared>>)
        tpu.yield
      }) : () -> ()
      %add3A_648 = arith.constant 2 : i32
      %add3A_649 = arith.addi %add3A_633, %add3A_648 : i32
      %dma_start3A_650 = arith.constant 1 : i32
      %dma_start3A_651 = arith.constant 1 : i32
      %dma_start3A_652 = arith.constant 0 : i32
      %dma_start3A_653 = arith.constant 0 : i32
      %dma_start3A_654 = tpu.memref_slice %arg8[%dma_start3A_651, %dma_start3A_652, %dma_start3A_653] : memref<2x128x128xf32, #tpu.memory_space<vmem>> -> memref<1x128x128xf32, #tpu.memory_space<vmem>>
      %dma_start3A_655 = tpu.memref_squeeze %dma_start3A_654 : memref<1x128x128xf32, #tpu.memory_space<vmem>> -> memref<128x128xf32, #tpu.memory_space<vmem>>
      %dma_start3A_656 = arith.constant 0 : i32
      %dma_start3A_657 = tpu.memref_slice %arg6[%dma_start3A_650, %add3A_649, %dma_start3A_656] : memref<2x16x128xi32, #tpu.memory_space<vmem>> -> memref<1x1x128xi32, #tpu.memory_space<vmem>>
      %dma_start3A_658 = tpu.memref_squeeze %dma_start3A_657 : memref<1x1x128xi32, #tpu.memory_space<vmem>> -> memref<128xi32, #tpu.memory_space<vmem>>
      %dma_start3A_659 = arith.constant 0 : i32
      %dma_start3A_660 = arith.constant 0 : i32
      %dma_start3A_661 = tpu.memref_slice %arg2[%dma_start3A_659, %dma_start3A_660] : memref<80000x128xf32, #tpu.memory_space<hbm>> -> memref<80000x128xf32, #tpu.memory_space<hbm>>
      tpu.enqueue_indirect_dma source(%dma_start3A_661 : memref<80000x128xf32, #tpu.memory_space<hbm>>) target(%dma_start3A_655 : memref<128x128xf32, #tpu.memory_space<vmem>>) offsets(%dma_start3A_658 : memref<128xi32, #tpu.memory_space<vmem>>) semaphore(%arg11 : memref<!tpu.dma_semaphore, #tpu.memory_space<semaphore_mem>>)
      %scan3A_662 = arith.constant 0 : i32
      scf.yield %scan3A_662 : i32
    }
    %scan3A_459 = arith.constant 7 : i32
    %add3A_460 = arith.constant 64 : i32
    %add3A_461 = arith.addi %mul3A_0, %add3A_460 : i32
    %mul3A_462 = arith.constant 1280 : i32
    %mul3A_463 = arith.muli %arg0, %mul3A_462 : i32
    %add3A_464 = arith.addi %mul3A_463, %add3A_461 : i32
    %dma_wait3A_465 = arith.constant 0 : i32
    %dma_wait3A_466 = arith.constant 0 : i32
    %dma_wait3A_467 = arith.constant 0 : i32
    %dma_wait3A_468 = tpu.memref_slice %arg6[%dma_wait3A_465, %dma_wait3A_466, %dma_wait3A_467] : memref<2x16x128xi32, #tpu.memory_space<vmem>> -> memref<1x16x128xi32, #tpu.memory_space<vmem>>
    %dma_wait3A_469 = tpu.memref_squeeze %dma_wait3A_468 : memref<1x16x128xi32, #tpu.memory_space<vmem>> -> memref<16x128xi32, #tpu.memory_space<vmem>>
    %dma_wait3A_470 = arith.constant 0 : i32
    %dma_wait3A_471 = tpu.memref_slice %arg3[%add3A_464, %dma_wait3A_470] : memref<2560x128xi32, #tpu.memory_space<hbm>> -> memref<16x128xi32, #tpu.memory_space<hbm>>
    %dma_wait3A_472 = arith.constant 0 : i32
    %dma_wait3A_473 = arith.constant 0 : i32
    %dma_wait3A_474 = tpu.memref_slice %arg6[%dma_wait3A_465, %dma_wait3A_472, %dma_wait3A_473] : memref<2x16x128xi32, #tpu.memory_space<vmem>> -> memref<1x16x128xi32, #tpu.memory_space<vmem>>
    %dma_wait3A_475 = tpu.memref_squeeze %dma_wait3A_474 : memref<1x16x128xi32, #tpu.memory_space<vmem>> -> memref<16x128xi32, #tpu.memory_space<vmem>>
    %dma_wait3A_476 = arith.constant 0 : i32
    %dma_wait3A_477 = tpu.memref_slice %arg3[%add3A_464, %dma_wait3A_476] : memref<2560x128xi32, #tpu.memory_space<hbm>> -> memref<16x128xi32, #tpu.memory_space<hbm>>
    tpu.wait_dma2 semaphore(%arg12 : memref<!tpu.dma_semaphore, #tpu.memory_space<semaphore_mem>>) src(%dma_wait3A_477 : memref<16x128xi32, #tpu.memory_space<hbm>>) dst(%dma_wait3A_475 : memref<16x128xi32, #tpu.memory_space<vmem>>)
    %dma_wait3A_478 = arith.constant 0 : i32
    %dma_wait3A_479 = arith.constant 0 : i32
    %dma_wait3A_480 = arith.constant 0 : i32
    %dma_wait3A_481 = tpu.memref_slice %arg7[%dma_wait3A_478, %dma_wait3A_479, %dma_wait3A_480] : memref<2x16x128xi32, #tpu.memory_space<vmem>> -> memref<1x16x128xi32, #tpu.memory_space<vmem>>
    %dma_wait3A_482 = tpu.memref_squeeze %dma_wait3A_481 : memref<1x16x128xi32, #tpu.memory_space<vmem>> -> memref<16x128xi32, #tpu.memory_space<vmem>>
    %dma_wait3A_483 = arith.constant 0 : i32
    %dma_wait3A_484 = tpu.memref_slice %arg4[%add3A_461, %dma_wait3A_483] : memref<1280x128xi32, #tpu.memory_space<hbm>> -> memref<16x128xi32, #tpu.memory_space<hbm>>
    %dma_wait3A_485 = arith.constant 0 : i32
    %dma_wait3A_486 = arith.constant 0 : i32
    %dma_wait3A_487 = tpu.memref_slice %arg7[%dma_wait3A_478, %dma_wait3A_485, %dma_wait3A_486] : memref<2x16x128xi32, #tpu.memory_space<vmem>> -> memref<1x16x128xi32, #tpu.memory_space<vmem>>
    %dma_wait3A_488 = tpu.memref_squeeze %dma_wait3A_487 : memref<1x16x128xi32, #tpu.memory_space<vmem>> -> memref<16x128xi32, #tpu.memory_space<vmem>>
    %dma_wait3A_489 = arith.constant 0 : i32
    %dma_wait3A_490 = tpu.memref_slice %arg4[%add3A_461, %dma_wait3A_489] : memref<1280x128xi32, #tpu.memory_space<hbm>> -> memref<16x128xi32, #tpu.memory_space<hbm>>
    tpu.wait_dma2 semaphore(%arg12 : memref<!tpu.dma_semaphore, #tpu.memory_space<semaphore_mem>>) src(%dma_wait3A_490 : memref<16x128xi32, #tpu.memory_space<hbm>>) dst(%dma_wait3A_488 : memref<16x128xi32, #tpu.memory_space<vmem>>)
    %dma_wait3A_491 = arith.constant 1 : i32
    %dma_wait3A_492 = arith.constant 14 : i32
    %dma_wait3A_493 = arith.constant 0 : i32
    %dma_wait3A_494 = arith.constant 0 : i32
    %dma_wait3A_495 = arith.constant 0 : i32
    %dma_wait3A_496 = tpu.memref_slice %arg8[%dma_wait3A_493, %dma_wait3A_494, %dma_wait3A_495] : memref<2x128x128xf32, #tpu.memory_space<vmem>> -> memref<1x128x128xf32, #tpu.memory_space<vmem>>
    %dma_wait3A_497 = tpu.memref_squeeze %dma_wait3A_496 : memref<1x128x128xf32, #tpu.memory_space<vmem>> -> memref<128x128xf32, #tpu.memory_space<vmem>>
    %dma_wait3A_498 = arith.constant 0 : i32
    %dma_wait3A_499 = tpu.memref_slice %arg6[%dma_wait3A_491, %dma_wait3A_492, %dma_wait3A_498] : memref<2x16x128xi32, #tpu.memory_space<vmem>> -> memref<1x1x128xi32, #tpu.memory_space<vmem>>
    %dma_wait3A_500 = tpu.memref_squeeze %dma_wait3A_499 : memref<1x1x128xi32, #tpu.memory_space<vmem>> -> memref<128xi32, #tpu.memory_space<vmem>>
    %dma_wait3A_501 = arith.constant 0 : i32
    %dma_wait3A_502 = arith.constant 0 : i32
    %dma_wait3A_503 = tpu.memref_slice %arg2[%dma_wait3A_501, %dma_wait3A_502] : memref<80000x128xf32, #tpu.memory_space<hbm>> -> memref<80000x128xf32, #tpu.memory_space<hbm>>
    tpu.wait_indirect_dma semaphore(%arg10 : memref<!tpu.dma_semaphore, #tpu.memory_space<semaphore_mem>>) src(%dma_wait3A_503 : memref<80000x128xf32, #tpu.memory_space<hbm>>) dst(%dma_wait3A_497 : memref<128x128xf32, #tpu.memory_space<vmem>>)
    %run_scoped3A_504 = arith.constant 0 : i32
    %run_scoped3A_505 = arith.constant 1 : i32
    %run_scoped3A_506 = arith.constant 14 : i32
    "tpu.region"() ({
      %run_scoped3A_596 = tpu.sem_alloc : memref<!tpu.dma_semaphore, #tpu.memory_space<semaphore_mem>>
      %dma_start3A_597 = arith.constant 0 : i32
      %dma_start3A_598 = arith.constant 0 : i32
      %dma_start3A_599 = tpu.memref_slice %arg8[%run_scoped3A_504, %dma_start3A_597, %dma_start3A_598] : memref<2x128x128xf32, #tpu.memory_space<vmem>> -> memref<1x128x128xf32, #tpu.memory_space<vmem>>
      %dma_start3A_600 = tpu.memref_squeeze %dma_start3A_599 : memref<1x128x128xf32, #tpu.memory_space<vmem>> -> memref<128x128xf32, #tpu.memory_space<vmem>>
      %dma_start3A_601 = arith.constant 0 : i32
      %dma_start3A_602 = tpu.memref_slice %arg7[%run_scoped3A_505, %run_scoped3A_506, %dma_start3A_601] : memref<2x16x128xi32, #tpu.memory_space<vmem>> -> memref<1x1x128xi32, #tpu.memory_space<vmem>>
      %dma_start3A_603 = tpu.memref_squeeze %dma_start3A_602 : memref<1x1x128xi32, #tpu.memory_space<vmem>> -> memref<128xi32, #tpu.memory_space<vmem>>
      %dma_start3A_604 = arith.constant 0 : i32
      %dma_start3A_605 = arith.constant 0 : i32
      %dma_start3A_606 = tpu.memref_slice %arg9[%dma_start3A_604, %dma_start3A_605] : memref<10240x128xf32, #tpu.memory_space<vmem_shared>> -> memref<10240x128xf32, #tpu.memory_space<vmem_shared>>
      tpu.enqueue_indirect_dma source(%dma_start3A_600 : memref<128x128xf32, #tpu.memory_space<vmem>>) target(%dma_start3A_606 : memref<10240x128xf32, #tpu.memory_space<vmem_shared>>) offsets(%dma_start3A_603 : memref<128xi32, #tpu.memory_space<vmem>>) semaphore(%run_scoped3A_596 : memref<!tpu.dma_semaphore, #tpu.memory_space<semaphore_mem>>) {add = true}
      %dma_wait3A_607 = arith.constant 0 : i32
      %dma_wait3A_608 = arith.constant 0 : i32
      %dma_wait3A_609 = tpu.memref_slice %arg8[%run_scoped3A_504, %dma_wait3A_607, %dma_wait3A_608] : memref<2x128x128xf32, #tpu.memory_space<vmem>> -> memref<1x128x128xf32, #tpu.memory_space<vmem>>
      %dma_wait3A_610 = tpu.memref_squeeze %dma_wait3A_609 : memref<1x128x128xf32, #tpu.memory_space<vmem>> -> memref<128x128xf32, #tpu.memory_space<vmem>>
      %dma_wait3A_611 = arith.constant 0 : i32
      %dma_wait3A_612 = tpu.memref_slice %arg7[%run_scoped3A_505, %run_scoped3A_506, %dma_wait3A_611] : memref<2x16x128xi32, #tpu.memory_space<vmem>> -> memref<1x1x128xi32, #tpu.memory_space<vmem>>
      %dma_wait3A_613 = tpu.memref_squeeze %dma_wait3A_612 : memref<1x1x128xi32, #tpu.memory_space<vmem>> -> memref<128xi32, #tpu.memory_space<vmem>>
      %dma_wait3A_614 = arith.constant 0 : i32
      %dma_wait3A_615 = arith.constant 0 : i32
      %dma_wait3A_616 = tpu.memref_slice %arg9[%dma_wait3A_614, %dma_wait3A_615] : memref<10240x128xf32, #tpu.memory_space<vmem_shared>> -> memref<10240x128xf32, #tpu.memory_space<vmem_shared>>
      tpu.wait_indirect_dma semaphore(%run_scoped3A_596 : memref<!tpu.dma_semaphore, #tpu.memory_space<semaphore_mem>>) src(%dma_wait3A_610 : memref<128x128xf32, #tpu.memory_space<vmem>>) dst(%dma_wait3A_616 : memref<10240x128xf32, #tpu.memory_space<vmem_shared>>)
      tpu.yield
    }) : () -> ()
    %dma_start3A_507 = arith.constant 0 : i32
    %dma_start3A_508 = arith.constant 0 : i32
    %dma_start3A_509 = arith.constant 0 : i32
    %dma_start3A_510 = arith.constant 0 : i32
    %dma_start3A_511 = arith.constant 0 : i32
    %dma_start3A_512 = tpu.memref_slice %arg8[%dma_start3A_509, %dma_start3A_510, %dma_start3A_511] : memref<2x128x128xf32, #tpu.memory_space<vmem>> -> memref<1x128x128xf32, #tpu.memory_space<vmem>>
    %dma_start3A_513 = tpu.memref_squeeze %dma_start3A_512 : memref<1x128x128xf32, #tpu.memory_space<vmem>> -> memref<128x128xf32, #tpu.memory_space<vmem>>
    %dma_start3A_514 = arith.constant 0 : i32
    %dma_start3A_515 = tpu.memref_slice %arg6[%dma_start3A_507, %dma_start3A_508, %dma_start3A_514] : memref<2x16x128xi32, #tpu.memory_space<vmem>> -> memref<1x1x128xi32, #tpu.memory_space<vmem>>
    %dma_start3A_516 = tpu.memref_squeeze %dma_start3A_515 : memref<1x1x128xi32, #tpu.memory_space<vmem>> -> memref<128xi32, #tpu.memory_space<vmem>>
    %dma_start3A_517 = arith.constant 0 : i32
    %dma_start3A_518 = arith.constant 0 : i32
    %dma_start3A_519 = tpu.memref_slice %arg2[%dma_start3A_517, %dma_start3A_518] : memref<80000x128xf32, #tpu.memory_space<hbm>> -> memref<80000x128xf32, #tpu.memory_space<hbm>>
    tpu.enqueue_indirect_dma source(%dma_start3A_519 : memref<80000x128xf32, #tpu.memory_space<hbm>>) target(%dma_start3A_513 : memref<128x128xf32, #tpu.memory_space<vmem>>) offsets(%dma_start3A_516 : memref<128xi32, #tpu.memory_space<vmem>>) semaphore(%arg10 : memref<!tpu.dma_semaphore, #tpu.memory_space<semaphore_mem>>)
    %dma_wait3A_520 = arith.constant 1 : i32
    %dma_wait3A_521 = arith.constant 15 : i32
    %dma_wait3A_522 = arith.constant 1 : i32
    %dma_wait3A_523 = arith.constant 0 : i32
    %dma_wait3A_524 = arith.constant 0 : i32
    %dma_wait3A_525 = tpu.memref_slice %arg8[%dma_wait3A_522, %dma_wait3A_523, %dma_wait3A_524] : memref<2x128x128xf32, #tpu.memory_space<vmem>> -> memref<1x128x128xf32, #tpu.memory_space<vmem>>
    %dma_wait3A_526 = tpu.memref_squeeze %dma_wait3A_525 : memref<1x128x128xf32, #tpu.memory_space<vmem>> -> memref<128x128xf32, #tpu.memory_space<vmem>>
    %dma_wait3A_527 = arith.constant 0 : i32
    %dma_wait3A_528 = tpu.memref_slice %arg6[%dma_wait3A_520, %dma_wait3A_521, %dma_wait3A_527] : memref<2x16x128xi32, #tpu.memory_space<vmem>> -> memref<1x1x128xi32, #tpu.memory_space<vmem>>
    %dma_wait3A_529 = tpu.memref_squeeze %dma_wait3A_528 : memref<1x1x128xi32, #tpu.memory_space<vmem>> -> memref<128xi32, #tpu.memory_space<vmem>>
    %dma_wait3A_530 = arith.constant 0 : i32
    %dma_wait3A_531 = arith.constant 0 : i32
    %dma_wait3A_532 = tpu.memref_slice %arg2[%dma_wait3A_530, %dma_wait3A_531] : memref<80000x128xf32, #tpu.memory_space<hbm>> -> memref<80000x128xf32, #tpu.memory_space<hbm>>
    tpu.wait_indirect_dma semaphore(%arg11 : memref<!tpu.dma_semaphore, #tpu.memory_space<semaphore_mem>>) src(%dma_wait3A_532 : memref<80000x128xf32, #tpu.memory_space<hbm>>) dst(%dma_wait3A_526 : memref<128x128xf32, #tpu.memory_space<vmem>>)
    %run_scoped3A_533 = arith.constant 1 : i32
    %run_scoped3A_534 = arith.constant 1 : i32
    %run_scoped3A_535 = arith.constant 15 : i32
    "tpu.region"() ({
      %run_scoped3A_596 = tpu.sem_alloc : memref<!tpu.dma_semaphore, #tpu.memory_space<semaphore_mem>>
      %dma_start3A_597 = arith.constant 0 : i32
      %dma_start3A_598 = arith.constant 0 : i32
      %dma_start3A_599 = tpu.memref_slice %arg8[%run_scoped3A_533, %dma_start3A_597, %dma_start3A_598] : memref<2x128x128xf32, #tpu.memory_space<vmem>> -> memref<1x128x128xf32, #tpu.memory_space<vmem>>
      %dma_start3A_600 = tpu.memref_squeeze %dma_start3A_599 : memref<1x128x128xf32, #tpu.memory_space<vmem>> -> memref<128x128xf32, #tpu.memory_space<vmem>>
      %dma_start3A_601 = arith.constant 0 : i32
      %dma_start3A_602 = tpu.memref_slice %arg7[%run_scoped3A_534, %run_scoped3A_535, %dma_start3A_601] : memref<2x16x128xi32, #tpu.memory_space<vmem>> -> memref<1x1x128xi32, #tpu.memory_space<vmem>>
      %dma_start3A_603 = tpu.memref_squeeze %dma_start3A_602 : memref<1x1x128xi32, #tpu.memory_space<vmem>> -> memref<128xi32, #tpu.memory_space<vmem>>
      %dma_start3A_604 = arith.constant 0 : i32
      %dma_start3A_605 = arith.constant 0 : i32
      %dma_start3A_606 = tpu.memref_slice %arg9[%dma_start3A_604, %dma_start3A_605] : memref<10240x128xf32, #tpu.memory_space<vmem_shared>> -> memref<10240x128xf32, #tpu.memory_space<vmem_shared>>
      tpu.enqueue_indirect_dma source(%dma_start3A_600 : memref<128x128xf32, #tpu.memory_space<vmem>>) target(%dma_start3A_606 : memref<10240x128xf32, #tpu.memory_space<vmem_shared>>) offsets(%dma_start3A_603 : memref<128xi32, #tpu.memory_space<vmem>>) semaphore(%run_scoped3A_596 : memref<!tpu.dma_semaphore, #tpu.memory_space<semaphore_mem>>) {add = true}
      %dma_wait3A_607 = arith.constant 0 : i32
      %dma_wait3A_608 = arith.constant 0 : i32
      %dma_wait3A_609 = tpu.memref_slice %arg8[%run_scoped3A_533, %dma_wait3A_607, %dma_wait3A_608] : memref<2x128x128xf32, #tpu.memory_space<vmem>> -> memref<1x128x128xf32, #tpu.memory_space<vmem>>
      %dma_wait3A_610 = tpu.memref_squeeze %dma_wait3A_609 : memref<1x128x128xf32, #tpu.memory_space<vmem>> -> memref<128x128xf32, #tpu.memory_space<vmem>>
      %dma_wait3A_611 = arith.constant 0 : i32
      %dma_wait3A_612 = tpu.memref_slice %arg7[%run_scoped3A_534, %run_scoped3A_535, %dma_wait3A_611] : memref<2x16x128xi32, #tpu.memory_space<vmem>> -> memref<1x1x128xi32, #tpu.memory_space<vmem>>
      %dma_wait3A_613 = tpu.memref_squeeze %dma_wait3A_612 : memref<1x1x128xi32, #tpu.memory_space<vmem>> -> memref<128xi32, #tpu.memory_space<vmem>>
      %dma_wait3A_614 = arith.constant 0 : i32
      %dma_wait3A_615 = arith.constant 0 : i32
      %dma_wait3A_616 = tpu.memref_slice %arg9[%dma_wait3A_614, %dma_wait3A_615] : memref<10240x128xf32, #tpu.memory_space<vmem_shared>> -> memref<10240x128xf32, #tpu.memory_space<vmem_shared>>
      tpu.wait_indirect_dma semaphore(%run_scoped3A_596 : memref<!tpu.dma_semaphore, #tpu.memory_space<semaphore_mem>>) src(%dma_wait3A_610 : memref<128x128xf32, #tpu.memory_space<vmem>>) dst(%dma_wait3A_616 : memref<10240x128xf32, #tpu.memory_space<vmem_shared>>)
      tpu.yield
    }) : () -> ()
    %dma_start3A_536 = arith.constant 0 : i32
    %dma_start3A_537 = arith.constant 1 : i32
    %dma_start3A_538 = arith.constant 1 : i32
    %dma_start3A_539 = arith.constant 0 : i32
    %dma_start3A_540 = arith.constant 0 : i32
    %dma_start3A_541 = tpu.memref_slice %arg8[%dma_start3A_538, %dma_start3A_539, %dma_start3A_540] : memref<2x128x128xf32, #tpu.memory_space<vmem>> -> memref<1x128x128xf32, #tpu.memory_space<vmem>>
    %dma_start3A_542 = tpu.memref_squeeze %dma_start3A_541 : memref<1x128x128xf32, #tpu.memory_space<vmem>> -> memref<128x128xf32, #tpu.memory_space<vmem>>
    %dma_start3A_543 = arith.constant 0 : i32
    %dma_start3A_544 = tpu.memref_slice %arg6[%dma_start3A_536, %dma_start3A_537, %dma_start3A_543] : memref<2x16x128xi32, #tpu.memory_space<vmem>> -> memref<1x1x128xi32, #tpu.memory_space<vmem>>
    %dma_start3A_545 = tpu.memref_squeeze %dma_start3A_544 : memref<1x1x128xi32, #tpu.memory_space<vmem>> -> memref<128xi32, #tpu.memory_space<vmem>>
    %dma_start3A_546 = arith.constant 0 : i32
    %dma_start3A_547 = arith.constant 0 : i32
    %dma_start3A_548 = tpu.memref_slice %arg2[%dma_start3A_546, %dma_start3A_547] : memref<80000x128xf32, #tpu.memory_space<hbm>> -> memref<80000x128xf32, #tpu.memory_space<hbm>>
    tpu.enqueue_indirect_dma source(%dma_start3A_548 : memref<80000x128xf32, #tpu.memory_space<hbm>>) target(%dma_start3A_542 : memref<128x128xf32, #tpu.memory_space<vmem>>) offsets(%dma_start3A_545 : memref<128xi32, #tpu.memory_space<vmem>>) semaphore(%arg11 : memref<!tpu.dma_semaphore, #tpu.memory_space<semaphore_mem>>)
    %scan3A_549 = arith.constant 0 : i32
    %scan3A_550 = arith.constant 0 : i32
    %scan3A_551 = arith.constant 7 : i32
    %scan3A_552 = arith.addi %scan3A_550, %scan3A_551 : i32
    %scan3A_553 = arith.constant 1 : i32
    %scan3A_554 = scf.for %scan3A_596 = %scan3A_550 to %scan3A_552 step %scan3A_553 iter_args(%scan3A_597 = %scan3A_549) -> (i32)  : i32 {
      %mul3A_598 = arith.constant 2 : i32
      %mul3A_599 = arith.muli %scan3A_596, %mul3A_598 : i32
      %add3A_600 = arith.constant 0 : i32
      %add3A_601 = arith.addi %mul3A_599, %add3A_600 : i32
      %dma_wait3A_602 = arith.constant 0 : i32
      %dma_wait3A_603 = arith.constant 0 : i32
      %dma_wait3A_604 = arith.constant 0 : i32
      %dma_wait3A_605 = arith.constant 0 : i32
      %dma_wait3A_606 = tpu.memref_slice %arg8[%dma_wait3A_603, %dma_wait3A_604, %dma_wait3A_605] : memref<2x128x128xf32, #tpu.memory_space<vmem>> -> memref<1x128x128xf32, #tpu.memory_space<vmem>>
      %dma_wait3A_607 = tpu.memref_squeeze %dma_wait3A_606 : memref<1x128x128xf32, #tpu.memory_space<vmem>> -> memref<128x128xf32, #tpu.memory_space<vmem>>
      %dma_wait3A_608 = arith.constant 0 : i32
      %dma_wait3A_609 = tpu.memref_slice %arg6[%dma_wait3A_602, %add3A_601, %dma_wait3A_608] : memref<2x16x128xi32, #tpu.memory_space<vmem>> -> memref<1x1x128xi32, #tpu.memory_space<vmem>>
      %dma_wait3A_610 = tpu.memref_squeeze %dma_wait3A_609 : memref<1x1x128xi32, #tpu.memory_space<vmem>> -> memref<128xi32, #tpu.memory_space<vmem>>
      %dma_wait3A_611 = arith.constant 0 : i32
      %dma_wait3A_612 = arith.constant 0 : i32
      %dma_wait3A_613 = tpu.memref_slice %arg2[%dma_wait3A_611, %dma_wait3A_612] : memref<80000x128xf32, #tpu.memory_space<hbm>> -> memref<80000x128xf32, #tpu.memory_space<hbm>>
      tpu.wait_indirect_dma semaphore(%arg10 : memref<!tpu.dma_semaphore, #tpu.memory_space<semaphore_mem>>) src(%dma_wait3A_613 : memref<80000x128xf32, #tpu.memory_space<hbm>>) dst(%dma_wait3A_607 : memref<128x128xf32, #tpu.memory_space<vmem>>)
      %run_scoped3A_614 = arith.constant 0 : i32
      %run_scoped3A_615 = arith.constant 0 : i32
      "tpu.region"() ({
        %run_scoped3A_663 = tpu.sem_alloc : memref<!tpu.dma_semaphore, #tpu.memory_space<semaphore_mem>>
        %dma_start3A_664 = arith.constant 0 : i32
        %dma_start3A_665 = arith.constant 0 : i32
        %dma_start3A_666 = tpu.memref_slice %arg8[%run_scoped3A_614, %dma_start3A_664, %dma_start3A_665] : memref<2x128x128xf32, #tpu.memory_space<vmem>> -> memref<1x128x128xf32, #tpu.memory_space<vmem>>
        %dma_start3A_667 = tpu.memref_squeeze %dma_start3A_666 : memref<1x128x128xf32, #tpu.memory_space<vmem>> -> memref<128x128xf32, #tpu.memory_space<vmem>>
        %dma_start3A_668 = arith.constant 0 : i32
        %dma_start3A_669 = tpu.memref_slice %arg7[%run_scoped3A_615, %add3A_601, %dma_start3A_668] : memref<2x16x128xi32, #tpu.memory_space<vmem>> -> memref<1x1x128xi32, #tpu.memory_space<vmem>>
        %dma_start3A_670 = tpu.memref_squeeze %dma_start3A_669 : memref<1x1x128xi32, #tpu.memory_space<vmem>> -> memref<128xi32, #tpu.memory_space<vmem>>
        %dma_start3A_671 = arith.constant 0 : i32
        %dma_start3A_672 = arith.constant 0 : i32
        %dma_start3A_673 = tpu.memref_slice %arg9[%dma_start3A_671, %dma_start3A_672] : memref<10240x128xf32, #tpu.memory_space<vmem_shared>> -> memref<10240x128xf32, #tpu.memory_space<vmem_shared>>
        tpu.enqueue_indirect_dma source(%dma_start3A_667 : memref<128x128xf32, #tpu.memory_space<vmem>>) target(%dma_start3A_673 : memref<10240x128xf32, #tpu.memory_space<vmem_shared>>) offsets(%dma_start3A_670 : memref<128xi32, #tpu.memory_space<vmem>>) semaphore(%run_scoped3A_663 : memref<!tpu.dma_semaphore, #tpu.memory_space<semaphore_mem>>) {add = true}
        %dma_wait3A_674 = arith.constant 0 : i32
        %dma_wait3A_675 = arith.constant 0 : i32
        %dma_wait3A_676 = tpu.memref_slice %arg8[%run_scoped3A_614, %dma_wait3A_674, %dma_wait3A_675] : memref<2x128x128xf32, #tpu.memory_space<vmem>> -> memref<1x128x128xf32, #tpu.memory_space<vmem>>
        %dma_wait3A_677 = tpu.memref_squeeze %dma_wait3A_676 : memref<1x128x128xf32, #tpu.memory_space<vmem>> -> memref<128x128xf32, #tpu.memory_space<vmem>>
        %dma_wait3A_678 = arith.constant 0 : i32
        %dma_wait3A_679 = tpu.memref_slice %arg7[%run_scoped3A_615, %add3A_601, %dma_wait3A_678] : memref<2x16x128xi32, #tpu.memory_space<vmem>> -> memref<1x1x128xi32, #tpu.memory_space<vmem>>
        %dma_wait3A_680 = tpu.memref_squeeze %dma_wait3A_679 : memref<1x1x128xi32, #tpu.memory_space<vmem>> -> memref<128xi32, #tpu.memory_space<vmem>>
        %dma_wait3A_681 = arith.constant 0 : i32
        %dma_wait3A_682 = arith.constant 0 : i32
        %dma_wait3A_683 = tpu.memref_slice %arg9[%dma_wait3A_681, %dma_wait3A_682] : memref<10240x128xf32, #tpu.memory_space<vmem_shared>> -> memref<10240x128xf32, #tpu.memory_space<vmem_shared>>
        tpu.wait_indirect_dma semaphore(%run_scoped3A_663 : memref<!tpu.dma_semaphore, #tpu.memory_space<semaphore_mem>>) src(%dma_wait3A_677 : memref<128x128xf32, #tpu.memory_space<vmem>>) dst(%dma_wait3A_683 : memref<10240x128xf32, #tpu.memory_space<vmem_shared>>)
        tpu.yield
      }) : () -> ()
      %add3A_616 = arith.constant 2 : i32
      %add3A_617 = arith.addi %add3A_601, %add3A_616 : i32
      %dma_start3A_618 = arith.constant 0 : i32
      %dma_start3A_619 = arith.constant 0 : i32
      %dma_start3A_620 = arith.constant 0 : i32
      %dma_start3A_621 = arith.constant 0 : i32
      %dma_start3A_622 = tpu.memref_slice %arg8[%dma_start3A_619, %dma_start3A_620, %dma_start3A_621] : memref<2x128x128xf32, #tpu.memory_space<vmem>> -> memref<1x128x128xf32, #tpu.memory_space<vmem>>
      %dma_start3A_623 = tpu.memref_squeeze %dma_start3A_622 : memref<1x128x128xf32, #tpu.memory_space<vmem>> -> memref<128x128xf32, #tpu.memory_space<vmem>>
      %dma_start3A_624 = arith.constant 0 : i32
      %dma_start3A_625 = tpu.memref_slice %arg6[%dma_start3A_618, %add3A_617, %dma_start3A_624] : memref<2x16x128xi32, #tpu.memory_space<vmem>> -> memref<1x1x128xi32, #tpu.memory_space<vmem>>
      %dma_start3A_626 = tpu.memref_squeeze %dma_start3A_625 : memref<1x1x128xi32, #tpu.memory_space<vmem>> -> memref<128xi32, #tpu.memory_space<vmem>>
      %dma_start3A_627 = arith.constant 0 : i32
      %dma_start3A_628 = arith.constant 0 : i32
      %dma_start3A_629 = tpu.memref_slice %arg2[%dma_start3A_627, %dma_start3A_628] : memref<80000x128xf32, #tpu.memory_space<hbm>> -> memref<80000x128xf32, #tpu.memory_space<hbm>>
      tpu.enqueue_indirect_dma source(%dma_start3A_629 : memref<80000x128xf32, #tpu.memory_space<hbm>>) target(%dma_start3A_623 : memref<128x128xf32, #tpu.memory_space<vmem>>) offsets(%dma_start3A_626 : memref<128xi32, #tpu.memory_space<vmem>>) semaphore(%arg10 : memref<!tpu.dma_semaphore, #tpu.memory_space<semaphore_mem>>)
      %mul3A_630 = arith.constant 2 : i32
      %mul3A_631 = arith.muli %scan3A_596, %mul3A_630 : i32
      %add3A_632 = arith.constant 1 : i32
      %add3A_633 = arith.addi %mul3A_631, %add3A_632 : i32
      %dma_wait3A_634 = arith.constant 0 : i32
      %dma_wait3A_635 = arith.constant 1 : i32
      %dma_wait3A_636 = arith.constant 0 : i32
      %dma_wait3A_637 = arith.constant 0 : i32
      %dma_wait3A_638 = tpu.memref_slice %arg8[%dma_wait3A_635, %dma_wait3A_636, %dma_wait3A_637] : memref<2x128x128xf32, #tpu.memory_space<vmem>> -> memref<1x128x128xf32, #tpu.memory_space<vmem>>
      %dma_wait3A_639 = tpu.memref_squeeze %dma_wait3A_638 : memref<1x128x128xf32, #tpu.memory_space<vmem>> -> memref<128x128xf32, #tpu.memory_space<vmem>>
      %dma_wait3A_640 = arith.constant 0 : i32
      %dma_wait3A_641 = tpu.memref_slice %arg6[%dma_wait3A_634, %add3A_633, %dma_wait3A_640] : memref<2x16x128xi32, #tpu.memory_space<vmem>> -> memref<1x1x128xi32, #tpu.memory_space<vmem>>
      %dma_wait3A_642 = tpu.memref_squeeze %dma_wait3A_641 : memref<1x1x128xi32, #tpu.memory_space<vmem>> -> memref<128xi32, #tpu.memory_space<vmem>>
      %dma_wait3A_643 = arith.constant 0 : i32
      %dma_wait3A_644 = arith.constant 0 : i32
      %dma_wait3A_645 = tpu.memref_slice %arg2[%dma_wait3A_643, %dma_wait3A_644] : memref<80000x128xf32, #tpu.memory_space<hbm>> -> memref<80000x128xf32, #tpu.memory_space<hbm>>
      tpu.wait_indirect_dma semaphore(%arg11 : memref<!tpu.dma_semaphore, #tpu.memory_space<semaphore_mem>>) src(%dma_wait3A_645 : memref<80000x128xf32, #tpu.memory_space<hbm>>) dst(%dma_wait3A_639 : memref<128x128xf32, #tpu.memory_space<vmem>>)
      %run_scoped3A_646 = arith.constant 1 : i32
      %run_scoped3A_647 = arith.constant 0 : i32
      "tpu.region"() ({
        %run_scoped3A_663 = tpu.sem_alloc : memref<!tpu.dma_semaphore, #tpu.memory_space<semaphore_mem>>
        %dma_start3A_664 = arith.constant 0 : i32
        %dma_start3A_665 = arith.constant 0 : i32
        %dma_start3A_666 = tpu.memref_slice %arg8[%run_scoped3A_646, %dma_start3A_664, %dma_start3A_665] : memref<2x128x128xf32, #tpu.memory_space<vmem>> -> memref<1x128x128xf32, #tpu.memory_space<vmem>>
        %dma_start3A_667 = tpu.memref_squeeze %dma_start3A_666 : memref<1x128x128xf32, #tpu.memory_space<vmem>> -> memref<128x128xf32, #tpu.memory_space<vmem>>
        %dma_start3A_668 = arith.constant 0 : i32
        %dma_start3A_669 = tpu.memref_slice %arg7[%run_scoped3A_647, %add3A_633, %dma_start3A_668] : memref<2x16x128xi32, #tpu.memory_space<vmem>> -> memref<1x1x128xi32, #tpu.memory_space<vmem>>
        %dma_start3A_670 = tpu.memref_squeeze %dma_start3A_669 : memref<1x1x128xi32, #tpu.memory_space<vmem>> -> memref<128xi32, #tpu.memory_space<vmem>>
        %dma_start3A_671 = arith.constant 0 : i32
        %dma_start3A_672 = arith.constant 0 : i32
        %dma_start3A_673 = tpu.memref_slice %arg9[%dma_start3A_671, %dma_start3A_672] : memref<10240x128xf32, #tpu.memory_space<vmem_shared>> -> memref<10240x128xf32, #tpu.memory_space<vmem_shared>>
        tpu.enqueue_indirect_dma source(%dma_start3A_667 : memref<128x128xf32, #tpu.memory_space<vmem>>) target(%dma_start3A_673 : memref<10240x128xf32, #tpu.memory_space<vmem_shared>>) offsets(%dma_start3A_670 : memref<128xi32, #tpu.memory_space<vmem>>) semaphore(%run_scoped3A_663 : memref<!tpu.dma_semaphore, #tpu.memory_space<semaphore_mem>>) {add = true}
        %dma_wait3A_674 = arith.constant 0 : i32
        %dma_wait3A_675 = arith.constant 0 : i32
        %dma_wait3A_676 = tpu.memref_slice %arg8[%run_scoped3A_646, %dma_wait3A_674, %dma_wait3A_675] : memref<2x128x128xf32, #tpu.memory_space<vmem>> -> memref<1x128x128xf32, #tpu.memory_space<vmem>>
        %dma_wait3A_677 = tpu.memref_squeeze %dma_wait3A_676 : memref<1x128x128xf32, #tpu.memory_space<vmem>> -> memref<128x128xf32, #tpu.memory_space<vmem>>
        %dma_wait3A_678 = arith.constant 0 : i32
        %dma_wait3A_679 = tpu.memref_slice %arg7[%run_scoped3A_647, %add3A_633, %dma_wait3A_678] : memref<2x16x128xi32, #tpu.memory_space<vmem>> -> memref<1x1x128xi32, #tpu.memory_space<vmem>>
        %dma_wait3A_680 = tpu.memref_squeeze %dma_wait3A_679 : memref<1x1x128xi32, #tpu.memory_space<vmem>> -> memref<128xi32, #tpu.memory_space<vmem>>
        %dma_wait3A_681 = arith.constant 0 : i32
        %dma_wait3A_682 = arith.constant 0 : i32
        %dma_wait3A_683 = tpu.memref_slice %arg9[%dma_wait3A_681, %dma_wait3A_682] : memref<10240x128xf32, #tpu.memory_space<vmem_shared>> -> memref<10240x128xf32, #tpu.memory_space<vmem_shared>>
        tpu.wait_indirect_dma semaphore(%run_scoped3A_663 : memref<!tpu.dma_semaphore, #tpu.memory_space<semaphore_mem>>) src(%dma_wait3A_677 : memref<128x128xf32, #tpu.memory_space<vmem>>) dst(%dma_wait3A_683 : memref<10240x128xf32, #tpu.memory_space<vmem_shared>>)
        tpu.yield
      }) : () -> ()
      %add3A_648 = arith.constant 2 : i32
      %add3A_649 = arith.addi %add3A_633, %add3A_648 : i32
      %dma_start3A_650 = arith.constant 0 : i32
      %dma_start3A_651 = arith.constant 1 : i32
      %dma_start3A_652 = arith.constant 0 : i32
      %dma_start3A_653 = arith.constant 0 : i32
      %dma_start3A_654 = tpu.memref_slice %arg8[%dma_start3A_651, %dma_start3A_652, %dma_start3A_653] : memref<2x128x128xf32, #tpu.memory_space<vmem>> -> memref<1x128x128xf32, #tpu.memory_space<vmem>>
      %dma_start3A_655 = tpu.memref_squeeze %dma_start3A_654 : memref<1x128x128xf32, #tpu.memory_space<vmem>> -> memref<128x128xf32, #tpu.memory_space<vmem>>
      %dma_start3A_656 = arith.constant 0 : i32
      %dma_start3A_657 = tpu.memref_slice %arg6[%dma_start3A_650, %add3A_649, %dma_start3A_656] : memref<2x16x128xi32, #tpu.memory_space<vmem>> -> memref<1x1x128xi32, #tpu.memory_space<vmem>>
      %dma_start3A_658 = tpu.memref_squeeze %dma_start3A_657 : memref<1x1x128xi32, #tpu.memory_space<vmem>> -> memref<128xi32, #tpu.memory_space<vmem>>
      %dma_start3A_659 = arith.constant 0 : i32
      %dma_start3A_660 = arith.constant 0 : i32
      %dma_start3A_661 = tpu.memref_slice %arg2[%dma_start3A_659, %dma_start3A_660] : memref<80000x128xf32, #tpu.memory_space<hbm>> -> memref<80000x128xf32, #tpu.memory_space<hbm>>
      tpu.enqueue_indirect_dma source(%dma_start3A_661 : memref<80000x128xf32, #tpu.memory_space<hbm>>) target(%dma_start3A_655 : memref<128x128xf32, #tpu.memory_space<vmem>>) offsets(%dma_start3A_658 : memref<128xi32, #tpu.memory_space<vmem>>) semaphore(%arg11 : memref<!tpu.dma_semaphore, #tpu.memory_space<semaphore_mem>>)
      %scan3A_662 = arith.constant 0 : i32
      scf.yield %scan3A_662 : i32
    }
    %scan3A_555 = arith.constant 7 : i32
    %dma_wait3A_556 = arith.constant 0 : i32
    %dma_wait3A_557 = arith.constant 14 : i32
    %dma_wait3A_558 = arith.constant 0 : i32
    %dma_wait3A_559 = arith.constant 0 : i32
    %dma_wait3A_560 = arith.constant 0 : i32
    %dma_wait3A_561 = tpu.memref_slice %arg8[%dma_wait3A_558, %dma_wait3A_559, %dma_wait3A_560] : memref<2x128x128xf32, #tpu.memory_space<vmem>> -> memref<1x128x128xf32, #tpu.memory_space<vmem>>
    %dma_wait3A_562 = tpu.memref_squeeze %dma_wait3A_561 : memref<1x128x128xf32, #tpu.memory_space<vmem>> -> memref<128x128xf32, #tpu.memory_space<vmem>>
    %dma_wait3A_563 = arith.constant 0 : i32
    %dma_wait3A_564 = tpu.memref_slice %arg6[%dma_wait3A_556, %dma_wait3A_557, %dma_wait3A_563] : memref<2x16x128xi32, #tpu.memory_space<vmem>> -> memref<1x1x128xi32, #tpu.memory_space<vmem>>
    %dma_wait3A_565 = tpu.memref_squeeze %dma_wait3A_564 : memref<1x1x128xi32, #tpu.memory_space<vmem>> -> memref<128xi32, #tpu.memory_space<vmem>>
    %dma_wait3A_566 = arith.constant 0 : i32
    %dma_wait3A_567 = arith.constant 0 : i32
    %dma_wait3A_568 = tpu.memref_slice %arg2[%dma_wait3A_566, %dma_wait3A_567] : memref<80000x128xf32, #tpu.memory_space<hbm>> -> memref<80000x128xf32, #tpu.memory_space<hbm>>
    tpu.wait_indirect_dma semaphore(%arg10 : memref<!tpu.dma_semaphore, #tpu.memory_space<semaphore_mem>>) src(%dma_wait3A_568 : memref<80000x128xf32, #tpu.memory_space<hbm>>) dst(%dma_wait3A_562 : memref<128x128xf32, #tpu.memory_space<vmem>>)
    %run_scoped3A_569 = arith.constant 0 : i32
    %run_scoped3A_570 = arith.constant 0 : i32
    %run_scoped3A_571 = arith.constant 14 : i32
    "tpu.region"() ({
      %run_scoped3A_596 = tpu.sem_alloc : memref<!tpu.dma_semaphore, #tpu.memory_space<semaphore_mem>>
      %dma_start3A_597 = arith.constant 0 : i32
      %dma_start3A_598 = arith.constant 0 : i32
      %dma_start3A_599 = tpu.memref_slice %arg8[%run_scoped3A_569, %dma_start3A_597, %dma_start3A_598] : memref<2x128x128xf32, #tpu.memory_space<vmem>> -> memref<1x128x128xf32, #tpu.memory_space<vmem>>
      %dma_start3A_600 = tpu.memref_squeeze %dma_start3A_599 : memref<1x128x128xf32, #tpu.memory_space<vmem>> -> memref<128x128xf32, #tpu.memory_space<vmem>>
      %dma_start3A_601 = arith.constant 0 : i32
      %dma_start3A_602 = tpu.memref_slice %arg7[%run_scoped3A_570, %run_scoped3A_571, %dma_start3A_601] : memref<2x16x128xi32, #tpu.memory_space<vmem>> -> memref<1x1x128xi32, #tpu.memory_space<vmem>>
      %dma_start3A_603 = tpu.memref_squeeze %dma_start3A_602 : memref<1x1x128xi32, #tpu.memory_space<vmem>> -> memref<128xi32, #tpu.memory_space<vmem>>
      %dma_start3A_604 = arith.constant 0 : i32
      %dma_start3A_605 = arith.constant 0 : i32
      %dma_start3A_606 = tpu.memref_slice %arg9[%dma_start3A_604, %dma_start3A_605] : memref<10240x128xf32, #tpu.memory_space<vmem_shared>> -> memref<10240x128xf32, #tpu.memory_space<vmem_shared>>
      tpu.enqueue_indirect_dma source(%dma_start3A_600 : memref<128x128xf32, #tpu.memory_space<vmem>>) target(%dma_start3A_606 : memref<10240x128xf32, #tpu.memory_space<vmem_shared>>) offsets(%dma_start3A_603 : memref<128xi32, #tpu.memory_space<vmem>>) semaphore(%run_scoped3A_596 : memref<!tpu.dma_semaphore, #tpu.memory_space<semaphore_mem>>) {add = true}
      %dma_wait3A_607 = arith.constant 0 : i32
      %dma_wait3A_608 = arith.constant 0 : i32
      %dma_wait3A_609 = tpu.memref_slice %arg8[%run_scoped3A_569, %dma_wait3A_607, %dma_wait3A_608] : memref<2x128x128xf32, #tpu.memory_space<vmem>> -> memref<1x128x128xf32, #tpu.memory_space<vmem>>
      %dma_wait3A_610 = tpu.memref_squeeze %dma_wait3A_609 : memref<1x128x128xf32, #tpu.memory_space<vmem>> -> memref<128x128xf32, #tpu.memory_space<vmem>>
      %dma_wait3A_611 = arith.constant 0 : i32
      %dma_wait3A_612 = tpu.memref_slice %arg7[%run_scoped3A_570, %run_scoped3A_571, %dma_wait3A_611] : memref<2x16x128xi32, #tpu.memory_space<vmem>> -> memref<1x1x128xi32, #tpu.memory_space<vmem>>
      %dma_wait3A_613 = tpu.memref_squeeze %dma_wait3A_612 : memref<1x1x128xi32, #tpu.memory_space<vmem>> -> memref<128xi32, #tpu.memory_space<vmem>>
      %dma_wait3A_614 = arith.constant 0 : i32
      %dma_wait3A_615 = arith.constant 0 : i32
      %dma_wait3A_616 = tpu.memref_slice %arg9[%dma_wait3A_614, %dma_wait3A_615] : memref<10240x128xf32, #tpu.memory_space<vmem_shared>> -> memref<10240x128xf32, #tpu.memory_space<vmem_shared>>
      tpu.wait_indirect_dma semaphore(%run_scoped3A_596 : memref<!tpu.dma_semaphore, #tpu.memory_space<semaphore_mem>>) src(%dma_wait3A_610 : memref<128x128xf32, #tpu.memory_space<vmem>>) dst(%dma_wait3A_616 : memref<10240x128xf32, #tpu.memory_space<vmem_shared>>)
      tpu.yield
    }) : () -> ()
    %dma_wait3A_572 = arith.constant 0 : i32
    %dma_wait3A_573 = arith.constant 15 : i32
    %dma_wait3A_574 = arith.constant 1 : i32
    %dma_wait3A_575 = arith.constant 0 : i32
    %dma_wait3A_576 = arith.constant 0 : i32
    %dma_wait3A_577 = tpu.memref_slice %arg8[%dma_wait3A_574, %dma_wait3A_575, %dma_wait3A_576] : memref<2x128x128xf32, #tpu.memory_space<vmem>> -> memref<1x128x128xf32, #tpu.memory_space<vmem>>
    %dma_wait3A_578 = tpu.memref_squeeze %dma_wait3A_577 : memref<1x128x128xf32, #tpu.memory_space<vmem>> -> memref<128x128xf32, #tpu.memory_space<vmem>>
    %dma_wait3A_579 = arith.constant 0 : i32
    %dma_wait3A_580 = tpu.memref_slice %arg6[%dma_wait3A_572, %dma_wait3A_573, %dma_wait3A_579] : memref<2x16x128xi32, #tpu.memory_space<vmem>> -> memref<1x1x128xi32, #tpu.memory_space<vmem>>
    %dma_wait3A_581 = tpu.memref_squeeze %dma_wait3A_580 : memref<1x1x128xi32, #tpu.memory_space<vmem>> -> memref<128xi32, #tpu.memory_space<vmem>>
    %dma_wait3A_582 = arith.constant 0 : i32
    %dma_wait3A_583 = arith.constant 0 : i32
    %dma_wait3A_584 = tpu.memref_slice %arg2[%dma_wait3A_582, %dma_wait3A_583] : memref<80000x128xf32, #tpu.memory_space<hbm>> -> memref<80000x128xf32, #tpu.memory_space<hbm>>
    tpu.wait_indirect_dma semaphore(%arg11 : memref<!tpu.dma_semaphore, #tpu.memory_space<semaphore_mem>>) src(%dma_wait3A_584 : memref<80000x128xf32, #tpu.memory_space<hbm>>) dst(%dma_wait3A_578 : memref<128x128xf32, #tpu.memory_space<vmem>>)
    %run_scoped3A_585 = arith.constant 1 : i32
    %run_scoped3A_586 = arith.constant 0 : i32
    %run_scoped3A_587 = arith.constant 15 : i32
    "tpu.region"() ({
      %run_scoped3A_596 = tpu.sem_alloc : memref<!tpu.dma_semaphore, #tpu.memory_space<semaphore_mem>>
      %dma_start3A_597 = arith.constant 0 : i32
      %dma_start3A_598 = arith.constant 0 : i32
      %dma_start3A_599 = tpu.memref_slice %arg8[%run_scoped3A_585, %dma_start3A_597, %dma_start3A_598] : memref<2x128x128xf32, #tpu.memory_space<vmem>> -> memref<1x128x128xf32, #tpu.memory_space<vmem>>
      %dma_start3A_600 = tpu.memref_squeeze %dma_start3A_599 : memref<1x128x128xf32, #tpu.memory_space<vmem>> -> memref<128x128xf32, #tpu.memory_space<vmem>>
      %dma_start3A_601 = arith.constant 0 : i32
      %dma_start3A_602 = tpu.memref_slice %arg7[%run_scoped3A_586, %run_scoped3A_587, %dma_start3A_601] : memref<2x16x128xi32, #tpu.memory_space<vmem>> -> memref<1x1x128xi32, #tpu.memory_space<vmem>>
      %dma_start3A_603 = tpu.memref_squeeze %dma_start3A_602 : memref<1x1x128xi32, #tpu.memory_space<vmem>> -> memref<128xi32, #tpu.memory_space<vmem>>
      %dma_start3A_604 = arith.constant 0 : i32
      %dma_start3A_605 = arith.constant 0 : i32
      %dma_start3A_606 = tpu.memref_slice %arg9[%dma_start3A_604, %dma_start3A_605] : memref<10240x128xf32, #tpu.memory_space<vmem_shared>> -> memref<10240x128xf32, #tpu.memory_space<vmem_shared>>
      tpu.enqueue_indirect_dma source(%dma_start3A_600 : memref<128x128xf32, #tpu.memory_space<vmem>>) target(%dma_start3A_606 : memref<10240x128xf32, #tpu.memory_space<vmem_shared>>) offsets(%dma_start3A_603 : memref<128xi32, #tpu.memory_space<vmem>>) semaphore(%run_scoped3A_596 : memref<!tpu.dma_semaphore, #tpu.memory_space<semaphore_mem>>) {add = true}
      %dma_wait3A_607 = arith.constant 0 : i32
      %dma_wait3A_608 = arith.constant 0 : i32
      %dma_wait3A_609 = tpu.memref_slice %arg8[%run_scoped3A_585, %dma_wait3A_607, %dma_wait3A_608] : memref<2x128x128xf32, #tpu.memory_space<vmem>> -> memref<1x128x128xf32, #tpu.memory_space<vmem>>
      %dma_wait3A_610 = tpu.memref_squeeze %dma_wait3A_609 : memref<1x128x128xf32, #tpu.memory_space<vmem>> -> memref<128x128xf32, #tpu.memory_space<vmem>>
      %dma_wait3A_611 = arith.constant 0 : i32
      %dma_wait3A_612 = tpu.memref_slice %arg7[%run_scoped3A_586, %run_scoped3A_587, %dma_wait3A_611] : memref<2x16x128xi32, #tpu.memory_space<vmem>> -> memref<1x1x128xi32, #tpu.memory_space<vmem>>
      %dma_wait3A_613 = tpu.memref_squeeze %dma_wait3A_612 : memref<1x1x128xi32, #tpu.memory_space<vmem>> -> memref<128xi32, #tpu.memory_space<vmem>>
      %dma_wait3A_614 = arith.constant 0 : i32
      %dma_wait3A_615 = arith.constant 0 : i32
      %dma_wait3A_616 = tpu.memref_slice %arg9[%dma_wait3A_614, %dma_wait3A_615] : memref<10240x128xf32, #tpu.memory_space<vmem_shared>> -> memref<10240x128xf32, #tpu.memory_space<vmem_shared>>
      tpu.wait_indirect_dma semaphore(%run_scoped3A_596 : memref<!tpu.dma_semaphore, #tpu.memory_space<semaphore_mem>>) src(%dma_wait3A_610 : memref<128x128xf32, #tpu.memory_space<vmem>>) dst(%dma_wait3A_616 : memref<10240x128xf32, #tpu.memory_space<vmem_shared>>)
      tpu.yield
    }) : () -> ()
    %barrier3A_588 = arith.constant 0 : index
    tpu.barrier barrier_id(%barrier3A_588)
    %mul3A_589 = arith.constant 640 : i32
    %mul3A_590 = arith.muli %arg1, %mul3A_589 : i32
    %mul3A_591 = arith.constant 10240 : i32
    %mul3A_592 = arith.muli %arg0, %mul3A_591 : i32
    %mul3A_593 = arith.constant 640 : i32
    %mul3A_594 = arith.muli %arg1, %mul3A_593 : i32
    %add3A_595 = arith.addi %mul3A_592, %mul3A_594 : i32
    "tpu.region"() ({
      %run_scoped3A_596 = tpu.sem_alloc : memref<!tpu.dma_semaphore, #tpu.memory_space<semaphore_mem>>
      %dma_start3A_597 = arith.constant 0 : i32
      %dma_start3A_598 = tpu.memref_slice %arg5[%add3A_595, %dma_start3A_597] : memref<20480x128xf32, #tpu.memory_space<hbm>> -> memref<640x128xf32, #tpu.memory_space<hbm>>
      %dma_start3A_599 = arith.constant 0 : i32
      %dma_start3A_600 = tpu.memref_slice %arg9[%mul3A_590, %dma_start3A_599] : memref<10240x128xf32, #tpu.memory_space<vmem_shared>> -> memref<640x128xf32, #tpu.memory_space<vmem_shared>>
      tpu.enqueue_dma source(%dma_start3A_600 : memref<640x128xf32, #tpu.memory_space<vmem_shared>>) target(%dma_start3A_598 : memref<640x128xf32, #tpu.memory_space<hbm>>) target_semaphore(%run_scoped3A_596 : memref<!tpu.dma_semaphore, #tpu.memory_space<semaphore_mem>>)
      %dma_wait3A_601 = arith.constant 0 : i32
      %dma_wait3A_602 = tpu.memref_slice %arg5[%add3A_595, %dma_wait3A_601] : memref<20480x128xf32, #tpu.memory_space<hbm>> -> memref<640x128xf32, #tpu.memory_space<hbm>>
      %dma_wait3A_603 = arith.constant 0 : i32
      %dma_wait3A_604 = tpu.memref_slice %arg9[%mul3A_590, %dma_wait3A_603] : memref<10240x128xf32, #tpu.memory_space<vmem_shared>> -> memref<640x128xf32, #tpu.memory_space<vmem_shared>>
      tpu.wait_dma2 semaphore(%run_scoped3A_596 : memref<!tpu.dma_semaphore, #tpu.memory_space<semaphore_mem>>) src(%dma_wait3A_604 : memref<640x128xf32, #tpu.memory_space<vmem_shared>>) dst(%dma_wait3A_602 : memref<640x128xf32, #tpu.memory_space<hbm>>)
      tpu.yield
    }) : () -> ()
    return
  }
}

module attributes {stable_mosaic.version = 14 : i64} {
  func.func @_tc_body(%arg0: i32, %arg1: i32, %arg2: i32, %arg3: memref<10000x256xf32, #tpu.memory_space<vmem>>, %arg4: memref<1x128x256xf32, #tpu.memory_space<vmem>>, %arg5: memref<1x1x8x128xf32, #tpu.memory_space<vmem>>, %arg6: memref<1280x128xi32, #tpu.memory_space<vmem>>, %arg7: memref<1280x128xi32, #tpu.memory_space<vmem>>, %arg8: memref<1x10000x128xf32, #tpu.memory_space<vmem>>, %arg9: memref<1x1280x128xi32, #tpu.memory_space<vmem>>) attributes {dimension_semantics = [#tpu.dimension_semantics<arbitrary>, #tpu.dimension_semantics<arbitrary>, #tpu.dimension_semantics<arbitrary>], iteration_bounds = array<i64: 1, 2, 4>, scalar_prefetch = 0 : i64, scratch_operands = 0 : i64, tpu.core_type = #tpu.core_type<tc>, window_params = [{transform_indices = @transform_0, window_bounds = array<i64: 10000, 256>}, {transform_indices = @transform_1, window_bounds = array<i64: 1, 128, 256>}, {transform_indices = @transform_2, window_bounds = array<i64: 1, 1, 8, 128>}, {transform_indices = @transform_3, window_bounds = array<i64: 1280, 128>}, {transform_indices = @transform_4, window_bounds = array<i64: 1280, 128>}, {transform_indices = @transform_5, window_bounds = array<i64: 1, 10000, 128>}, {transform_indices = @transform_6, window_bounds = array<i64: 1, 1280, 128>}]} {
    %get3A = arith.constant 0 : index
    %get3A_0 = arith.constant 0 : index
    %get3A_1 = vector.load %arg3[%get3A, %get3A_0] : memref<10000x256xf32, #tpu.memory_space<vmem>>, vector<10000x256xf32>
    %get3A_2 = arith.constant 0 : index
    %get3A_3 = arith.constant 0 : index
    %get3A_4 = arith.constant 0 : index
    %get3A_5 = vector.load %arg4[%get3A_2, %get3A_3, %get3A_4] : memref<1x128x256xf32, #tpu.memory_space<vmem>>, vector<1x128x256xf32>
    %get3A_6 = vector.shape_cast %get3A_5 : vector<1x128x256xf32> to vector<128x256xf32>
    %dot_general3A = arith.constant dense<0.000000e+00> : vector<10000x128xf32>
    %dot_general3A_7 = tpu.matmul %get3A_1, %get3A_6, %dot_general3A {dimension_numbers = #tpu.dot_dimension_numbers<[1], [1], [0], [0], [0, 0, 1, 0], [], []>, transpose_lhs_hint = false} : vector<10000x256xf32>, vector<128x256xf32>, vector<10000x128xf32> -> vector<10000x128xf32>
    %get3A_8 = arith.constant 0 : index
    %get3A_9 = arith.constant 0 : index
    %get3A_10 = arith.constant 0 : index
    %get3A_11 = arith.constant 0 : index
    %get3A_12 = vector.load %arg5[%get3A_8, %get3A_9, %get3A_10, %get3A_11] : memref<1x1x8x128xf32, #tpu.memory_space<vmem>>, vector<1x1x1x128xf32>
    %get3A_13 = vector.shape_cast %get3A_12 : vector<1x1x1x128xf32> to vector<128xf32>
    %broadcast_in_dim3A = vector.shape_cast %get3A_13 : vector<128xf32> to vector<1x128xf32>
    %add3A = vector.broadcast %broadcast_in_dim3A : vector<1x128xf32> to vector<10000x128xf32>
    %add3A_14 = arith.addf %dot_general3A_7, %add3A : vector<10000x128xf32>
    %swap3A = arith.constant 0 : index
    %swap3A_15 = arith.constant 0 : index
    %swap3A_16 = arith.constant 0 : index
    %swap3A_17 = vector.load %arg8[%swap3A, %swap3A_15, %swap3A_16] : memref<1x10000x128xf32, #tpu.memory_space<vmem>>, vector<1x10000x128xf32>
    %swap3A_18 = vector.shape_cast %swap3A_17 : vector<1x10000x128xf32> to vector<10000x128xf32>
    %swap3A_19 = vector.shape_cast %add3A_14 : vector<10000x128xf32> to vector<1x10000x128xf32>
    tpu.vector_store %arg8[%swap3A, %swap3A_15, %swap3A_16], %swap3A_19 {strides = array<i32>} : memref<1x10000x128xf32, #tpu.memory_space<vmem>>, vector<1x10000x128xf32>,
    %get3A_20 = arith.constant 0 : index
    %get3A_21 = arith.constant 0 : index
    %get3A_22 = vector.load %arg7[%get3A_20, %get3A_21] : memref<1280x128xi32, #tpu.memory_space<vmem>>, vector<1280x128xi32>
    %mul3A = arith.constant 10000 : i32
    %mul3A_23 = vector.broadcast %mul3A : i32 to vector<1280x128xi32>
    %mul3A_24 = arith.muli %get3A_22, %mul3A_23 : vector<1280x128xi32>
    %get3A_25 = arith.constant 0 : index
    %get3A_26 = arith.constant 0 : index
    %get3A_27 = vector.load %arg6[%get3A_25, %get3A_26] : memref<1280x128xi32, #tpu.memory_space<vmem>>, vector<1280x128xi32>
    %add3A_28 = arith.addi %mul3A_24, %get3A_27 : vector<1280x128xi32>
    %mul3A_29 = arith.constant 40000 : i32
    %mul3A_30 = arith.muli %arg1, %mul3A_29 : i32
    %add3A_31 = vector.broadcast %mul3A_30 : i32 to vector<1280x128xi32>
    %add3A_32 = arith.addi %add3A_28, %add3A_31 : vector<1280x128xi32>
    %swap3A_33 = arith.constant 0 : index
    %swap3A_34 = arith.constant 0 : index
    %swap3A_35 = arith.constant 0 : index
    %swap3A_36 = vector.load %arg9[%swap3A_33, %swap3A_34, %swap3A_35] : memref<1x1280x128xi32, #tpu.memory_space<vmem>>, vector<1x1280x128xi32>
    %swap3A_37 = vector.shape_cast %swap3A_36 : vector<1x1280x128xi32> to vector<1280x128xi32>
    %swap3A_38 = vector.shape_cast %add3A_32 : vector<1280x128xi32> to vector<1x1280x128xi32>
    tpu.vector_store %arg9[%swap3A_33, %swap3A_34, %swap3A_35], %swap3A_38 {strides = array<i32>} : memref<1x1280x128xi32, #tpu.memory_space<vmem>>, vector<1x1280x128xi32>,
    return
  }
  func.func @transform_0(%arg0: i32, %arg1: i32, %arg2: i32) -> (i32, i32) {
    %c0_i32 = arith.constant 0 : i32
    %c0_i32_0 = arith.constant 0 : i32
    return %arg0, %c0_i32 : i32, i32
  }
  func.func @transform_1(%arg0: i32, %arg1: i32, %arg2: i32) -> (i32, i32, i32) {
    %c0_i32 = arith.constant 0 : i32
    %c0_i32_0 = arith.constant 0 : i32
    return %arg2, %arg1, %c0_i32 : i32, i32, i32
  }
  func.func @transform_2(%arg0: i32, %arg1: i32, %arg2: i32) -> (i32, i32, i32, i32) {
    %c0_i32 = arith.constant 0 : i32
    %c0_i32_0 = arith.constant 0 : i32
    %c0_i32_1 = arith.constant 0 : i32
    return %arg1, %arg2, %c0_i32, %c0_i32_0 : i32, i32, i32, i32
  }
  func.func @transform_3(%arg0: i32, %arg1: i32, %arg2: i32) -> (i32, i32) {
    %c0_i32 = arith.constant 0 : i32
    %c0_i32_0 = arith.constant 0 : i32
    return %arg0, %c0_i32 : i32, i32
  }
  func.func @transform_4(%arg0: i32, %arg1: i32, %arg2: i32) -> (i32, i32) {
    %c0_i32 = arith.constant 0 : i32
    %c0_i32_0 = arith.constant 0 : i32
    return %arg0, %c0_i32 : i32, i32
  }
  func.func @transform_5(%arg0: i32, %arg1: i32, %arg2: i32) -> (i32, i32, i32) {
    %mul3A = arith.constant 1 : i32
    %mul3A_0 = arith.muli %arg2, %mul3A : i32
    %add3A = arith.addi %mul3A_0, %arg0 : i32
    %c0_i32 = arith.constant 0 : i32
    %c0_i32_1 = arith.constant 0 : i32
    return %arg1, %add3A, %c0_i32 : i32, i32, i32
  }
  func.func @transform_6(%arg0: i32, %arg1: i32, %arg2: i32) -> (i32, i32, i32) {
    %c0_i32 = arith.constant 0 : i32
    %c0_i32_0 = arith.constant 0 : i32
    return %arg1, %arg0, %c0_i32 : i32, i32, i32
  }
}

</mosaic_0001>

<sc_bundles>
// kernel: kernel.4.cloned.1.call-start
scs
__scs_entry_jumppad:
0x0: {  	(pc) =	sbr.rel $0x88, $3  }
0x1: {  	(tag) =	ssettag $0x0;
	lr =	simm.s32 $0x1  }
0x2: {  	[smem:$0x3F9C] =	sst lr;
	_ =	strace $0xD0000000  }
0x3: {  	_ = 	snop  }
0x4: {  	_ = 	snop  }
0x5: {  	_ = 	snop  }
0x6: {  	_ = 	snop  }
0x7: {  	_ = 	snop  }
__scs_overlays_trampoline_lowered:
0x8: {  	[smem:$0x3FAB] =	sst s0  }
0x9: {  	[smem:$0x3FAC] =	sst s1  }
0xa: {  	[smem:$0x3FAD] =	sst s2  }
0xb: {  	[smem:$0x3FAE] =	sst s3  }
0xc: {  	[smem:$0x3FAF] =	sst s4  }
0xd: {  	[smem:$0x3FB0] =	sst s5  }
0xe: {  	[smem:$0x3FB1] =	sst s6  }
0xf: {  	[smem:$0x3FB2] =	sst s7  }
0x10: {  	[smem:$0x3FB3] =	sst s8  }
0x11: {  	[smem:$0x3FB4] =	sst s9;
	s0 =	simm.s32 @!p0 $0x0  }
0x12: {  	s1 =	sld [smem:$0x3F9A];
	s0 =	simm.s32 @p0 $0x1  }
0x13: {  	[smem:$0x3FB5] =	sst s0;
	s0 =	simm.s32 @!p1 $0x0  }
0x14: {  	s2 =	sld [smem:$0x3F99];
	s0 =	simm.s32 @p1 $0x1  }
0x15: {  	[smem:$0x3FB6] =	sst s0;
	s0 =	simm.s32 @!p2 $0x0  }
0x16: {  	s3 =	sld [smem:$0x3FDB];
	s0 =	simm.s32 @p2 $0x1  }
0x17: {  	s4 =	simm.s32 $0x1BF5;
	[smem:$0x3FB8] =	sst s0  }
0x18: {  	s0 =	sld [smem:$0x3F9B];
	_ =	swait.ge [sflag:s4], $0x0  }
0x19: {  	s7 =	sld [smem:$0x3F9C]  }
0x1a: {  	s8 =	sadd.s32 $0xFFFFE003, lr  }
0x1b: {  	s9 =	sadd.s32 $0xFFFFFEF7, lr;
	s5 =	simm.s32 $0xFFFFFFFF;
	p2 =	slt.u32 s8, $0xFFFFF086  }
0x1c: {  	p1 =	slt.u32 s9, $0xF7A;
	s5 =	simm.s32 @!p2 $0x0  }
0x1d: {  	s5 =	simm.s32 @p1 $0x1;
	p0 =	seq.s32 s7, s2  }
0x1e: {  	s7 =	smul.u32 @!p0 $0xF7A, s2;
	p2 =	seq.s32 @!p0 s5, $0x0  }
0x1f: {  	s9 =	smul.u32 $0xF7A, s1;
	s8 =	simm.s32 @!p0 $0x1BF5;
	p2 =	por !p2, p0  }
0x20: {  	[sflag:s8] =	ssyncset.s32 @!p0 $0xFFFFF086;
	s6 =	sadd.s32 @!p0 s3, s7;
	s7 =	simm.s32 @!p0 $0x108  }
0x21: {  	s3 =	sadd.s32 s3, s9;
	s6 =	sadd.s32 @!p0 $0x88, s6;
	s7 =	simm.s32 @p2 $0x1082  }
0x22: {  	[simem:s7], [sflag:s8] =	dma.local @!p0 [hbm:s6], $0xF7A  }
0x23: {  	s9 =	sor.u32 $0xD0000000, s2;
	s6 =	simm.s32 $0x108;
	_ =	swait.ge @!p0 [sflag:s8], $0x0  }
0x24: {  	s3 =	sadd.s32 $0x88, s3;
	s6 =	simm.s32 @!p1 $0x1082;
	[sflag:s4] =	ssyncset.s32 $0xFFFFF086  }
0x25: {  	[simem:s6], [sflag:s4] =	dma.local [hbm:s3], $0xF7A  }
0x26: {  	[smem:$0x3F9C] =	sst s1;
	(tag) =	ssettag s2;
	_ =	strace s9  }
0x27: {  	s1 =	sld [smem:$0x3FAC]  }
0x28: {  	s2 =	sld [smem:$0x3FAD]  }
0x29: {  	s4 =	sld [smem:$0x3FAF]  }
0x2a: {  	p0 =	seq.s32 s5, $0x0;
	s5 =	sld [smem:$0x3FB0]  }
0x2b: {  	s6 =	sld [smem:$0x3FB1]  }
0x2c: {  	s7 =	sld [smem:$0x3FB2]  }
0x2d: {  	s3 =	simm.s32 $0x108;
	s8 =	sld [smem:$0x3FB3]  }
0x2e: {  	s3 =	simm.s32 @!p0 $0x1082;
	s9 =	sld [smem:$0x3FB4]  }
0x2f: {  	lr =	sadd.s32 s0, s3;
	s0 =	sld [smem:$0x3FAB]  }
0x30: {  	s3 =	sld [smem:$0x3FAE]  }
0x31: {  	[smem:$0x3FB7] =	sst s10  }
0x32: {  	s10 =	sld [smem:$0x3FB5];
	_ =	sdelay $0x3  }
0x33: {  	p0 =	seq.s32 s10, $0x1;
	s10 =	sld [smem:$0x3FB7];
	_ =	sdelay $0x3  }
0x34: {  	[smem:$0x3FB7] =	sst s10  }
0x35: {  	s10 =	sld [smem:$0x3FB6];
	_ =	sdelay $0x3  }
0x36: {  	p1 =	seq.s32 s10, $0x1;
	s10 =	sld [smem:$0x3FB7];
	_ =	sdelay $0x3  }
0x37: {  	[smem:$0x3FB7] =	sst s10  }
0x38: {  	s10 =	sld [smem:$0x3FB8]  }
0x39: {  	_ = 	snop;
	(pc) =	sbr.ind lr, $3  }
0x3a: {  	_ = 	snop  }
0x3b: {  	_ = 	snop  }
0x3c: {  	p2 =	seq.s32 s10, $0x1;
	s10 =	sld [smem:$0x3FB7]  }
0x3d: {  	_ =	shalt  }
0x3e: {  	_ =	shalt  }
0x3f: {  	_ =	shalt  }
0x40: {  	_ =	shalt  }
0x41: {  	_ =	shalt  }
0x42: {  	_ =	shalt  }
0x43: {  	_ =	shalt  }
0x44: {  	_ =	shalt  }
0x45: {  	_ =	shalt  }
0x46: {  	_ =	shalt  }
0x47: {  	_ =	shalt  }
0x48: {  	_ =	shalt  }
0x49: {  	_ =	shalt  }
0x4a: {  	_ =	shalt  }
0x4b: {  	_ =	shalt  }
0x4c: {  	_ =	shalt  }
0x4d: {  	_ =	shalt  }
0x4e: {  	_ =	shalt  }
0x4f: {  	_ =	shalt  }
0x50: {  	_ =	shalt  }
0x51: {  	_ =	shalt  }
0x52: {  	_ =	shalt  }
0x53: {  	_ =	shalt  }
0x54: {  	_ =	shalt  }
0x55: {  	_ =	shalt  }
0x56: {  	_ =	shalt  }
0x57: {  	_ =	shalt  }
0x58: {  	_ =	shalt  }
0x59: {  	_ =	shalt  }
0x5a: {  	_ =	shalt  }
0x5b: {  	_ =	shalt  }
0x5c: {  	_ =	shalt  }
0x5d: {  	_ =	shalt  }
0x5e: {  	_ =	shalt  }
0x5f: {  	_ =	shalt  }
0x60: {  	_ =	shalt  }
0x61: {  	_ =	shalt  }
0x62: {  	_ =	shalt  }
0x63: {  	_ =	shalt  }
0x64: {  	_ =	shalt  }
0x65: {  	_ =	shalt  }
0x66: {  	_ =	shalt  }
0x67: {  	_ =	shalt  }
0x68: {  	_ =	shalt  }
0x69: {  	_ =	shalt  }
0x6a: {  	_ =	shalt  }
0x6b: {  	_ =	shalt  }
0x6c: {  	_ =	shalt  }
0x6d: {  	_ =	shalt  }
0x6e: {  	_ =	shalt  }
0x6f: {  	_ =	shalt  }
0x70: {  	_ =	shalt  }
0x71: {  	_ =	shalt  }
0x72: {  	_ =	shalt  }
0x73: {  	_ =	shalt  }
0x74: {  	_ =	shalt  }
0x75: {  	_ =	shalt  }
0x76: {  	_ =	shalt  }
0x77: {  	_ =	shalt  }
0x78: {  	_ =	shalt  }
0x79: {  	_ =	shalt  }
0x7a: {  	_ =	shalt  }
0x7b: {  	_ =	shalt  }
0x7c: {  	_ =	shalt  }
0x7d: {  	_ =	shalt  }
0x7e: {  	_ =	shalt  }
0x7f: {  	_ =	shalt  }
0x80: {  	_ =	shalt  }
0x81: {  	_ =	shalt  }
0x82: {  	_ =	shalt  }
0x83: {  	_ =	shalt  }
0x84: {  	_ =	shalt  }
0x85: {  	_ =	shalt  }
0x86: {  	_ =	shalt  }
0x87: {  	_ =	shalt  }
.Lfunc_end0:
.L_simem_size_0:
called_computation_lowered:
.L_overlay_start_0:
0x88: {  	s2 =	sld [smem:$0x3FD9]  }
0x89: {  	s3 =	sld [smem:$0x3FFE];
	_ =	sdelay $0x1  }
0x8a: {  	s1 =	srdreg.scid  }
0x8b: {  	s0 =	sand.u32 $0x1, s1  }
0x8c: {  	s17 =	sshll.u32 s0, $0xA;
	s2 =	sadd.s32 s3, s2  }
0x8d: {  	s2 =	sadd.s32 s2, s17  }
0x8e: {  	[smem:$0x3FC3] =	sst s2  }
0x8f: {  	_ = 	snop  }
0x90: {  	s2 =	sld [smem:$0x3FD0];
	(tm) =	ssettm $0x1  }
0x91: {  	s18 =	sld [smem:$0x3FFB];
	_ =	sdelay $0x3  }
0x92: {  	_ =	strace s18  }
0x93: {  	s3 =	sld [smem:$0x3FFC];
	_ =	sdelay $0x3  }
0x94: {  	_ =	strace s3  }
0x95: {  	s3 =	sld [smem:$0x3FFD];
	_ =	sdelay $0x3  }
0x96: {  	_ =	strace s3  }
0x97: {  	_ =	strace $0x8FFFFFFF  }
0x98: {  	s19 =	sld [smem:$0x3FDB];
	_ =	sdelay $0x1  }
0x99: {  	s4 =	simm.s32 $_scs_section_size  }
0x9a: {  	s5 =	simm.s32 $_size__tile_overlayer_lowered;
	s6 =	simm.s32 $_tile_overlayer_lowered  }
0x9b: {  	s22 =	simm.s32 $0x1BFF;
	s21 =	sshll.u32 s6, $0x1;
	s3 =	sadd.s32 s4, s19  }
0x9c: {  	s7 =	simm.s32 $0x0;
	s20 =	sshll.u32 s5, $0x1;
	s5 =	sadd.s32 s21, s3  }
0x9d: {  	[timem:s7], [sflag:s22] =	dma.local [hbm:s5], s20  }
0x9e: {  	_ =	swait.ge [sflag:s22], s20  }
0x9f: {  	s4 =	ssub.s32 $0x0, s20;
	[sflag:s22] =	ssyncset.done $0x0  }
0xa0: {  	[sflag:s22] =	ssyncadd.s32 s4;
	_ =	sdelay $0x1  }
0xa1: {  	s23 =	simm.s32 $0x1B8B  }
0xa2: {  	_ =	swait.ge [sflag:s23], $0x1  }
0xa3: {  	[sflag:s23] =	ssyncset.done $0x0  }
0xa4: {  	s25 =	simm.s32 $0x1B8E;
	s24 =	sld [smem:$0x3FFE];
	[sflag:s23] =	ssyncadd.s32 $0xFFFFFFFF  }
0xa5: {  	s26 =	simm.s32 $execute0_lowered;
	[smem:$0x3FD2] =	sst s25  }
0xa6: {  	s5 =	sshll.u32 s26, $0x1;
	_ =	strace $0x80000046;
	[dreg:$0x1] =	wrdreg $0xFFFFFFFF  }
0xa7: {  	s28 =	simm.s32 $_size_execute0_lowered;
	s3 =	sadd.s32 s3, s5;
	[dreg:$0x0] =	wrdreg $0x0  }
0xa8: {  	s5 =	sshll.u32 s28, $0x1;
	[dreg:$0x2] =	wrdreg s3  }
0xa9: {  	[dreg:$0x3] =	wrdreg s5  }
0xaa: {  	[dreg:$0x4] =	wrdreg $0xC0  }
0xab: {  	_ =	task [dreg:s7], $0x5FFFF  }
0xac: {  	[dreg:$0x1] =	wrdreg $0xFFFFFFFF  }
0xad: {  	[dreg:$0x0] =	wrdreg $0x60  }
0xae: {  	[dreg:$0x2] =	wrdreg s24  }
0xaf: {  	[dreg:$0x3] =	wrdreg s2  }
0xb0: {  	[dreg:$0x4] =	wrdreg $0xA0000  }
0xb1: {  	[dreg:$0x5] =	wrdreg $0x9  }
0xb2: {  	_ =	task.clear_ibuf [dreg:s7], $0x6FFFF;
	_ =	strace $0x90000046  }
0xb3: {  	s29 =	simm.s32 $0x9;
	_ =	strace $0x80000048  }
0xb4: {  	_ =	swait.ge [sflag:s29], $0x1  }
0xb5: {  	[sflag:s29] =	ssyncadd.s32 $0xFFFFFFFF  }
0xb6: {  	_ =	strace $0x90000048  }
0xb7: {  	_ =	sfence  }
0xb8: {  	s30 =	sld [smem:$0x0];
	_ =	sdelay $0x2  }
0xb9: {  	s31 =	sshll.u32 s1, $0xD;
	s1 =	sshrl.u32 s1, $0x2  }
0xba: {  	s3 =	sand.u32 $0x4000, s31;
	s1 =	sadd.s32 s1, s30  }
0xbb: {  	s0 =	sor.u32 s3, s0;
	s1 =	sshll.u32 s1, $0x11  }
0xbc: {  	s0 =	sor.u32 s1, s0  }
0xbd: {  	s0 =	sadd.s32 $0x8F2B, s0  }
0xbe: {  	[sflag:s0] =	ssyncadd.remote.s32 $0x1  }
0xbf: {  	_ =	sfence.sel $0xFFFF  }
0xc0: {  	[dreg:$0x0] =	wrdreg $0xFFFFFFFF;
	(pc) =	sbr.abs _section_cstart, $3  }
0xc1: {  	[dreg:$0x1] =	wrdreg $0xFFFFFFFF  }
0xc2: {  	_ =	task.clear_ibuf [dreg:s7], $0x2FFFF;
	_ =	strace $0x9FFFFFFF  }
0xc3: {  	(tm) =	ssettm $0x7FFFFFFF  }
tec
execute0_lowered:
.L_overlay_start_1:
0x0: {  	(tag) =	ssettag $0x1  }
0x1: {  	s0 =	rddreg [dreg:$0x0]  }
0x2: {  	s1 =	rddreg [dreg:$0x1]  }
0x3: {  	s3 =	srdreg.scid;
	s13 =	stileid.u32  }
0x4: {  	s2 =	rddreg [dreg:$0x2];
	s7 =	smul.u32 $0x2800, s13  }
0x5: {  	s28 =	simm.s32 $0x1800;
	s29 =	simm.s32 $0x6000;
	s8 =	smul.u32 $0x50, s13  }
0x6: {  	s30 =	simm.s32 $0x1;
	s31 =	simm.s32 $0x1A80;
	s9 =	smul.u32 $0x500, s13  }
0x7: {  	s5 =	sand.u32 $0x1, s3;
	s3 =	simm.s32 $0x0;
	s21 =	smul.u32 $0x50000, s13  }
0x8: {  	s4 =	sadd.s32 $0x5A00, s0;
	s11 =	sadd.s32 $0xA00, s0;
	s6 =	smul.u32 $0x28000, s5  }
0x9: {  	[smem:$0x7FF] =	sst s3;
	s10 =	smul.u32 $0x500, s5;
	s5 =	ssub.s32 $0x2, s5  }
0xa: {  	_ =	strace $0x80000047;
	s16 =	sshrl.u32 s5, $0x1;
	s12 =	sadd.s32 $0x10, s8  }
0xb: {  	s20 =	sadd.s32 s11, s9;
	s23 =	sadd.s32 $0x20, s8;
	s24 =	sshrl.u32 s21, $0x2  }
0xc: {  	s13 =	sadd.s32 $0x30, s8;
	s6 =	sadd.s32 s7, s6;
	s17 =	sadd.s32 s8, s10  }
0xd: {  	s5 =	ssub.s32 s5, s16;
	s19 =	sadd.s32 s10, s12;
	[dreg:$0x5] =	wrdreg s20  }
0xe: {  	s22 =	sshll.u32 s12, $0x4;
	s25 =	sadd.s32 s10, s23;
	s26 =	sadd.s32 s24, s2  }
0xf: {  	s14 =	sshll.u32 s23, $0x4;
	s15 =	sadd.s32 s10, s13;
	s8 =	sadd.s32 $0x40, s8  }
0x10: {  	s12 =	simm.s32 $0xA00;
	s0 =	sadd.s32 s6, s0;
	s7 =	sshll.u32 s17, $0x4  }
0x11: {  	s6 =	sshll.u32 s19, $0x4;
	s16 =	sshll.u32 s15, $0x4;
	s17 =	sshll.u32 s13, $0x4  }
0x12: {  	s20 =	sshll.u32 s8, $0x4;
	s23 =	sadd.s32 $0x4000, s26;
	[dreg:$0x14] =	wrdreg s26  }
0x13: {  	s24 =	sadd.s32 $0x8000, s26;
	s13 =	simm.s32 $0x3;
	[dreg:$0x10] =	wrdreg s23  }
0x14: {  	s15 =	simm.s32 $0xA80;
	s18 =	sadd.s32 s1, s7;
	[dreg:$0x11] =	wrdreg s24  }
0x15: {  	s6 =	sadd.s32 s1, s6;
	s7 =	sshll.u32 s25, $0x4;
	[dreg:$0x4] =	wrdreg s18  }
0x16: {  	s21 =	sadd.s32 s11, s20;
	s0 =	sadd.s32 $0x13E200, s0;
	[dreg:$0x6] =	wrdreg s6  }
0x17: {  	s25 =	sadd.s32 $0xC000, s26;
	s26 =	sadd.s32 $0x10000, s26;
	[dreg:$0xd] =	wrdreg s21  }
0x18: {  	s24 =	simm.s32 $0x80;
	s23 =	simm.s32 $0x900;
	[dreg:$0xe] =	wrdreg s0  }
0x19: {  	s6 =	sadd.s32 s11, s22;
	s18 =	sadd.s32 s10, s8;
	[dreg:$0x12] =	wrdreg s25  }
0x1a: {  	s22 =	smax.u32 s5, $0x1;
	[dreg:$0x13] =	wrdreg s26;
	s25 =	simm.s32 $0x2000  }
0x1b: {  	s0 =	simm.s32 $0x2;
	s21 =	simm.s32 $0x1A00;
	s26 =	simm.s32 $0xB00  }
0x1c: {  	s10 =	simm.s32 $0x1080;
	[dreg:$0x7] =	wrdreg s6;
	s6 =	sadd.s32 s1, s7  }
0x1d: {  	s19 =	sshll.u32 s18, $0x4;
	[dreg:$0xf] =	wrdreg s22;
	s22 =	simm.s32 $0x4  }
0x1e: {  	s7 =	simm.s32 $0x1700;
	[dreg:$0x8] =	wrdreg s6;
	s6 =	sadd.s32 s11, s14  }
0x1f: {  	s14 =	simm.s32 $0x1980;
	[dreg:$0x9] =	wrdreg s6;
	s6 =	sadd.s32 s1, s16  }
0x20: {  	s1 =	sadd.s32 s1, s19;
	s16 =	simm.s32 $0x0;
	[dreg:$0xa] =	wrdreg s6  }
0x21: {  	s6 =	sadd.s32 s11, s17;
	[dreg:$0xc] =	wrdreg s1;
	s1 =	simm.s32 $0x800  }
0x22: {  	v0 =	vimm.f32 $0.0e+00;
	s11 =	simm.s32 $0x180;
	[dreg:$0xb] =	wrdreg s6;
	s6 =	simm.s32 $0x1000  }
.LBB2_1:
0x23: {  	s17 =	rddreg [dreg:$0x4]  }
0x24: {  	[tilespmem:s3], [sflag:$0x4] =	stream.linear.gather [hbm4b:s17+s3], $0x800, $0x38;
	[tilespmem:$0x1E000] =	vst v63  }
0x25: {  	_ =	swait.ge [sflag:s22], $0x800  }
0x26: {  	[sflag:s22] =	ssyncset.done $0x0  }
0x27: {  	s18 =	rddreg [dreg:$0x5];
	[sflag:s22] =	ssyncadd.s32 $0xFFFFF800  }
0x28: {  	[tilespmem:s6], [sflag:$0x4] =	stream.linear.gather [hbm4b:s18+s3], $0x800, $0x38;
	[tilespmem:$0x1E000] =	vst v63  }
0x29: {  	_ =	swait.ge [sflag:s22], $0x800  }
0x2a: {  	[sflag:s22] =	ssyncset.done $0x0  }
0x2b: {  	[sflag:s22] =	ssyncadd.s32 $0xFFFFF800  }
0x2c: {  	[tilespmem:s25], [sflag:$0x1] =	stream.indirect.gather [hbm4b:s4+s24], $0x80, s3, s24, $0xb8;
	[tilespmem:$0x1E000] =	vst v63  }
0x2d: {  	s19 =	rddreg [dreg:$0x6]  }
0x2e: {  	[tilespmem:s1], [sflag:$0x3] =	stream.linear.gather [hbm4b:s19+s3], $0x800, $0x38;
	[tilespmem:$0x1E000] =	vst v63  }
0x2f: {  	s20 =	rddreg [dreg:$0x7]  }
0x30: {  	[tilespmem:s28], [sflag:$0x3] =	stream.linear.gather [hbm4b:s20+s3], $0x800, $0x38;
	[tilespmem:$0x1E000] =	vst v63  }
0x31: {  	s28 =	sand.u32 $0xFE00, s3  }
0x32: {  	s18 =	sand.u32 $0x70, s3;
	s19 =	sshrl.u32 s28, $0x2  }
0x33: {  	s17 =	simm.s32 $0x40;
	s19 =	sor.u32 s18, s19;
	s18 =	simm.s32 $0x0  }
.LBB2_2:
0x34: {  	p0 =	sne.s32 s17, $0xFFC0  }
0x35: {  	[tilespmem:s19+$0x6000] =	vst v0;
	s18 =	sadd.s32 $0x10, s18;
	s19 =	smov.u32 s17;
	s17 =	sadd.s32 $0x40, s17  }
.Ltmp0:
0x36: {  	(pc) =	sbr.rel @p0 .LBB2_2-.Ltmp0, $4  }
0x37: {  	_ = 	snop  }
0x38: {  	s19 =	sand.u32 $0xFE00, s19  }
0x39: {  	s20 =	sand.u32 $0x70, s18;
	s19 =	sshrl.u32 s19, $0x2  }
0x3a: {  	s19 =	sor.u32 s20, s19  }
0x3b: {  	[tilespmem:s19+$0x6000] =	vst v0;
	s1 =	rddreg [dreg:$0x14]  }
0x3c: {  	[spmem:s1] =	stream.linear.scatter [tilespmem:s29], [sflag:$0x4], $0x4000, $0x38;
	[tilespmem:$0x1E000] =	vst v63  }
0x3d: {  	_ =	swait.ge [sflag:s22], $0x4000  }
0x3e: {  	[sflag:s22] =	ssyncset.done $0x0  }
0x3f: {  	s17 =	rddreg [dreg:$0x10];
	[sflag:s22] =	ssyncadd.s32 $0xFFFFC000  }
0x40: {  	[spmem:s17] =	stream.linear.scatter [tilespmem:s29], [sflag:$0x4], $0x4000, $0x38;
	[tilespmem:$0x1E000] =	vst v63  }
0x41: {  	_ =	swait.ge [sflag:s22], $0x4000  }
0x42: {  	[sflag:s22] =	ssyncset.done $0x0  }
0x43: {  	s1 =	rddreg [dreg:$0x11];
	[sflag:s22] =	ssyncadd.s32 $0xFFFFC000  }
0x44: {  	[spmem:s1] =	stream.linear.scatter [tilespmem:s29], [sflag:$0x4], $0x4000, $0x38;
	[tilespmem:$0x1E000] =	vst v63  }
0x45: {  	_ =	swait.ge [sflag:s22], $0x4000  }
0x46: {  	[sflag:s22] =	ssyncset.done $0x0  }
0x47: {  	s5 =	rddreg [dreg:$0x12];
	[sflag:s22] =	ssyncadd.s32 $0xFFFFC000  }
0x48: {  	[spmem:s5] =	stream.linear.scatter [tilespmem:s29], [sflag:$0x4], $0x4000, $0x38;
	[tilespmem:$0x1E000] =	vst v63  }
0x49: {  	_ =	swait.ge [sflag:s22], $0x4000  }
0x4a: {  	[sflag:s22] =	ssyncset.done $0x0  }
0x4b: {  	s8 =	rddreg [dreg:$0x13];
	[sflag:s22] =	ssyncadd.s32 $0xFFFFC000  }
0x4c: {  	[spmem:s8] =	stream.linear.scatter [tilespmem:s29], [sflag:$0x4], $0x4000, $0x38;
	[tilespmem:$0x1E000] =	vst v63  }
0x4d: {  	_ =	swait.ge [sflag:s22], $0x4000  }
0x4e: {  	[sflag:s22] =	ssyncset.done $0x0  }
0x4f: {  	[sflag:s22] =	ssyncadd.s32 $0xFFFFC000  }
0x50: {  	[bflag:$0x0] =	sbarrier.arrive $0xFFFF  }
0x51: {  	[tilespmem:s29], [sflag:$0x2] =	stream.indirect.gather [hbm4b:s4+s24], $0x80, s24, s24, $0xb8;
	[tilespmem:$0x1E000] =	vst v63  }
0x52: {  	_ =	swait.ge [sflag:s30], $0x4000  }
0x53: {  	[sflag:s30] =	ssyncset.done $0x0  }
0x54: {  	[sflag:s30] =	ssyncadd.s32 $0xFFFFC000  }
0x55: {  	[spmem:s2] =	stream.indirect.scatter.add.f32 [tilespmem:s25], [sflag:$0x4], $0x80, s6, s24, $0xb8;
	[tilespmem:$0x1E000] =	vst v63  }
0x56: {  	_ =	swait.ge [sflag:s22], $0x4000  }
0x57: {  	[sflag:s22] =	ssyncset.done $0x0  }
0x58: {  	s9 =	simm.s32 $0x100;
	[sflag:s22] =	ssyncadd.s32 $0xFFFFC000  }
0x59: {  	[tilespmem:s25], [sflag:$0x1] =	stream.indirect.gather [hbm4b:s4+s24], $0x80, s9, s24, $0xb8;
	[tilespmem:$0x1E000] =	vst v63  }
0x5a: {  	_ =	swait.ge [sflag:s0], $0x4000  }
0x5b: {  	[sflag:s0] =	ssyncset.done $0x0  }
0x5c: {  	s17 =	simm.s32 $0x1080;
	[sflag:s0] =	ssyncadd.s32 $0xFFFFC000  }
0x5d: {  	[spmem:s2] =	stream.indirect.scatter.add.f32 [tilespmem:s29], [sflag:$0x4], $0x80, s17, s24, $0xb8;
	[tilespmem:$0x1E000] =	vst v63  }
0x5e: {  	_ =	swait.ge [sflag:s22], $0x4000  }
0x5f: {  	[sflag:s22] =	ssyncset.done $0x0  }
0x60: {  	s18 =	simm.s32 $0x180;
	[sflag:s22] =	ssyncadd.s32 $0xFFFFC000  }
0x61: {  	[tilespmem:s29], [sflag:$0x2] =	stream.indirect.gather [hbm4b:s4+s24], $0x80, s18, s24, $0xb8;
	[tilespmem:$0x1E000] =	vst v63  }
0x62: {  	_ =	swait.ge [sflag:s30], $0x4000  }
0x63: {  	[sflag:s30] =	ssyncset.done $0x0  }
0x64: {  	s19 =	simm.s32 $0x1100;
	[sflag:s30] =	ssyncadd.s32 $0xFFFFC000  }
0x65: {  	[spmem:s2] =	stream.indirect.scatter.add.f32 [tilespmem:s25], [sflag:$0x4], $0x80, s19, s24, $0xb8;
	[tilespmem:$0x1E000] =	vst v63  }
0x66: {  	_ =	swait.ge [sflag:s22], $0x4000  }
0x67: {  	[sflag:s22] =	ssyncset.done $0x0  }
0x68: {  	s20 =	simm.s32 $0x200;
	[sflag:s22] =	ssyncadd.s32 $0xFFFFC000  }
0x69: {  	[tilespmem:s25], [sflag:$0x1] =	stream.indirect.gather [hbm4b:s4+s24], $0x80, s20, s24, $0xb8;
	[tilespmem:$0x1E000] =	vst v63  }
0x6a: {  	_ =	swait.ge [sflag:s0], $0x4000  }
0x6b: {  	[sflag:s0] =	ssyncset.done $0x0  }
0x6c: {  	s5 =	simm.s32 $0x1180;
	[sflag:s0] =	ssyncadd.s32 $0xFFFFC000  }
0x6d: {  	[spmem:s2] =	stream.indirect.scatter.add.f32 [tilespmem:s29], [sflag:$0x4], $0x80, s5, s24, $0xb8;
	[tilespmem:$0x1E000] =	vst v63  }
0x6e: {  	_ =	swait.ge [sflag:s22], $0x4000  }
0x6f: {  	[sflag:s22] =	ssyncset.done $0x0  }
0x70: {  	s8 =	simm.s32 $0x280;
	[sflag:s22] =	ssyncadd.s32 $0xFFFFC000  }
0x71: {  	[tilespmem:s29], [sflag:$0x2] =	stream.indirect.gather [hbm4b:s4+s24], $0x80, s8, s24, $0xb8;
	[tilespmem:$0x1E000] =	vst v63  }
0x72: {  	_ =	swait.ge [sflag:s30], $0x4000  }
0x73: {  	[sflag:s30] =	ssyncset.done $0x0  }
0x74: {  	s9 =	simm.s32 $0x1200;
	[sflag:s30] =	ssyncadd.s32 $0xFFFFC000  }
0x75: {  	[spmem:s2] =	stream.indirect.scatter.add.f32 [tilespmem:s25], [sflag:$0x4], $0x80, s9, s24, $0xb8;
	[tilespmem:$0x1E000] =	vst v63  }
0x76: {  	_ =	swait.ge [sflag:s22], $0x4000  }
0x77: {  	[sflag:s22] =	ssyncset.done $0x0  }
0x78: {  	s17 =	simm.s32 $0x300;
	[sflag:s22] =	ssyncadd.s32 $0xFFFFC000  }
0x79: {  	[tilespmem:s25], [sflag:$0x1] =	stream.indirect.gather [hbm4b:s4+s24], $0x80, s17, s24, $0xb8;
	[tilespmem:$0x1E000] =	vst v63  }
0x7a: {  	_ =	swait.ge [sflag:s0], $0x4000  }
0x7b: {  	[sflag:s0] =	ssyncset.done $0x0  }
0x7c: {  	s18 =	simm.s32 $0x1280;
	[sflag:s0] =	ssyncadd.s32 $0xFFFFC000  }
0x7d: {  	[spmem:s2] =	stream.indirect.scatter.add.f32 [tilespmem:s29], [sflag:$0x4], $0x80, s18, s24, $0xb8;
	[tilespmem:$0x1E000] =	vst v63  }
0x7e: {  	_ =	swait.ge [sflag:s22], $0x4000  }
0x7f: {  	[sflag:s22] =	ssyncset.done $0x0  }
0x80: {  	s19 =	simm.s32 $0x380;
	[sflag:s22] =	ssyncadd.s32 $0xFFFFC000  }
0x81: {  	[tilespmem:s29], [sflag:$0x2] =	stream.indirect.gather [hbm4b:s4+s24], $0x80, s19, s24, $0xb8;
	[tilespmem:$0x1E000] =	vst v63  }
0x82: {  	_ =	swait.ge [sflag:s30], $0x4000  }
0x83: {  	[sflag:s30] =	ssyncset.done $0x0  }
0x84: {  	s20 =	simm.s32 $0x1300;
	[sflag:s30] =	ssyncadd.s32 $0xFFFFC000  }
0x85: {  	[spmem:s2] =	stream.indirect.scatter.add.f32 [tilespmem:s25], [sflag:$0x4], $0x80, s20, s24, $0xb8;
	[tilespmem:$0x1E000] =	vst v63  }
0x86: {  	_ =	swait.ge [sflag:s22], $0x4000  }
0x87: {  	[sflag:s22] =	ssyncset.done $0x0  }
0x88: {  	s5 =	simm.s32 $0x400;
	[sflag:s22] =	ssyncadd.s32 $0xFFFFC000  }
0x89: {  	[tilespmem:s25], [sflag:$0x1] =	stream.indirect.gather [hbm4b:s4+s24], $0x80, s5, s24, $0xb8;
	[tilespmem:$0x1E000] =	vst v63  }
0x8a: {  	_ =	swait.ge [sflag:s0], $0x4000  }
0x8b: {  	[sflag:s0] =	ssyncset.done $0x0  }
0x8c: {  	s8 =	simm.s32 $0x1380;
	[sflag:s0] =	ssyncadd.s32 $0xFFFFC000  }
0x8d: {  	[spmem:s2] =	stream.indirect.scatter.add.f32 [tilespmem:s29], [sflag:$0x4], $0x80, s8, s24, $0xb8;
	[tilespmem:$0x1E000] =	vst v63  }
0x8e: {  	_ =	swait.ge [sflag:s22], $0x4000  }
0x8f: {  	[sflag:s22] =	ssyncset.done $0x0  }
0x90: {  	s9 =	simm.s32 $0x480;
	[sflag:s22] =	ssyncadd.s32 $0xFFFFC000  }
0x91: {  	[tilespmem:s29], [sflag:$0x2] =	stream.indirect.gather [hbm4b:s4+s24], $0x80, s9, s24, $0xb8;
	[tilespmem:$0x1E000] =	vst v63  }
0x92: {  	_ =	swait.ge [sflag:s30], $0x4000  }
0x93: {  	[sflag:s30] =	ssyncset.done $0x0  }
0x94: {  	s17 =	simm.s32 $0x1400;
	[sflag:s30] =	ssyncadd.s32 $0xFFFFC000  }
0x95: {  	[spmem:s2] =	stream.indirect.scatter.add.f32 [tilespmem:s25], [sflag:$0x4], $0x80, s17, s24, $0xb8;
	[tilespmem:$0x1E000] =	vst v63  }
0x96: {  	_ =	swait.ge [sflag:s22], $0x4000  }
0x97: {  	[sflag:s22] =	ssyncset.done $0x0  }
0x98: {  	s18 =	simm.s32 $0x500;
	[sflag:s22] =	ssyncadd.s32 $0xFFFFC000  }
0x99: {  	[tilespmem:s25], [sflag:$0x1] =	stream.indirect.gather [hbm4b:s4+s24], $0x80, s18, s24, $0xb8;
	[tilespmem:$0x1E000] =	vst v63  }
0x9a: {  	_ =	swait.ge [sflag:s0], $0x4000  }
0x9b: {  	[sflag:s0] =	ssyncset.done $0x0  }
0x9c: {  	s19 =	simm.s32 $0x1480;
	[sflag:s0] =	ssyncadd.s32 $0xFFFFC000  }
0x9d: {  	[spmem:s2] =	stream.indirect.scatter.add.f32 [tilespmem:s29], [sflag:$0x4], $0x80, s19, s24, $0xb8;
	[tilespmem:$0x1E000] =	vst v63  }
0x9e: {  	_ =	swait.ge [sflag:s22], $0x4000  }
0x9f: {  	[sflag:s22] =	ssyncset.done $0x0  }
0xa0: {  	s20 =	simm.s32 $0x580;
	[sflag:s22] =	ssyncadd.s32 $0xFFFFC000  }
0xa1: {  	[tilespmem:s29], [sflag:$0x2] =	stream.indirect.gather [hbm4b:s4+s24], $0x80, s20, s24, $0xb8;
	[tilespmem:$0x1E000] =	vst v63  }
0xa2: {  	_ =	swait.ge [sflag:s30], $0x4000  }
0xa3: {  	[sflag:s30] =	ssyncset.done $0x0  }
0xa4: {  	s5 =	simm.s32 $0x1500;
	[sflag:s30] =	ssyncadd.s32 $0xFFFFC000  }
0xa5: {  	[spmem:s2] =	stream.indirect.scatter.add.f32 [tilespmem:s25], [sflag:$0x4], $0x80, s5, s24, $0xb8;
	[tilespmem:$0x1E000] =	vst v63  }
0xa6: {  	_ =	swait.ge [sflag:s22], $0x4000  }
0xa7: {  	[sflag:s22] =	ssyncset.done $0x0  }
0xa8: {  	s8 =	simm.s32 $0x600;
	[sflag:s22] =	ssyncadd.s32 $0xFFFFC000  }
0xa9: {  	[tilespmem:s25], [sflag:$0x1] =	stream.indirect.gather [hbm4b:s4+s24], $0x80, s8, s24, $0xb8;
	[tilespmem:$0x1E000] =	vst v63  }
0xaa: {  	_ =	swait.ge [sflag:s0], $0x4000  }
0xab: {  	[sflag:s0] =	ssyncset.done $0x0  }
0xac: {  	s9 =	simm.s32 $0x1580;
	[sflag:s0] =	ssyncadd.s32 $0xFFFFC000  }
0xad: {  	[spmem:s2] =	stream.indirect.scatter.add.f32 [tilespmem:s29], [sflag:$0x4], $0x80, s9, s24, $0xb8;
	[tilespmem:$0x1E000] =	vst v63  }
0xae: {  	_ =	swait.ge [sflag:s22], $0x4000  }
0xaf: {  	[sflag:s22] =	ssyncset.done $0x0  }
0xb0: {  	s17 =	simm.s32 $0x680;
	[sflag:s22] =	ssyncadd.s32 $0xFFFFC000  }
0xb1: {  	[tilespmem:s29], [sflag:$0x2] =	stream.indirect.gather [hbm4b:s4+s24], $0x80, s17, s24, $0xb8;
	[tilespmem:$0x1E000] =	vst v63  }
0xb2: {  	_ =	swait.ge [sflag:s30], $0x4000  }
0xb3: {  	[sflag:s30] =	ssyncset.done $0x0  }
0xb4: {  	s18 =	simm.s32 $0x1600;
	[sflag:s30] =	ssyncadd.s32 $0xFFFFC000  }
0xb5: {  	[spmem:s2] =	stream.indirect.scatter.add.f32 [tilespmem:s25], [sflag:$0x4], $0x80, s18, s24, $0xb8;
	[tilespmem:$0x1E000] =	vst v63  }
0xb6: {  	_ =	swait.ge [sflag:s22], $0x4000  }
0xb7: {  	[sflag:s22] =	ssyncset.done $0x0  }
0xb8: {  	s19 =	simm.s32 $0x700;
	[sflag:s22] =	ssyncadd.s32 $0xFFFFC000  }
0xb9: {  	[tilespmem:s25], [sflag:$0x1] =	stream.indirect.gather [hbm4b:s4+s24], $0x80, s19, s24, $0xb8;
	[tilespmem:$0x1E000] =	vst v63  }
0xba: {  	_ =	swait.ge [sflag:s0], $0x4000  }
0xbb: {  	[sflag:s0] =	ssyncset.done $0x0  }
0xbc: {  	s20 =	simm.s32 $0x1680;
	[sflag:s0] =	ssyncadd.s32 $0xFFFFC000  }
0xbd: {  	[spmem:s2] =	stream.indirect.scatter.add.f32 [tilespmem:s29], [sflag:$0x4], $0x80, s20, s24, $0xb8;
	[tilespmem:$0x1E000] =	vst v63  }
0xbe: {  	_ =	swait.ge [sflag:s22], $0x4000  }
0xbf: {  	[sflag:s22] =	ssyncset.done $0x0  }
0xc0: {  	s5 =	simm.s32 $0x780;
	[sflag:s22] =	ssyncadd.s32 $0xFFFFC000  }
0xc1: {  	[tilespmem:s29], [sflag:$0x2] =	stream.indirect.gather [hbm4b:s4+s24], $0x80, s5, s24, $0xb8;
	[tilespmem:$0x1E000] =	vst v63  }
0xc2: {  	_ =	swait.ge [sflag:s13], $0x800  }
0xc3: {  	[sflag:s13] =	ssyncset.done $0x0  }
0xc4: {  	[sflag:s13] =	ssyncadd.s32 $0xFFFFF800  }
0xc5: {  	_ =	swait.ge [sflag:s13], $0x800  }
0xc6: {  	[sflag:s13] =	ssyncset.done $0x0  }
0xc7: {  	[sflag:s13] =	ssyncadd.s32 $0xFFFFF800  }
0xc8: {  	_ =	swait.ge [sflag:s30], $0x4000  }
0xc9: {  	[sflag:s30] =	ssyncset.done $0x0  }
0xca: {  	s8 =	simm.s32 $0x1700;
	[sflag:s30] =	ssyncadd.s32 $0xFFFFC000  }
0xcb: {  	[spmem:s2] =	stream.indirect.scatter.add.f32 [tilespmem:s25], [sflag:$0x4], $0x80, s8, s24, $0xb8;
	[tilespmem:$0x1E000] =	vst v63  }
0xcc: {  	_ =	swait.ge [sflag:s22], $0x4000  }
0xcd: {  	[sflag:s22] =	ssyncset.done $0x0  }
0xce: {  	s28 =	simm.s32 $0x800;
	[sflag:s22] =	ssyncadd.s32 $0xFFFFC000  }
0xcf: {  	[tilespmem:s25], [sflag:$0x1] =	stream.indirect.gather [hbm4b:s4+s24], $0x80, s28, s24, $0xb8;
	[tilespmem:$0x1E000] =	vst v63  }
0xd0: {  	_ =	swait.ge [sflag:s0], $0x4000  }
0xd1: {  	[sflag:s0] =	ssyncset.done $0x0  }
0xd2: {  	s9 =	simm.s32 $0x1780;
	[sflag:s0] =	ssyncadd.s32 $0xFFFFC000  }
0xd3: {  	[spmem:s2] =	stream.indirect.scatter.add.f32 [tilespmem:s29], [sflag:$0x4], $0x80, s9, s24, $0xb8;
	[tilespmem:$0x1E000] =	vst v63  }
0xd4: {  	_ =	swait.ge [sflag:s22], $0x4000  }
0xd5: {  	[sflag:s22] =	ssyncset.done $0x0  }
0xd6: {  	s17 =	simm.s32 $0x880;
	[sflag:s22] =	ssyncadd.s32 $0xFFFFC000  }
0xd7: {  	[tilespmem:s29], [sflag:$0x2] =	stream.indirect.gather [hbm4b:s4+s24], $0x80, s17, s24, $0xb8;
	[tilespmem:$0x1E000] =	vst v63  }
0xd8: {  	s18 =	rddreg [dreg:$0x8]  }
0xd9: {  	[tilespmem:s3], [sflag:$0x3] =	stream.linear.gather [hbm4b:s18+s3], $0x800, $0x38;
	[tilespmem:$0x1E000] =	vst v63  }
0xda: {  	s19 =	rddreg [dreg:$0x9]  }
0xdb: {  	[tilespmem:s6], [sflag:$0x3] =	stream.linear.gather [hbm4b:s19+s3], $0x800, $0x38;
	[tilespmem:$0x1E000] =	vst v63  }
0xdc: {  	_ =	swait.ge [sflag:s30], $0x4000  }
0xdd: {  	[sflag:s30] =	ssyncset.done $0x0  }
0xde: {  	s9 =	simm.s32 $0x1800;
	[sflag:s30] =	ssyncadd.s32 $0xFFFFC000  }
0xdf: {  	[spmem:s2] =	stream.indirect.scatter.add.f32 [tilespmem:s25], [sflag:$0x4], $0x80, s9, s24, $0xb8;
	[tilespmem:$0x1E000] =	vst v63  }
0xe0: {  	_ =	swait.ge [sflag:s22], $0x4000  }
0xe1: {  	[sflag:s22] =	ssyncset.done $0x0  }
0xe2: {  	[sflag:s22] =	ssyncadd.s32 $0xFFFFC000  }
0xe3: {  	[tilespmem:s25], [sflag:$0x1] =	stream.indirect.gather [hbm4b:s4+s24], $0x80, s23, s24, $0xb8;
	[tilespmem:$0x1E000] =	vst v63  }
0xe4: {  	_ =	swait.ge [sflag:s0], $0x4000  }
0xe5: {  	[sflag:s0] =	ssyncset.done $0x0  }
0xe6: {  	s20 =	simm.s32 $0x1880;
	[sflag:s0] =	ssyncadd.s32 $0xFFFFC000  }
0xe7: {  	[spmem:s2] =	stream.indirect.scatter.add.f32 [tilespmem:s29], [sflag:$0x4], $0x80, s20, s24, $0xb8;
	[tilespmem:$0x1E000] =	vst v63  }
0xe8: {  	_ =	swait.ge [sflag:s22], $0x4000  }
0xe9: {  	[sflag:s22] =	ssyncset.done $0x0  }
0xea: {  	s5 =	simm.s32 $0x980;
	[sflag:s22] =	ssyncadd.s32 $0xFFFFC000  }
0xeb: {  	[tilespmem:s29], [sflag:$0x2] =	stream.indirect.gather [hbm4b:s4+s24], $0x80, s5, s24, $0xb8;
	[tilespmem:$0x1E000] =	vst v63  }
0xec: {  	_ =	swait.ge [sflag:s30], $0x4000  }
0xed: {  	[sflag:s30] =	ssyncset.done $0x0  }
0xee: {  	s6 =	simm.s32 $0x1900;
	[sflag:s30] =	ssyncadd.s32 $0xFFFFC000  }
0xef: {  	[spmem:s2] =	stream.indirect.scatter.add.f32 [tilespmem:s25], [sflag:$0x4], $0x80, s6, s24, $0xb8;
	[tilespmem:$0x1E000] =	vst v63  }
0xf0: {  	_ =	swait.ge [sflag:s22], $0x4000  }
0xf1: {  	[sflag:s22] =	ssyncset.done $0x0  }
0xf2: {  	[sflag:s22] =	ssyncadd.s32 $0xFFFFC000  }
0xf3: {  	[tilespmem:s25], [sflag:$0x1] =	stream.indirect.gather [hbm4b:s4+s24], $0x80, s12, s24, $0xb8;
	[tilespmem:$0x1E000] =	vst v63  }
0xf4: {  	_ =	swait.ge [sflag:s0], $0x4000  }
0xf5: {  	[sflag:s0] =	ssyncset.done $0x0  }
0xf6: {  	[sflag:s0] =	ssyncadd.s32 $0xFFFFC000  }
0xf7: {  	[spmem:s2] =	stream.indirect.scatter.add.f32 [tilespmem:s29], [sflag:$0x4], $0x80, s14, s24, $0xb8;
	[tilespmem:$0x1E000] =	vst v63  }
0xf8: {  	_ =	swait.ge [sflag:s22], $0x4000  }
0xf9: {  	[sflag:s22] =	ssyncset.done $0x0  }
0xfa: {  	[sflag:s22] =	ssyncadd.s32 $0xFFFFC000  }
0xfb: {  	[tilespmem:s29], [sflag:$0x2] =	stream.indirect.gather [hbm4b:s4+s24], $0x80, s15, s24, $0xb8;
	[tilespmem:$0x1E000] =	vst v63  }
0xfc: {  	_ =	swait.ge [sflag:s30], $0x4000  }
0xfd: {  	[sflag:s30] =	ssyncset.done $0x0  }
0xfe: {  	[sflag:s30] =	ssyncadd.s32 $0xFFFFC000  }
0xff: {  	[spmem:s2] =	stream.indirect.scatter.add.f32 [tilespmem:s25], [sflag:$0x4], $0x80, s21, s24, $0xb8;
	[tilespmem:$0x1E000] =	vst v63  }
0x100: {  	_ =	swait.ge [sflag:s22], $0x4000  }
0x101: {  	[sflag:s22] =	ssyncset.done $0x0  }
0x102: {  	[sflag:s22] =	ssyncadd.s32 $0xFFFFC000  }
0x103: {  	[tilespmem:s25], [sflag:$0x1] =	stream.indirect.gather [hbm4b:s4+s24], $0x80, s26, s24, $0xb8;
	[tilespmem:$0x1E000] =	vst v63  }
0x104: {  	_ =	swait.ge [sflag:s0], $0x4000  }
0x105: {  	[sflag:s0] =	ssyncset.done $0x0  }
0x106: {  	[sflag:s0] =	ssyncadd.s32 $0xFFFFC000  }
0x107: {  	[spmem:s2] =	stream.indirect.scatter.add.f32 [tilespmem:s29], [sflag:$0x4], $0x80, s31, s24, $0xb8;
	[tilespmem:$0x1E000] =	vst v63  }
0x108: {  	_ =	swait.ge [sflag:s22], $0x4000  }
0x109: {  	[sflag:s22] =	ssyncset.done $0x0  }
0x10a: {  	s8 =	simm.s32 $0xB80;
	[sflag:s22] =	ssyncadd.s32 $0xFFFFC000  }
0x10b: {  	[tilespmem:s29], [sflag:$0x2] =	stream.indirect.gather [hbm4b:s4+s24], $0x80, s8, s24, $0xb8;
	[tilespmem:$0x1E000] =	vst v63  }
0x10c: {  	_ =	swait.ge [sflag:s30], $0x4000  }
0x10d: {  	[sflag:s30] =	ssyncset.done $0x0  }
0x10e: {  	s6 =	simm.s32 $0x1B00;
	[sflag:s30] =	ssyncadd.s32 $0xFFFFC000  }
0x10f: {  	[spmem:s2] =	stream.indirect.scatter.add.f32 [tilespmem:s25], [sflag:$0x4], $0x80, s6, s24, $0xb8;
	[tilespmem:$0x1E000] =	vst v63  }
0x110: {  	_ =	swait.ge [sflag:s22], $0x4000  }
0x111: {  	[sflag:s22] =	ssyncset.done $0x0  }
0x112: {  	s18 =	simm.s32 $0xC00;
	[sflag:s22] =	ssyncadd.s32 $0xFFFFC000  }
0x113: {  	[tilespmem:s25], [sflag:$0x1] =	stream.indirect.gather [hbm4b:s4+s24], $0x80, s18, s24, $0xb8;
	[tilespmem:$0x1E000] =	vst v63  }
0x114: {  	_ =	swait.ge [sflag:s0], $0x4000  }
0x115: {  	[sflag:s0] =	ssyncset.done $0x0  }
0x116: {  	s19 =	simm.s32 $0x1B80;
	[sflag:s0] =	ssyncadd.s32 $0xFFFFC000  }
0x117: {  	[spmem:s2] =	stream.indirect.scatter.add.f32 [tilespmem:s29], [sflag:$0x4], $0x80, s19, s24, $0xb8;
	[tilespmem:$0x1E000] =	vst v63  }
0x118: {  	_ =	swait.ge [sflag:s22], $0x4000  }
0x119: {  	[sflag:s22] =	ssyncset.done $0x0  }
0x11a: {  	s20 =	simm.s32 $0xC80;
	[sflag:s22] =	ssyncadd.s32 $0xFFFFC000  }
0x11b: {  	[tilespmem:s29], [sflag:$0x2] =	stream.indirect.gather [hbm4b:s4+s24], $0x80, s20, s24, $0xb8;
	[tilespmem:$0x1E000] =	vst v63  }
0x11c: {  	_ =	swait.ge [sflag:s30], $0x4000  }
0x11d: {  	[sflag:s30] =	ssyncset.done $0x0  }
0x11e: {  	s5 =	simm.s32 $0x1C00;
	[sflag:s30] =	ssyncadd.s32 $0xFFFFC000  }
0x11f: {  	[spmem:s2] =	stream.indirect.scatter.add.f32 [tilespmem:s25], [sflag:$0x4], $0x80, s5, s24, $0xb8;
	[tilespmem:$0x1E000] =	vst v63  }
0x120: {  	_ =	swait.ge [sflag:s22], $0x4000  }
0x121: {  	[sflag:s22] =	ssyncset.done $0x0  }
0x122: {  	s17 =	simm.s32 $0xD00;
	[sflag:s22] =	ssyncadd.s32 $0xFFFFC000  }
0x123: {  	[tilespmem:s25], [sflag:$0x1] =	stream.indirect.gather [hbm4b:s4+s24], $0x80, s17, s24, $0xb8;
	[tilespmem:$0x1E000] =	vst v63  }
0x124: {  	_ =	swait.ge [sflag:s0], $0x4000  }
0x125: {  	[sflag:s0] =	ssyncset.done $0x0  }
0x126: {  	s8 =	simm.s32 $0x1C80;
	[sflag:s0] =	ssyncadd.s32 $0xFFFFC000  }
0x127: {  	[spmem:s2] =	stream.indirect.scatter.add.f32 [tilespmem:s29], [sflag:$0x4], $0x80, s8, s24, $0xb8;
	[tilespmem:$0x1E000] =	vst v63  }
0x128: {  	_ =	swait.ge [sflag:s22], $0x4000  }
0x129: {  	[sflag:s22] =	ssyncset.done $0x0  }
0x12a: {  	s17 =	simm.s32 $0xD80;
	[sflag:s22] =	ssyncadd.s32 $0xFFFFC000  }
0x12b: {  	[tilespmem:s29], [sflag:$0x2] =	stream.indirect.gather [hbm4b:s4+s24], $0x80, s17, s24, $0xb8;
	[tilespmem:$0x1E000] =	vst v63  }
0x12c: {  	_ =	swait.ge [sflag:s30], $0x4000  }
0x12d: {  	[sflag:s30] =	ssyncset.done $0x0  }
0x12e: {  	s8 =	simm.s32 $0x1D00;
	[sflag:s30] =	ssyncadd.s32 $0xFFFFC000  }
0x12f: {  	[spmem:s2] =	stream.indirect.scatter.add.f32 [tilespmem:s25], [sflag:$0x4], $0x80, s8, s24, $0xb8;
	[tilespmem:$0x1E000] =	vst v63  }
0x130: {  	_ =	swait.ge [sflag:s22], $0x4000  }
0x131: {  	[sflag:s22] =	ssyncset.done $0x0  }
0x132: {  	s17 =	simm.s32 $0xE00;
	[sflag:s22] =	ssyncadd.s32 $0xFFFFC000  }
0x133: {  	[tilespmem:s25], [sflag:$0x1] =	stream.indirect.gather [hbm4b:s4+s24], $0x80, s17, s24, $0xb8;
	[tilespmem:$0x1E000] =	vst v63  }
0x134: {  	_ =	swait.ge [sflag:s0], $0x4000  }
0x135: {  	[sflag:s0] =	ssyncset.done $0x0  }
0x136: {  	s8 =	simm.s32 $0x1D80;
	[sflag:s0] =	ssyncadd.s32 $0xFFFFC000  }
0x137: {  	[spmem:s2] =	stream.indirect.scatter.add.f32 [tilespmem:s29], [sflag:$0x4], $0x80, s8, s24, $0xb8;
	[tilespmem:$0x1E000] =	vst v63  }
0x138: {  	_ =	swait.ge [sflag:s22], $0x4000  }
0x139: {  	[sflag:s22] =	ssyncset.done $0x0  }
0x13a: {  	s17 =	simm.s32 $0xE80;
	[sflag:s22] =	ssyncadd.s32 $0xFFFFC000  }
0x13b: {  	[tilespmem:s29], [sflag:$0x2] =	stream.indirect.gather [hbm4b:s4+s24], $0x80, s17, s24, $0xb8;
	[tilespmem:$0x1E000] =	vst v63  }
0x13c: {  	_ =	swait.ge [sflag:s30], $0x4000  }
0x13d: {  	[sflag:s30] =	ssyncset.done $0x0  }
0x13e: {  	s8 =	simm.s32 $0x1E00;
	[sflag:s30] =	ssyncadd.s32 $0xFFFFC000  }
0x13f: {  	[spmem:s2] =	stream.indirect.scatter.add.f32 [tilespmem:s25], [sflag:$0x4], $0x80, s8, s24, $0xb8;
	[tilespmem:$0x1E000] =	vst v63  }
0x140: {  	_ =	swait.ge [sflag:s22], $0x4000  }
0x141: {  	[sflag:s22] =	ssyncset.done $0x0  }
0x142: {  	s17 =	simm.s32 $0xF00;
	[sflag:s22] =	ssyncadd.s32 $0xFFFFC000  }
0x143: {  	[tilespmem:s25], [sflag:$0x1] =	stream.indirect.gather [hbm4b:s4+s24], $0x80, s17, s24, $0xb8;
	[tilespmem:$0x1E000] =	vst v63  }
0x144: {  	_ =	swait.ge [sflag:s0], $0x4000  }
0x145: {  	[sflag:s0] =	ssyncset.done $0x0  }
0x146: {  	s8 =	simm.s32 $0x1E80;
	[sflag:s0] =	ssyncadd.s32 $0xFFFFC000  }
0x147: {  	[spmem:s2] =	stream.indirect.scatter.add.f32 [tilespmem:s29], [sflag:$0x4], $0x80, s8, s24, $0xb8;
	[tilespmem:$0x1E000] =	vst v63  }
0x148: {  	_ =	swait.ge [sflag:s22], $0x4000  }
0x149: {  	[sflag:s22] =	ssyncset.done $0x0  }
0x14a: {  	s17 =	simm.s32 $0xF80;
	[sflag:s22] =	ssyncadd.s32 $0xFFFFC000  }
0x14b: {  	[tilespmem:s29], [sflag:$0x2] =	stream.indirect.gather [hbm4b:s4+s24], $0x80, s17, s24, $0xb8;
	[tilespmem:$0x1E000] =	vst v63  }
0x14c: {  	_ =	swait.ge [sflag:s13], $0x800  }
0x14d: {  	[sflag:s13] =	ssyncset.done $0x0  }
0x14e: {  	[sflag:s13] =	ssyncadd.s32 $0xFFFFF800  }
0x14f: {  	_ =	swait.ge [sflag:s13], $0x800  }
0x150: {  	[sflag:s13] =	ssyncset.done $0x0  }
0x151: {  	[sflag:s13] =	ssyncadd.s32 $0xFFFFF800  }
0x152: {  	_ =	swait.ge [sflag:s30], $0x4000  }
0x153: {  	[sflag:s30] =	ssyncset.done $0x0  }
0x154: {  	s8 =	simm.s32 $0x1F00;
	[sflag:s30] =	ssyncadd.s32 $0xFFFFC000  }
0x155: {  	[spmem:s2] =	stream.indirect.scatter.add.f32 [tilespmem:s25], [sflag:$0x4], $0x80, s8, s24, $0xb8;
	[tilespmem:$0x1E000] =	vst v63  }
0x156: {  	_ =	swait.ge [sflag:s22], $0x4000  }
0x157: {  	[sflag:s22] =	ssyncset.done $0x0  }
0x158: {  	[sflag:s22] =	ssyncadd.s32 $0xFFFFC000  }
0x159: {  	[tilespmem:s25], [sflag:$0x1] =	stream.indirect.gather [hbm4b:s4+s24], $0x80, s3, s24, $0xb8;
	[tilespmem:$0x1E000] =	vst v63  }
0x15a: {  	_ =	swait.ge [sflag:s0], $0x4000  }
0x15b: {  	[sflag:s0] =	ssyncset.done $0x0  }
0x15c: {  	s17 =	simm.s32 $0x1F80;
	[sflag:s0] =	ssyncadd.s32 $0xFFFFC000  }
0x15d: {  	[spmem:s2] =	stream.indirect.scatter.add.f32 [tilespmem:s29], [sflag:$0x4], $0x80, s17, s24, $0xb8;
	[tilespmem:$0x1E000] =	vst v63  }
0x15e: {  	_ =	swait.ge [sflag:s22], $0x4000  }
0x15f: {  	[sflag:s22] =	ssyncset.done $0x0  }
0x160: {  	[sflag:s22] =	ssyncadd.s32 $0xFFFFC000  }
0x161: {  	[tilespmem:s29], [sflag:$0x2] =	stream.indirect.gather [hbm4b:s4+s24], $0x80, s24, s24, $0xb8;
	[tilespmem:$0x1E000] =	vst v63  }
0x162: {  	s5 =	rddreg [dreg:$0xa]  }
0x163: {  	[tilespmem:s28], [sflag:$0x3] =	stream.linear.gather [hbm4b:s5+s3], $0x800, $0x38;
	[tilespmem:$0x1E000] =	vst v63  }
0x164: {  	s8 =	rddreg [dreg:$0xb]  }
0x165: {  	[tilespmem:s9], [sflag:$0x3] =	stream.linear.gather [hbm4b:s8+s3], $0x800, $0x38;
	[tilespmem:$0x1E000] =	vst v63  }
0x166: {  	_ =	swait.ge [sflag:s30], $0x4000  }
0x167: {  	[sflag:s30] =	ssyncset.done $0x0  }
0x168: {  	s1 =	simm.s32 $0x1000;
	[sflag:s30] =	ssyncadd.s32 $0xFFFFC000  }
0x169: {  	[spmem:s2] =	stream.indirect.scatter.add.f32 [tilespmem:s25], [sflag:$0x4], $0x80, s1, s24, $0xb8;
	[tilespmem:$0x1E000] =	vst v63  }
0x16a: {  	_ =	swait.ge [sflag:s22], $0x4000  }
0x16b: {  	[sflag:s22] =	ssyncset.done $0x0  }
0x16c: {  	s17 =	simm.s32 $0x100;
	[sflag:s22] =	ssyncadd.s32 $0xFFFFC000  }
0x16d: {  	[tilespmem:s25], [sflag:$0x1] =	stream.indirect.gather [hbm4b:s4+s24], $0x80, s17, s24, $0xb8;
	[tilespmem:$0x1E000] =	vst v63  }
0x16e: {  	_ =	swait.ge [sflag:s0], $0x4000  }
0x16f: {  	[sflag:s0] =	ssyncset.done $0x0  }
0x170: {  	[sflag:s0] =	ssyncadd.s32 $0xFFFFC000  }
0x171: {  	[spmem:s2] =	stream.indirect.scatter.add.f32 [tilespmem:s29], [sflag:$0x4], $0x80, s10, s24, $0xb8;
	[tilespmem:$0x1E000] =	vst v63  }
0x172: {  	_ =	swait.ge [sflag:s22], $0x4000  }
0x173: {  	[sflag:s22] =	ssyncset.done $0x0  }
0x174: {  	[sflag:s22] =	ssyncadd.s32 $0xFFFFC000  }
0x175: {  	[tilespmem:s29], [sflag:$0x2] =	stream.indirect.gather [hbm4b:s4+s24], $0x80, s11, s24, $0xb8;
	[tilespmem:$0x1E000] =	vst v63  }
0x176: {  	_ =	swait.ge [sflag:s30], $0x4000  }
0x177: {  	[sflag:s30] =	ssyncset.done $0x0  }
0x178: {  	s8 =	simm.s32 $0x1100;
	[sflag:s30] =	ssyncadd.s32 $0xFFFFC000  }
0x179: {  	[spmem:s2] =	stream.indirect.scatter.add.f32 [tilespmem:s25], [sflag:$0x4], $0x80, s8, s24, $0xb8;
	[tilespmem:$0x1E000] =	vst v63  }
0x17a: {  	_ =	swait.ge [sflag:s22], $0x4000  }
0x17b: {  	[sflag:s22] =	ssyncset.done $0x0  }
0x17c: {  	s9 =	simm.s32 $0x200;
	[sflag:s22] =	ssyncadd.s32 $0xFFFFC000  }
0x17d: {  	[tilespmem:s25], [sflag:$0x1] =	stream.indirect.gather [hbm4b:s4+s24], $0x80, s9, s24, $0xb8;
	[tilespmem:$0x1E000] =	vst v63  }
0x17e: {  	_ =	swait.ge [sflag:s0], $0x4000  }
0x17f: {  	[sflag:s0] =	ssyncset.done $0x0  }
0x180: {  	s5 =	simm.s32 $0x1180;
	[sflag:s0] =	ssyncadd.s32 $0xFFFFC000  }
0x181: {  	[spmem:s2] =	stream.indirect.scatter.add.f32 [tilespmem:s29], [sflag:$0x4], $0x80, s5, s24, $0xb8;
	[tilespmem:$0x1E000] =	vst v63  }
0x182: {  	_ =	swait.ge [sflag:s22], $0x4000  }
0x183: {  	[sflag:s22] =	ssyncset.done $0x0  }
0x184: {  	s5 =	simm.s32 $0x280;
	[sflag:s22] =	ssyncadd.s32 $0xFFFFC000  }
0x185: {  	[tilespmem:s29], [sflag:$0x2] =	stream.indirect.gather [hbm4b:s4+s24], $0x80, s5, s24, $0xb8;
	[tilespmem:$0x1E000] =	vst v63  }
0x186: {  	_ =	swait.ge [sflag:s30], $0x4000  }
0x187: {  	[sflag:s30] =	ssyncset.done $0x0  }
0x188: {  	s5 =	simm.s32 $0x1200;
	[sflag:s30] =	ssyncadd.s32 $0xFFFFC000  }
0x189: {  	[spmem:s2] =	stream.indirect.scatter.add.f32 [tilespmem:s25], [sflag:$0x4], $0x80, s5, s24, $0xb8;
	[tilespmem:$0x1E000] =	vst v63  }
0x18a: {  	_ =	swait.ge [sflag:s22], $0x4000  }
0x18b: {  	[sflag:s22] =	ssyncset.done $0x0  }
0x18c: {  	s5 =	simm.s32 $0x300;
	[sflag:s22] =	ssyncadd.s32 $0xFFFFC000  }
0x18d: {  	[tilespmem:s25], [sflag:$0x1] =	stream.indirect.gather [hbm4b:s4+s24], $0x80, s5, s24, $0xb8;
	[tilespmem:$0x1E000] =	vst v63  }
0x18e: {  	_ =	swait.ge [sflag:s0], $0x4000  }
0x18f: {  	[sflag:s0] =	ssyncset.done $0x0  }
0x190: {  	s5 =	simm.s32 $0x1280;
	[sflag:s0] =	ssyncadd.s32 $0xFFFFC000  }
0x191: {  	[spmem:s2] =	stream.indirect.scatter.add.f32 [tilespmem:s29], [sflag:$0x4], $0x80, s5, s24, $0xb8;
	[tilespmem:$0x1E000] =	vst v63  }
0x192: {  	_ =	swait.ge [sflag:s22], $0x4000  }
0x193: {  	[sflag:s22] =	ssyncset.done $0x0  }
0x194: {  	s5 =	simm.s32 $0x380;
	[sflag:s22] =	ssyncadd.s32 $0xFFFFC000  }
0x195: {  	[tilespmem:s29], [sflag:$0x2] =	stream.indirect.gather [hbm4b:s4+s24], $0x80, s5, s24, $0xb8;
	[tilespmem:$0x1E000] =	vst v63  }
0x196: {  	_ =	swait.ge [sflag:s30], $0x4000  }
0x197: {  	[sflag:s30] =	ssyncset.done $0x0  }
0x198: {  	s5 =	simm.s32 $0x1300;
	[sflag:s30] =	ssyncadd.s32 $0xFFFFC000  }
0x199: {  	[spmem:s2] =	stream.indirect.scatter.add.f32 [tilespmem:s25], [sflag:$0x4], $0x80, s5, s24, $0xb8;
	[tilespmem:$0x1E000] =	vst v63  }
0x19a: {  	_ =	swait.ge [sflag:s22], $0x4000  }
0x19b: {  	[sflag:s22] =	ssyncset.done $0x0  }
0x19c: {  	s5 =	simm.s32 $0x400;
	[sflag:s22] =	ssyncadd.s32 $0xFFFFC000  }
0x19d: {  	[tilespmem:s25], [sflag:$0x1] =	stream.indirect.gather [hbm4b:s4+s24], $0x80, s5, s24, $0xb8;
	[tilespmem:$0x1E000] =	vst v63  }
0x19e: {  	_ =	swait.ge [sflag:s0], $0x4000  }
0x19f: {  	[sflag:s0] =	ssyncset.done $0x0  }
0x1a0: {  	s5 =	simm.s32 $0x1380;
	[sflag:s0] =	ssyncadd.s32 $0xFFFFC000  }
0x1a1: {  	[spmem:s2] =	stream.indirect.scatter.add.f32 [tilespmem:s29], [sflag:$0x4], $0x80, s5, s24, $0xb8;
	[tilespmem:$0x1E000] =	vst v63  }
0x1a2: {  	_ =	swait.ge [sflag:s22], $0x4000  }
0x1a3: {  	[sflag:s22] =	ssyncset.done $0x0  }
0x1a4: {  	s5 =	simm.s32 $0x480;
	[sflag:s22] =	ssyncadd.s32 $0xFFFFC000  }
0x1a5: {  	[tilespmem:s29], [sflag:$0x2] =	stream.indirect.gather [hbm4b:s4+s24], $0x80, s5, s24, $0xb8;
	[tilespmem:$0x1E000] =	vst v63  }
0x1a6: {  	_ =	swait.ge [sflag:s30], $0x4000  }
0x1a7: {  	[sflag:s30] =	ssyncset.done $0x0  }
0x1a8: {  	s5 =	simm.s32 $0x1400;
	[sflag:s30] =	ssyncadd.s32 $0xFFFFC000  }
0x1a9: {  	[spmem:s2] =	stream.indirect.scatter.add.f32 [tilespmem:s25], [sflag:$0x4], $0x80, s5, s24, $0xb8;
	[tilespmem:$0x1E000] =	vst v63  }
0x1aa: {  	_ =	swait.ge [sflag:s22], $0x4000  }
0x1ab: {  	[sflag:s22] =	ssyncset.done $0x0  }
0x1ac: {  	s5 =	simm.s32 $0x500;
	[sflag:s22] =	ssyncadd.s32 $0xFFFFC000  }
0x1ad: {  	[tilespmem:s25], [sflag:$0x1] =	stream.indirect.gather [hbm4b:s4+s24], $0x80, s5, s24, $0xb8;
	[tilespmem:$0x1E000] =	vst v63  }
0x1ae: {  	_ =	swait.ge [sflag:s0], $0x4000  }
0x1af: {  	[sflag:s0] =	ssyncset.done $0x0  }
0x1b0: {  	s5 =	simm.s32 $0x1480;
	[sflag:s0] =	ssyncadd.s32 $0xFFFFC000  }
0x1b1: {  	[spmem:s2] =	stream.indirect.scatter.add.f32 [tilespmem:s29], [sflag:$0x4], $0x80, s5, s24, $0xb8;
	[tilespmem:$0x1E000] =	vst v63  }
0x1b2: {  	_ =	swait.ge [sflag:s22], $0x4000  }
0x1b3: {  	[sflag:s22] =	ssyncset.done $0x0  }
0x1b4: {  	s5 =	simm.s32 $0x580;
	[sflag:s22] =	ssyncadd.s32 $0xFFFFC000  }
0x1b5: {  	[tilespmem:s29], [sflag:$0x2] =	stream.indirect.gather [hbm4b:s4+s24], $0x80, s5, s24, $0xb8;
	[tilespmem:$0x1E000] =	vst v63  }
0x1b6: {  	_ =	swait.ge [sflag:s30], $0x4000  }
0x1b7: {  	[sflag:s30] =	ssyncset.done $0x0  }
0x1b8: {  	s5 =	simm.s32 $0x1500;
	[sflag:s30] =	ssyncadd.s32 $0xFFFFC000  }
0x1b9: {  	[spmem:s2] =	stream.indirect.scatter.add.f32 [tilespmem:s25], [sflag:$0x4], $0x80, s5, s24, $0xb8;
	[tilespmem:$0x1E000] =	vst v63  }
0x1ba: {  	_ =	swait.ge [sflag:s22], $0x4000  }
0x1bb: {  	[sflag:s22] =	ssyncset.done $0x0  }
0x1bc: {  	s5 =	simm.s32 $0x600;
	[sflag:s22] =	ssyncadd.s32 $0xFFFFC000  }
0x1bd: {  	[tilespmem:s25], [sflag:$0x1] =	stream.indirect.gather [hbm4b:s4+s24], $0x80, s5, s24, $0xb8;
	[tilespmem:$0x1E000] =	vst v63  }
0x1be: {  	_ =	swait.ge [sflag:s0], $0x4000  }
0x1bf: {  	[sflag:s0] =	ssyncset.done $0x0  }
0x1c0: {  	s5 =	simm.s32 $0x1580;
	[sflag:s0] =	ssyncadd.s32 $0xFFFFC000  }
0x1c1: {  	[spmem:s2] =	stream.indirect.scatter.add.f32 [tilespmem:s29], [sflag:$0x4], $0x80, s5, s24, $0xb8;
	[tilespmem:$0x1E000] =	vst v63  }
0x1c2: {  	_ =	swait.ge [sflag:s22], $0x4000  }
0x1c3: {  	[sflag:s22] =	ssyncset.done $0x0  }
0x1c4: {  	s5 =	simm.s32 $0x680;
	[sflag:s22] =	ssyncadd.s32 $0xFFFFC000  }
0x1c5: {  	[tilespmem:s29], [sflag:$0x2] =	stream.indirect.gather [hbm4b:s4+s24], $0x80, s5, s24, $0xb8;
	[tilespmem:$0x1E000] =	vst v63  }
0x1c6: {  	_ =	swait.ge [sflag:s30], $0x4000  }
0x1c7: {  	[sflag:s30] =	ssyncset.done $0x0  }
0x1c8: {  	s5 =	simm.s32 $0x1600;
	[sflag:s30] =	ssyncadd.s32 $0xFFFFC000  }
0x1c9: {  	[spmem:s2] =	stream.indirect.scatter.add.f32 [tilespmem:s25], [sflag:$0x4], $0x80, s5, s24, $0xb8;
	[tilespmem:$0x1E000] =	vst v63  }
0x1ca: {  	_ =	swait.ge [sflag:s22], $0x4000  }
0x1cb: {  	[sflag:s22] =	ssyncset.done $0x0  }
0x1cc: {  	s5 =	simm.s32 $0x700;
	[sflag:s22] =	ssyncadd.s32 $0xFFFFC000  }
0x1cd: {  	[tilespmem:s25], [sflag:$0x1] =	stream.indirect.gather [hbm4b:s4+s24], $0x80, s5, s24, $0xb8;
	[tilespmem:$0x1E000] =	vst v63  }
0x1ce: {  	_ =	swait.ge [sflag:s0], $0x4000  }
0x1cf: {  	[sflag:s0] =	ssyncset.done $0x0  }
0x1d0: {  	s5 =	simm.s32 $0x1680;
	[sflag:s0] =	ssyncadd.s32 $0xFFFFC000  }
0x1d1: {  	[spmem:s2] =	stream.indirect.scatter.add.f32 [tilespmem:s29], [sflag:$0x4], $0x80, s5, s24, $0xb8;
	[tilespmem:$0x1E000] =	vst v63  }
0x1d2: {  	_ =	swait.ge [sflag:s22], $0x4000  }
0x1d3: {  	[sflag:s22] =	ssyncset.done $0x0  }
0x1d4: {  	s5 =	simm.s32 $0x780;
	[sflag:s22] =	ssyncadd.s32 $0xFFFFC000  }
0x1d5: {  	[tilespmem:s29], [sflag:$0x2] =	stream.indirect.gather [hbm4b:s4+s24], $0x80, s5, s24, $0xb8;
	[tilespmem:$0x1E000] =	vst v63  }
0x1d6: {  	_ =	swait.ge [sflag:s13], $0x800  }
0x1d7: {  	[sflag:s13] =	ssyncset.done $0x0  }
0x1d8: {  	[sflag:s13] =	ssyncadd.s32 $0xFFFFF800  }
0x1d9: {  	_ =	swait.ge [sflag:s13], $0x800  }
0x1da: {  	[sflag:s13] =	ssyncset.done $0x0  }
0x1db: {  	[sflag:s13] =	ssyncadd.s32 $0xFFFFF800  }
0x1dc: {  	_ =	swait.ge [sflag:s30], $0x4000  }
0x1dd: {  	[sflag:s30] =	ssyncset.done $0x0  }
0x1de: {  	[sflag:s30] =	ssyncadd.s32 $0xFFFFC000  }
0x1df: {  	[spmem:s2] =	stream.indirect.scatter.add.f32 [tilespmem:s25], [sflag:$0x4], $0x80, s7, s24, $0xb8;
	[tilespmem:$0x1E000] =	vst v63  }
0x1e0: {  	_ =	swait.ge [sflag:s22], $0x4000  }
0x1e1: {  	[sflag:s22] =	ssyncset.done $0x0  }
0x1e2: {  	[sflag:s22] =	ssyncadd.s32 $0xFFFFC000  }
0x1e3: {  	[tilespmem:s25], [sflag:$0x1] =	stream.indirect.gather [hbm4b:s4+s24], $0x80, s28, s24, $0xb8;
	[tilespmem:$0x1E000] =	vst v63  }
0x1e4: {  	_ =	swait.ge [sflag:s0], $0x4000  }
0x1e5: {  	[sflag:s0] =	ssyncset.done $0x0  }
0x1e6: {  	s5 =	simm.s32 $0x1780;
	[sflag:s0] =	ssyncadd.s32 $0xFFFFC000  }
0x1e7: {  	[spmem:s2] =	stream.indirect.scatter.add.f32 [tilespmem:s29], [sflag:$0x4], $0x80, s5, s24, $0xb8;
	[tilespmem:$0x1E000] =	vst v63  }
0x1e8: {  	_ =	swait.ge [sflag:s22], $0x4000  }
0x1e9: {  	[sflag:s22] =	ssyncset.done $0x0  }
0x1ea: {  	s17 =	simm.s32 $0x880;
	[sflag:s22] =	ssyncadd.s32 $0xFFFFC000  }
0x1eb: {  	[tilespmem:s29], [sflag:$0x2] =	stream.indirect.gather [hbm4b:s4+s24], $0x80, s17, s24, $0xb8;
	[tilespmem:$0x1E000] =	vst v63  }
0x1ec: {  	s17 =	rddreg [dreg:$0xc]  }
0x1ed: {  	[tilespmem:s3], [sflag:$0x3] =	stream.linear.gather [hbm4b:s17+s3], $0x800, $0x38;
	[tilespmem:$0x1E000] =	vst v63  }
0x1ee: {  	s17 =	rddreg [dreg:$0xd]  }
0x1ef: {  	[tilespmem:s1], [sflag:$0x3] =	stream.linear.gather [hbm4b:s17+s3], $0x800, $0x38;
	[tilespmem:$0x1E000] =	vst v63  }
0x1f0: {  	_ =	swait.ge [sflag:s30], $0x4000  }
0x1f1: {  	[sflag:s30] =	ssyncset.done $0x0  }
0x1f2: {  	s28 =	simm.s32 $0x1800;
	[sflag:s30] =	ssyncadd.s32 $0xFFFFC000  }
0x1f3: {  	[spmem:s2] =	stream.indirect.scatter.add.f32 [tilespmem:s25], [sflag:$0x4], $0x80, s28, s24, $0xb8;
	[tilespmem:$0x1E000] =	vst v63  }
0x1f4: {  	_ =	swait.ge [sflag:s22], $0x4000  }
0x1f5: {  	[sflag:s22] =	ssyncset.done $0x0  }
0x1f6: {  	[sflag:s22] =	ssyncadd.s32 $0xFFFFC000  }
0x1f7: {  	[tilespmem:s25], [sflag:$0x1] =	stream.indirect.gather [hbm4b:s4+s24], $0x80, s23, s24, $0xb8;
	[tilespmem:$0x1E000] =	vst v63  }
0x1f8: {  	_ =	swait.ge [sflag:s0], $0x4000  }
0x1f9: {  	[sflag:s0] =	ssyncset.done $0x0  }
0x1fa: {  	s17 =	simm.s32 $0x1880;
	[sflag:s0] =	ssyncadd.s32 $0xFFFFC000  }
0x1fb: {  	[spmem:s2] =	stream.indirect.scatter.add.f32 [tilespmem:s29], [sflag:$0x4], $0x80, s17, s24, $0xb8;
	[tilespmem:$0x1E000] =	vst v63  }
0x1fc: {  	_ =	swait.ge [sflag:s22], $0x4000  }
0x1fd: {  	[sflag:s22] =	ssyncset.done $0x0  }
0x1fe: {  	s17 =	simm.s32 $0x980;
	[sflag:s22] =	ssyncadd.s32 $0xFFFFC000  }
0x1ff: {  	[tilespmem:s29], [sflag:$0x2] =	stream.indirect.gather [hbm4b:s4+s24], $0x80, s17, s24, $0xb8;
	[tilespmem:$0x1E000] =	vst v63  }
0x200: {  	_ =	swait.ge [sflag:s30], $0x4000  }
0x201: {  	[sflag:s30] =	ssyncset.done $0x0  }
0x202: {  	s17 =	simm.s32 $0x1900;
	[sflag:s30] =	ssyncadd.s32 $0xFFFFC000  }
0x203: {  	[spmem:s2] =	stream.indirect.scatter.add.f32 [tilespmem:s25], [sflag:$0x4], $0x80, s17, s24, $0xb8;
	[tilespmem:$0x1E000] =	vst v63  }
0x204: {  	_ =	swait.ge [sflag:s22], $0x4000  }
0x205: {  	[sflag:s22] =	ssyncset.done $0x0  }
0x206: {  	[sflag:s22] =	ssyncadd.s32 $0xFFFFC000  }
0x207: {  	[tilespmem:s25], [sflag:$0x1] =	stream.indirect.gather [hbm4b:s4+s24], $0x80, s12, s24, $0xb8;
	[tilespmem:$0x1E000] =	vst v63  }
0x208: {  	_ =	swait.ge [sflag:s0], $0x4000  }
0x209: {  	[sflag:s0] =	ssyncset.done $0x0  }
0x20a: {  	[sflag:s0] =	ssyncadd.s32 $0xFFFFC000  }
0x20b: {  	[spmem:s2] =	stream.indirect.scatter.add.f32 [tilespmem:s29], [sflag:$0x4], $0x80, s14, s24, $0xb8;
	[tilespmem:$0x1E000] =	vst v63  }
0x20c: {  	_ =	swait.ge [sflag:s22], $0x4000  }
0x20d: {  	[sflag:s22] =	ssyncset.done $0x0  }
0x20e: {  	[sflag:s22] =	ssyncadd.s32 $0xFFFFC000  }
0x20f: {  	[tilespmem:s29], [sflag:$0x2] =	stream.indirect.gather [hbm4b:s4+s24], $0x80, s15, s24, $0xb8;
	[tilespmem:$0x1E000] =	vst v63  }
0x210: {  	_ =	swait.ge [sflag:s30], $0x4000  }
0x211: {  	[sflag:s30] =	ssyncset.done $0x0  }
0x212: {  	[sflag:s30] =	ssyncadd.s32 $0xFFFFC000  }
0x213: {  	[spmem:s2] =	stream.indirect.scatter.add.f32 [tilespmem:s25], [sflag:$0x4], $0x80, s21, s24, $0xb8;
	[tilespmem:$0x1E000] =	vst v63  }
0x214: {  	_ =	swait.ge [sflag:s22], $0x4000  }
0x215: {  	[sflag:s22] =	ssyncset.done $0x0  }
0x216: {  	[sflag:s22] =	ssyncadd.s32 $0xFFFFC000  }
0x217: {  	[tilespmem:s25], [sflag:$0x1] =	stream.indirect.gather [hbm4b:s4+s24], $0x80, s26, s24, $0xb8;
	[tilespmem:$0x1E000] =	vst v63  }
0x218: {  	_ =	swait.ge [sflag:s0], $0x4000  }
0x219: {  	[sflag:s0] =	ssyncset.done $0x0  }
0x21a: {  	[sflag:s0] =	ssyncadd.s32 $0xFFFFC000  }
0x21b: {  	[spmem:s2] =	stream.indirect.scatter.add.f32 [tilespmem:s29], [sflag:$0x4], $0x80, s31, s24, $0xb8;
	[tilespmem:$0x1E000] =	vst v63  }
0x21c: {  	_ =	swait.ge [sflag:s22], $0x4000  }
0x21d: {  	[sflag:s22] =	ssyncset.done $0x0  }
0x21e: {  	s17 =	simm.s32 $0xB80;
	[sflag:s22] =	ssyncadd.s32 $0xFFFFC000  }
0x21f: {  	[tilespmem:s29], [sflag:$0x2] =	stream.indirect.gather [hbm4b:s4+s24], $0x80, s17, s24, $0xb8;
	[tilespmem:$0x1E000] =	vst v63  }
0x220: {  	_ =	swait.ge [sflag:s30], $0x4000  }
0x221: {  	[sflag:s30] =	ssyncset.done $0x0  }
0x222: {  	[sflag:s30] =	ssyncadd.s32 $0xFFFFC000  }
0x223: {  	[spmem:s2] =	stream.indirect.scatter.add.f32 [tilespmem:s25], [sflag:$0x4], $0x80, s6, s24, $0xb8;
	[tilespmem:$0x1E000] =	vst v63  }
0x224: {  	_ =	swait.ge [sflag:s22], $0x4000  }
0x225: {  	[sflag:s22] =	ssyncset.done $0x0  }
0x226: {  	[sflag:s22] =	ssyncadd.s32 $0xFFFFC000  }
0x227: {  	[tilespmem:s25], [sflag:$0x1] =	stream.indirect.gather [hbm4b:s4+s24], $0x80, s18, s24, $0xb8;
	[tilespmem:$0x1E000] =	vst v63  }
0x228: {  	_ =	swait.ge [sflag:s0], $0x4000  }
0x229: {  	[sflag:s0] =	ssyncset.done $0x0  }
0x22a: {  	[sflag:s0] =	ssyncadd.s32 $0xFFFFC000  }
0x22b: {  	[spmem:s2] =	stream.indirect.scatter.add.f32 [tilespmem:s29], [sflag:$0x4], $0x80, s19, s24, $0xb8;
	[tilespmem:$0x1E000] =	vst v63  }
0x22c: {  	_ =	swait.ge [sflag:s22], $0x4000  }
0x22d: {  	[sflag:s22] =	ssyncset.done $0x0  }
0x22e: {  	[sflag:s22] =	ssyncadd.s32 $0xFFFFC000  }
0x22f: {  	[tilespmem:s29], [sflag:$0x2] =	stream.indirect.gather [hbm4b:s4+s24], $0x80, s20, s24, $0xb8;
	[tilespmem:$0x1E000] =	vst v63  }
0x230: {  	_ =	swait.ge [sflag:s30], $0x4000  }
0x231: {  	[sflag:s30] =	ssyncset.done $0x0  }
0x232: {  	s18 =	simm.s32 $0x1C00;
	[sflag:s30] =	ssyncadd.s32 $0xFFFFC000  }
0x233: {  	[spmem:s2] =	stream.indirect.scatter.add.f32 [tilespmem:s25], [sflag:$0x4], $0x80, s18, s24, $0xb8;
	[tilespmem:$0x1E000] =	vst v63  }
0x234: {  	_ =	swait.ge [sflag:s22], $0x4000  }
0x235: {  	[sflag:s22] =	ssyncset.done $0x0  }
0x236: {  	s19 =	simm.s32 $0xD00;
	[sflag:s22] =	ssyncadd.s32 $0xFFFFC000  }
0x237: {  	[tilespmem:s25], [sflag:$0x1] =	stream.indirect.gather [hbm4b:s4+s24], $0x80, s19, s24, $0xb8;
	[tilespmem:$0x1E000] =	vst v63  }
0x238: {  	_ =	swait.ge [sflag:s0], $0x4000  }
0x239: {  	[sflag:s0] =	ssyncset.done $0x0  }
0x23a: {  	s20 =	simm.s32 $0x1C80;
	[sflag:s0] =	ssyncadd.s32 $0xFFFFC000  }
0x23b: {  	[spmem:s2] =	stream.indirect.scatter.add.f32 [tilespmem:s29], [sflag:$0x4], $0x80, s20, s24, $0xb8;
	[tilespmem:$0x1E000] =	vst v63  }
0x23c: {  	_ =	swait.ge [sflag:s22], $0x4000  }
0x23d: {  	[sflag:s22] =	ssyncset.done $0x0  }
0x23e: {  	s17 =	simm.s32 $0xD80;
	[sflag:s22] =	ssyncadd.s32 $0xFFFFC000  }
0x23f: {  	[tilespmem:s29], [sflag:$0x2] =	stream.indirect.gather [hbm4b:s4+s24], $0x80, s17, s24, $0xb8;
	[tilespmem:$0x1E000] =	vst v63  }
0x240: {  	_ =	swait.ge [sflag:s30], $0x4000  }
0x241: {  	[sflag:s30] =	ssyncset.done $0x0  }
0x242: {  	s18 =	simm.s32 $0x1D00;
	[sflag:s30] =	ssyncadd.s32 $0xFFFFC000  }
0x243: {  	[spmem:s2] =	stream.indirect.scatter.add.f32 [tilespmem:s25], [sflag:$0x4], $0x80, s18, s24, $0xb8;
	[tilespmem:$0x1E000] =	vst v63  }
0x244: {  	_ =	swait.ge [sflag:s22], $0x4000  }
0x245: {  	[sflag:s22] =	ssyncset.done $0x0  }
0x246: {  	s19 =	simm.s32 $0xE00;
	[sflag:s22] =	ssyncadd.s32 $0xFFFFC000  }
0x247: {  	[tilespmem:s25], [sflag:$0x1] =	stream.indirect.gather [hbm4b:s4+s24], $0x80, s19, s24, $0xb8;
	[tilespmem:$0x1E000] =	vst v63  }
0x248: {  	_ =	swait.ge [sflag:s0], $0x4000  }
0x249: {  	[sflag:s0] =	ssyncset.done $0x0  }
0x24a: {  	s20 =	simm.s32 $0x1D80;
	[sflag:s0] =	ssyncadd.s32 $0xFFFFC000  }
0x24b: {  	[spmem:s2] =	stream.indirect.scatter.add.f32 [tilespmem:s29], [sflag:$0x4], $0x80, s20, s24, $0xb8;
	[tilespmem:$0x1E000] =	vst v63  }
0x24c: {  	_ =	swait.ge [sflag:s22], $0x4000  }
0x24d: {  	[sflag:s22] =	ssyncset.done $0x0  }
0x24e: {  	s17 =	simm.s32 $0xE80;
	[sflag:s22] =	ssyncadd.s32 $0xFFFFC000  }
0x24f: {  	[tilespmem:s29], [sflag:$0x2] =	stream.indirect.gather [hbm4b:s4+s24], $0x80, s17, s24, $0xb8;
	[tilespmem:$0x1E000] =	vst v63  }
0x250: {  	_ =	swait.ge [sflag:s30], $0x4000  }
0x251: {  	[sflag:s30] =	ssyncset.done $0x0  }
0x252: {  	s18 =	simm.s32 $0x1E00;
	[sflag:s30] =	ssyncadd.s32 $0xFFFFC000  }
0x253: {  	[spmem:s2] =	stream.indirect.scatter.add.f32 [tilespmem:s25], [sflag:$0x4], $0x80, s18, s24, $0xb8;
	[tilespmem:$0x1E000] =	vst v63  }
0x254: {  	_ =	swait.ge [sflag:s22], $0x4000  }
0x255: {  	[sflag:s22] =	ssyncset.done $0x0  }
0x256: {  	s19 =	simm.s32 $0xF00;
	[sflag:s22] =	ssyncadd.s32 $0xFFFFC000  }
0x257: {  	[tilespmem:s25], [sflag:$0x1] =	stream.indirect.gather [hbm4b:s4+s24], $0x80, s19, s24, $0xb8;
	[tilespmem:$0x1E000] =	vst v63  }
0x258: {  	_ =	swait.ge [sflag:s0], $0x4000  }
0x259: {  	[sflag:s0] =	ssyncset.done $0x0  }
0x25a: {  	s20 =	simm.s32 $0x1E80;
	[sflag:s0] =	ssyncadd.s32 $0xFFFFC000  }
0x25b: {  	[spmem:s2] =	stream.indirect.scatter.add.f32 [tilespmem:s29], [sflag:$0x4], $0x80, s20, s24, $0xb8;
	[tilespmem:$0x1E000] =	vst v63  }
0x25c: {  	_ =	swait.ge [sflag:s22], $0x4000  }
0x25d: {  	[sflag:s22] =	ssyncset.done $0x0  }
0x25e: {  	s17 =	simm.s32 $0xF80;
	[sflag:s22] =	ssyncadd.s32 $0xFFFFC000  }
0x25f: {  	[tilespmem:s29], [sflag:$0x2] =	stream.indirect.gather [hbm4b:s4+s24], $0x80, s17, s24, $0xb8;
	[tilespmem:$0x1E000] =	vst v63  }
0x260: {  	_ =	swait.ge [sflag:s13], $0x800  }
0x261: {  	[sflag:s13] =	ssyncset.done $0x0  }
0x262: {  	[sflag:s13] =	ssyncadd.s32 $0xFFFFF800  }
0x263: {  	_ =	swait.ge [sflag:s13], $0x800  }
0x264: {  	[sflag:s13] =	ssyncset.done $0x0  }
0x265: {  	[sflag:s13] =	ssyncadd.s32 $0xFFFFF800  }
0x266: {  	_ =	swait.ge [sflag:s30], $0x4000  }
0x267: {  	[sflag:s30] =	ssyncset.done $0x0  }
0x268: {  	s18 =	simm.s32 $0x1F00;
	[sflag:s30] =	ssyncadd.s32 $0xFFFFC000  }
0x269: {  	[spmem:s2] =	stream.indirect.scatter.add.f32 [tilespmem:s25], [sflag:$0x4], $0x80, s18, s24, $0xb8;
	[tilespmem:$0x1E000] =	vst v63  }
0x26a: {  	_ =	swait.ge [sflag:s22], $0x4000  }
0x26b: {  	[sflag:s22] =	ssyncset.done $0x0  }
0x26c: {  	[sflag:s22] =	ssyncadd.s32 $0xFFFFC000  }
0x26d: {  	[tilespmem:s25], [sflag:$0x1] =	stream.indirect.gather [hbm4b:s4+s24], $0x80, s3, s24, $0xb8;
	[tilespmem:$0x1E000] =	vst v63  }
0x26e: {  	_ =	swait.ge [sflag:s0], $0x4000  }
0x26f: {  	[sflag:s0] =	ssyncset.done $0x0  }
0x270: {  	s19 =	simm.s32 $0x1F80;
	[sflag:s0] =	ssyncadd.s32 $0xFFFFC000  }
0x271: {  	[spmem:s2] =	stream.indirect.scatter.add.f32 [tilespmem:s29], [sflag:$0x4], $0x80, s19, s24, $0xb8;
	[tilespmem:$0x1E000] =	vst v63  }
0x272: {  	_ =	swait.ge [sflag:s22], $0x4000  }
0x273: {  	[sflag:s22] =	ssyncset.done $0x0  }
0x274: {  	[sflag:s22] =	ssyncadd.s32 $0xFFFFC000  }
0x275: {  	[tilespmem:s29], [sflag:$0x2] =	stream.indirect.gather [hbm4b:s4+s24], $0x80, s24, s24, $0xb8;
	[tilespmem:$0x1E000] =	vst v63  }
0x276: {  	_ =	swait.ge [sflag:s30], $0x4000  }
0x277: {  	[sflag:s30] =	ssyncset.done $0x0  }
0x278: {  	s6 =	simm.s32 $0x1000;
	[sflag:s30] =	ssyncadd.s32 $0xFFFFC000  }
0x279: {  	[spmem:s2] =	stream.indirect.scatter.add.f32 [tilespmem:s25], [sflag:$0x4], $0x80, s6, s24, $0xb8;
	[tilespmem:$0x1E000] =	vst v63  }
0x27a: {  	_ =	swait.ge [sflag:s22], $0x4000  }
0x27b: {  	[sflag:s22] =	ssyncset.done $0x0  }
0x27c: {  	s20 =	simm.s32 $0x100;
	[sflag:s22] =	ssyncadd.s32 $0xFFFFC000  }
0x27d: {  	[tilespmem:s25], [sflag:$0x1] =	stream.indirect.gather [hbm4b:s4+s24], $0x80, s20, s24, $0xb8;
	[tilespmem:$0x1E000] =	vst v63  }
0x27e: {  	_ =	swait.ge [sflag:s0], $0x4000  }
0x27f: {  	[sflag:s0] =	ssyncset.done $0x0  }
0x280: {  	[sflag:s0] =	ssyncadd.s32 $0xFFFFC000  }
0x281: {  	[spmem:s2] =	stream.indirect.scatter.add.f32 [tilespmem:s29], [sflag:$0x4], $0x80, s10, s24, $0xb8;
	[tilespmem:$0x1E000] =	vst v63  }
0x282: {  	_ =	swait.ge [sflag:s22], $0x4000  }
0x283: {  	[sflag:s22] =	ssyncset.done $0x0  }
0x284: {  	[sflag:s22] =	ssyncadd.s32 $0xFFFFC000  }
0x285: {  	[tilespmem:s29], [sflag:$0x2] =	stream.indirect.gather [hbm4b:s4+s24], $0x80, s11, s24, $0xb8;
	[tilespmem:$0x1E000] =	vst v63  }
0x286: {  	_ =	swait.ge [sflag:s30], $0x4000  }
0x287: {  	[sflag:s30] =	ssyncset.done $0x0  }
0x288: {  	[sflag:s30] =	ssyncadd.s32 $0xFFFFC000  }
0x289: {  	[spmem:s2] =	stream.indirect.scatter.add.f32 [tilespmem:s25], [sflag:$0x4], $0x80, s8, s24, $0xb8;
	[tilespmem:$0x1E000] =	vst v63  }
0x28a: {  	_ =	swait.ge [sflag:s22], $0x4000  }
0x28b: {  	[sflag:s22] =	ssyncset.done $0x0  }
0x28c: {  	[sflag:s22] =	ssyncadd.s32 $0xFFFFC000  }
0x28d: {  	[tilespmem:s25], [sflag:$0x1] =	stream.indirect.gather [hbm4b:s4+s24], $0x80, s9, s24, $0xb8;
	[tilespmem:$0x1E000] =	vst v63  }
0x28e: {  	_ =	swait.ge [sflag:s0], $0x4000  }
0x28f: {  	[sflag:s0] =	ssyncset.done $0x0  }
0x290: {  	s17 =	simm.s32 $0x1180;
	[sflag:s0] =	ssyncadd.s32 $0xFFFFC000  }
0x291: {  	[spmem:s2] =	stream.indirect.scatter.add.f32 [tilespmem:s29], [sflag:$0x4], $0x80, s17, s24, $0xb8;
	[tilespmem:$0x1E000] =	vst v63  }
0x292: {  	_ =	swait.ge [sflag:s22], $0x4000  }
0x293: {  	[sflag:s22] =	ssyncset.done $0x0  }
0x294: {  	s18 =	simm.s32 $0x280;
	[sflag:s22] =	ssyncadd.s32 $0xFFFFC000  }
0x295: {  	[tilespmem:s29], [sflag:$0x2] =	stream.indirect.gather [hbm4b:s4+s24], $0x80, s18, s24, $0xb8;
	[tilespmem:$0x1E000] =	vst v63  }
0x296: {  	_ =	swait.ge [sflag:s30], $0x4000  }
0x297: {  	[sflag:s30] =	ssyncset.done $0x0  }
0x298: {  	s19 =	simm.s32 $0x1200;
	[sflag:s30] =	ssyncadd.s32 $0xFFFFC000  }
0x299: {  	[spmem:s2] =	stream.indirect.scatter.add.f32 [tilespmem:s25], [sflag:$0x4], $0x80, s19, s24, $0xb8;
	[tilespmem:$0x1E000] =	vst v63  }
0x29a: {  	_ =	swait.ge [sflag:s22], $0x4000  }
0x29b: {  	[sflag:s22] =	ssyncset.done $0x0  }
0x29c: {  	s20 =	simm.s32 $0x300;
	[sflag:s22] =	ssyncadd.s32 $0xFFFFC000  }
0x29d: {  	[tilespmem:s25], [sflag:$0x1] =	stream.indirect.gather [hbm4b:s4+s24], $0x80, s20, s24, $0xb8;
	[tilespmem:$0x1E000] =	vst v63  }
0x29e: {  	_ =	swait.ge [sflag:s0], $0x4000  }
0x29f: {  	[sflag:s0] =	ssyncset.done $0x0  }
0x2a0: {  	s9 =	simm.s32 $0x1280;
	[sflag:s0] =	ssyncadd.s32 $0xFFFFC000  }
0x2a1: {  	[spmem:s2] =	stream.indirect.scatter.add.f32 [tilespmem:s29], [sflag:$0x4], $0x80, s9, s24, $0xb8;
	[tilespmem:$0x1E000] =	vst v63  }
0x2a2: {  	_ =	swait.ge [sflag:s22], $0x4000  }
0x2a3: {  	[sflag:s22] =	ssyncset.done $0x0  }
0x2a4: {  	s17 =	simm.s32 $0x380;
	[sflag:s22] =	ssyncadd.s32 $0xFFFFC000  }
0x2a5: {  	[tilespmem:s29], [sflag:$0x2] =	stream.indirect.gather [hbm4b:s4+s24], $0x80, s17, s24, $0xb8;
	[tilespmem:$0x1E000] =	vst v63  }
0x2a6: {  	_ =	swait.ge [sflag:s30], $0x4000  }
0x2a7: {  	[sflag:s30] =	ssyncset.done $0x0  }
0x2a8: {  	s18 =	simm.s32 $0x1300;
	[sflag:s30] =	ssyncadd.s32 $0xFFFFC000  }
0x2a9: {  	[spmem:s2] =	stream.indirect.scatter.add.f32 [tilespmem:s25], [sflag:$0x4], $0x80, s18, s24, $0xb8;
	[tilespmem:$0x1E000] =	vst v63  }
0x2aa: {  	_ =	swait.ge [sflag:s22], $0x4000  }
0x2ab: {  	[sflag:s22] =	ssyncset.done $0x0  }
0x2ac: {  	s19 =	simm.s32 $0x400;
	[sflag:s22] =	ssyncadd.s32 $0xFFFFC000  }
0x2ad: {  	[tilespmem:s25], [sflag:$0x1] =	stream.indirect.gather [hbm4b:s4+s24], $0x80, s19, s24, $0xb8;
	[tilespmem:$0x1E000] =	vst v63  }
0x2ae: {  	_ =	swait.ge [sflag:s0], $0x4000  }
0x2af: {  	[sflag:s0] =	ssyncset.done $0x0  }
0x2b0: {  	s20 =	simm.s32 $0x1380;
	[sflag:s0] =	ssyncadd.s32 $0xFFFFC000  }
0x2b1: {  	[spmem:s2] =	stream.indirect.scatter.add.f32 [tilespmem:s29], [sflag:$0x4], $0x80, s20, s24, $0xb8;
	[tilespmem:$0x1E000] =	vst v63  }
0x2b2: {  	_ =	swait.ge [sflag:s22], $0x4000  }
0x2b3: {  	[sflag:s22] =	ssyncset.done $0x0  }
0x2b4: {  	s9 =	simm.s32 $0x480;
	[sflag:s22] =	ssyncadd.s32 $0xFFFFC000  }
0x2b5: {  	[tilespmem:s29], [sflag:$0x2] =	stream.indirect.gather [hbm4b:s4+s24], $0x80, s9, s24, $0xb8;
	[tilespmem:$0x1E000] =	vst v63  }
0x2b6: {  	_ =	swait.ge [sflag:s30], $0x4000  }
0x2b7: {  	[sflag:s30] =	ssyncset.done $0x0  }
0x2b8: {  	s17 =	simm.s32 $0x1400;
	[sflag:s30] =	ssyncadd.s32 $0xFFFFC000  }
0x2b9: {  	[spmem:s2] =	stream.indirect.scatter.add.f32 [tilespmem:s25], [sflag:$0x4], $0x80, s17, s24, $0xb8;
	[tilespmem:$0x1E000] =	vst v63  }
0x2ba: {  	_ =	swait.ge [sflag:s22], $0x4000  }
0x2bb: {  	[sflag:s22] =	ssyncset.done $0x0  }
0x2bc: {  	s18 =	simm.s32 $0x500;
	[sflag:s22] =	ssyncadd.s32 $0xFFFFC000  }
0x2bd: {  	[tilespmem:s25], [sflag:$0x1] =	stream.indirect.gather [hbm4b:s4+s24], $0x80, s18, s24, $0xb8;
	[tilespmem:$0x1E000] =	vst v63  }
0x2be: {  	_ =	swait.ge [sflag:s0], $0x4000  }
0x2bf: {  	[sflag:s0] =	ssyncset.done $0x0  }
0x2c0: {  	s19 =	simm.s32 $0x1480;
	[sflag:s0] =	ssyncadd.s32 $0xFFFFC000  }
0x2c1: {  	[spmem:s2] =	stream.indirect.scatter.add.f32 [tilespmem:s29], [sflag:$0x4], $0x80, s19, s24, $0xb8;
	[tilespmem:$0x1E000] =	vst v63  }
0x2c2: {  	_ =	swait.ge [sflag:s22], $0x4000  }
0x2c3: {  	[sflag:s22] =	ssyncset.done $0x0  }
0x2c4: {  	s20 =	simm.s32 $0x580;
	[sflag:s22] =	ssyncadd.s32 $0xFFFFC000  }
0x2c5: {  	[tilespmem:s29], [sflag:$0x2] =	stream.indirect.gather [hbm4b:s4+s24], $0x80, s20, s24, $0xb8;
	[tilespmem:$0x1E000] =	vst v63  }
0x2c6: {  	_ =	swait.ge [sflag:s30], $0x4000  }
0x2c7: {  	[sflag:s30] =	ssyncset.done $0x0  }
0x2c8: {  	s9 =	simm.s32 $0x1500;
	[sflag:s30] =	ssyncadd.s32 $0xFFFFC000  }
0x2c9: {  	[spmem:s2] =	stream.indirect.scatter.add.f32 [tilespmem:s25], [sflag:$0x4], $0x80, s9, s24, $0xb8;
	[tilespmem:$0x1E000] =	vst v63  }
0x2ca: {  	_ =	swait.ge [sflag:s22], $0x4000  }
0x2cb: {  	[sflag:s22] =	ssyncset.done $0x0  }
0x2cc: {  	s17 =	simm.s32 $0x600;
	[sflag:s22] =	ssyncadd.s32 $0xFFFFC000  }
0x2cd: {  	[tilespmem:s25], [sflag:$0x1] =	stream.indirect.gather [hbm4b:s4+s24], $0x80, s17, s24, $0xb8;
	[tilespmem:$0x1E000] =	vst v63  }
0x2ce: {  	_ =	swait.ge [sflag:s0], $0x4000  }
0x2cf: {  	[sflag:s0] =	ssyncset.done $0x0  }
0x2d0: {  	s18 =	simm.s32 $0x1580;
	[sflag:s0] =	ssyncadd.s32 $0xFFFFC000  }
0x2d1: {  	[spmem:s2] =	stream.indirect.scatter.add.f32 [tilespmem:s29], [sflag:$0x4], $0x80, s18, s24, $0xb8;
	[tilespmem:$0x1E000] =	vst v63  }
0x2d2: {  	_ =	swait.ge [sflag:s22], $0x4000  }
0x2d3: {  	[sflag:s22] =	ssyncset.done $0x0  }
0x2d4: {  	s19 =	simm.s32 $0x680;
	[sflag:s22] =	ssyncadd.s32 $0xFFFFC000  }
0x2d5: {  	[tilespmem:s29], [sflag:$0x2] =	stream.indirect.gather [hbm4b:s4+s24], $0x80, s19, s24, $0xb8;
	[tilespmem:$0x1E000] =	vst v63  }
0x2d6: {  	_ =	swait.ge [sflag:s30], $0x4000  }
0x2d7: {  	[sflag:s30] =	ssyncset.done $0x0  }
0x2d8: {  	s20 =	simm.s32 $0x1600;
	[sflag:s30] =	ssyncadd.s32 $0xFFFFC000  }
0x2d9: {  	[spmem:s2] =	stream.indirect.scatter.add.f32 [tilespmem:s25], [sflag:$0x4], $0x80, s20, s24, $0xb8;
	[tilespmem:$0x1E000] =	vst v63  }
0x2da: {  	_ =	swait.ge [sflag:s22], $0x4000  }
0x2db: {  	[sflag:s22] =	ssyncset.done $0x0  }
0x2dc: {  	s9 =	simm.s32 $0x700;
	[sflag:s22] =	ssyncadd.s32 $0xFFFFC000  }
0x2dd: {  	[tilespmem:s25], [sflag:$0x1] =	stream.indirect.gather [hbm4b:s4+s24], $0x80, s9, s24, $0xb8;
	[tilespmem:$0x1E000] =	vst v63  }
0x2de: {  	_ =	swait.ge [sflag:s0], $0x4000  }
0x2df: {  	[sflag:s0] =	ssyncset.done $0x0  }
0x2e0: {  	s17 =	simm.s32 $0x1680;
	[sflag:s0] =	ssyncadd.s32 $0xFFFFC000  }
0x2e1: {  	[spmem:s2] =	stream.indirect.scatter.add.f32 [tilespmem:s29], [sflag:$0x4], $0x80, s17, s24, $0xb8;
	[tilespmem:$0x1E000] =	vst v63  }
0x2e2: {  	_ =	swait.ge [sflag:s22], $0x4000  }
0x2e3: {  	[sflag:s22] =	ssyncset.done $0x0  }
0x2e4: {  	s18 =	simm.s32 $0x780;
	[sflag:s22] =	ssyncadd.s32 $0xFFFFC000  }
0x2e5: {  	[tilespmem:s29], [sflag:$0x2] =	stream.indirect.gather [hbm4b:s4+s24], $0x80, s18, s24, $0xb8;
	[tilespmem:$0x1E000] =	vst v63  }
0x2e6: {  	_ =	swait.ge [sflag:s30], $0x4000  }
0x2e7: {  	[sflag:s30] =	ssyncset.done $0x0  }
0x2e8: {  	[sflag:s30] =	ssyncadd.s32 $0xFFFFC000  }
0x2e9: {  	[spmem:s2] =	stream.indirect.scatter.add.f32 [tilespmem:s25], [sflag:$0x4], $0x80, s7, s24, $0xb8;
	[tilespmem:$0x1E000] =	vst v63  }
0x2ea: {  	_ =	swait.ge [sflag:s22], $0x4000  }
0x2eb: {  	[sflag:s22] =	ssyncset.done $0x0  }
0x2ec: {  	[sflag:s22] =	ssyncadd.s32 $0xFFFFC000  }
0x2ed: {  	_ =	swait.ge [sflag:s0], $0x4000  }
0x2ee: {  	[sflag:s0] =	ssyncset.done $0x0  }
0x2ef: {  	[sflag:s0] =	ssyncadd.s32 $0xFFFFC000  }
0x2f0: {  	[spmem:s2] =	stream.indirect.scatter.add.f32 [tilespmem:s29], [sflag:$0x4], $0x80, s5, s24, $0xb8;
	[tilespmem:$0x1E000] =	vst v63  }
0x2f1: {  	_ =	swait.ge [sflag:s22], $0x4000  }
0x2f2: {  	[sflag:s22] =	ssyncset.done $0x0  }
0x2f3: {  	[sflag:s22] =	ssyncadd.s32 $0xFFFFC000  }
0x2f4: {  	s19 =	stileid.u32;
	[bflag:$0x0] =	sbarrier.arrive $0xFFFF  }
0x2f5: {  	s17 =	sshll.u32 s19, $0x6;
	s20 =	rddreg [dreg:$0x14]  }
0x2f6: {  	s17 =	sor.u32 $0x1C04, s17;
	s9 =	rddreg [dreg:$0xe];
	s8 =	sshrl.u32 s20, $0x3  }
0x2f7: {  	[hbm:s9], [sflag:s17] =	dma.local [spmem:s8], $0x2800  }
0x2f8: {  	_ =	swait.ge [sflag:s22], $0x2800  }
0x2f9: {  	s16 =	sadd.s32 $0x1, s16;
	s20 =	rddreg [dreg:$0xf]  }
0x2fa: {  	p0 =	sne.s32 s16, s20  }
.Ltmp1:
0x2fb: {  	_ = 	snop;
	(pc) =	sbr.rel @p0 .LBB2_1-.Ltmp1, $3  }
0x2fc: {  	_ =	sdelay $0x1  }
0x2fd: {  	[sflag:s22] =	ssyncset.done $0x0  }
0x2fe: {  	s1 =	simm.s32 $0x800;
	[sflag:s22] =	ssyncadd.s32 $0xFFFFD800  }
0x2ff: {  	_ =	sfence.sel $0x180000  }
0x300: {  	[bflag:$0x0] =	sbarrier.arrive $0xFFFF  }
0x301: {  	_ =	strace $0x90000047  }
0x302: {  	s0 =	stileid.u32;
	[bflag:$0x2] =	sbarrier.arrive $0xFFFF  }
0x303: {  	p0 =	sne.s32 s0, $0x0;
	s0 =	rddreg [dreg:$0x3]  }
0x304: {  	s0 =	sadd.s32 @!p0 $0x100000, s0  }
0x305: {  	[sflag:s0] =	ssyncadd.tile.s32 @!p0 $0x1;
	_ =	shalt  }
.Lfunc_end2:
_tile_overlayer_lowered:
.L_overlay_start_2:
0x306: {  	(tag) =	ssettag $0x2  }
0x307: {  	s0 =	rddreg [dreg:$0x0];
	s2 =	stileid.u32  }
0x308: {  	s1 =	rddreg [dreg:$0x1];
	p0 =	sne.s32 s2, $0x0  }
0x309: {  	s3 =	rddreg [dreg:$0x2];
	[bflag:$0x3] =	sbarrier.arrive $0xFFFF;
	s2 =	simm.s32 @!p0 $0x1C04  }
0x30a: {  	[timem:s3], [sflag:s2] =	dma.local @!p0 [hbm:s0], s1  }
0x30b: {  	s0 =	simm.s32 @!p0 $0x4  }
0x30c: {  	_ =	swait.ge @!p0 [sflag:s0], s1  }
0x30d: {  	s1 =	ssub.s32 @!p0 $0x0, s1;
	[sflag:s0] =	ssyncset.done @!p0 $0x0  }
0x30e: {  	[sflag:s0] =	ssyncadd.s32 @!p0 s1  }
0x30f: {  	[bflag:$0x3] =	sbarrier.arrive $0xFFFF  }
0x310: {  	_ =	shalt  }

</sc_bundles>
